<compile_context>
chip_gen: v7x
topology: tpu7x:2x2x1
jax: 0.10.2.dev20260603
libtpu: 0.0.44.dev20260713+nightly
codegen_flags: <defaults>
</compile_context>

<pallas_src>
import functools

import jax
import jax.numpy as jnp
from jax import lax
from jax.experimental import pallas as pl
from jax.experimental.pallas import tpu as pltpu
from jax.experimental.pallas import tpu_sc as plsc

_N = 4 * 512 * 512
_LANES = 128
_ROWS = _N // _LANES
_BR = 256
_GRID = _ROWS // _BR
_NBINS = 128
_NLEV = 4
_PAD = 64
_DUMP_P = -1.0e30
_NW = 32
_BPW = _N // _NW


def _pass_a(x_ref, t_ref, stats_ref, negb_ref, z_ref):
    step = pl.program_id(0)
    x = x_ref[...]
    t = t_ref[...]
    neg = t == 0.0
    negf = jnp.where(neg, 1.0, 0.0)
    posf = 1.0 - negf
    sig = 1.0 / (1.0 + jnp.exp(-x))
    bce = jnp.maximum(x, 0.0) - x * t + jnp.log1p(jnp.exp(-jnp.abs(x)))

    @pl.when(step == 0)
    def _():
        stats_ref[...] = jnp.zeros_like(stats_ref)
        stats_ref[3:4, :] = jnp.full((1, _LANES), jnp.inf, jnp.float32)
        stats_ref[4:5, :] = jnp.full((1, _LANES), -jnp.inf, jnp.float32)

    stats_ref[0:1, :] += jnp.sum(posf, axis=0, keepdims=True)
    stats_ref[1:2, :] += jnp.sum(posf * sig, axis=0, keepdims=True)
    stats_ref[2:3, :] += jnp.sum(posf * bce, axis=0, keepdims=True)
    stats_ref[3:4, :] = jnp.minimum(
        stats_ref[3:4, :], jnp.min(jnp.where(neg, x, jnp.inf), axis=0, keepdims=True))
    stats_ref[4:5, :] = jnp.maximum(
        stats_ref[4:5, :], jnp.max(jnp.where(neg, x, -jnp.inf), axis=0, keepdims=True))
    negb_ref[...] = jnp.sum(negf, axis=0, keepdims=True).reshape(1, 1, _LANES)
    zi = lax.bitcast_convert_type(x, jnp.int32)
    z_ref[...] = (zi & jnp.int32(-2)) | t.astype(jnp.int32)


def _pass_h(x_ref, t_ref, prm_ref, hist_ref):
    step = pl.program_id(0)
    x = x_ref[...]
    t = t_ref[...]
    lo = prm_ref[0, 0]
    inv_w = prm_ref[0, 1]
    e = jnp.where(t == 0.0, jnp.floor((x - lo) * inv_w), -1.0)

    @pl.when(step == 0)
    def _():
        hist_ref[...] = jnp.zeros_like(hist_ref)

    for b in range(_NBINS):
        row = jnp.sum(jnp.where(e == float(b), 1.0, 0.0), axis=0, keepdims=True)
        hist_ref[b:b + 1, :] += row


def _pass_s(x_ref, t_ref, prm_ref, addr_ref):
    x = x_ref[...]
    t = t_ref[...]
    neg_off = prm_ref[0, 0, 0]
    lo4 = prm_ref[0, 0, 1]
    neg = t == 0.0
    negf = jnp.where(neg, 1.0, 0.0)
    sel = neg & (x >= lo4)
    ci = lax.broadcasted_iota(jnp.int32, (_LANES, _LANES), 0)
    cj = lax.broadcasted_iota(jnp.int32, (_LANES, _LANES), 1)
    triu = jnp.where(ci < cj, 1.0, 0.0)
    ri = lax.broadcasted_iota(jnp.int32, (_BR, _BR), 0)
    rj = lax.broadcasted_iota(jnp.int32, (_BR, _BR), 1)
    ltr = jnp.where(rj < ri, 1.0, 0.0)
    within_row = jnp.dot(negf, triu, preferred_element_type=jnp.float32)
    prev_rows = jnp.sum(jnp.dot(ltr, negf, preferred_element_type=jnp.float32),
                        axis=1, keepdims=True)
    rank = prev_rows + within_row
    addr = jnp.where(sel, neg_off + rank, float(_N))
    addr_ref[...] = addr.astype(jnp.int32)


def _pass_d(g_ref, out_ref):
    step = pl.program_id(0)
    g = g_ref[...]
    tg = (g & 1).astype(jnp.float32)
    pg = lax.bitcast_convert_type(g & jnp.int32(-2), jnp.float32)
    sig = 1.0 / (1.0 + jnp.exp(-pg))
    bce = jnp.maximum(pg, 0.0) - pg * tg + jnp.log1p(jnp.exp(-jnp.abs(pg)))

    @pl.when(step == 0)
    def _():
        out_ref[...] = jnp.zeros_like(out_ref)

    out_ref[0:1, :] += jnp.sum(sig, axis=0, keepdims=True)
    out_ref[1:2, :] += jnp.sum(tg, axis=0, keepdims=True)
    out_ref[2:3, :] += jnp.sum(bce, axis=0, keepdims=True)
    out_ref[3:4, :] += jnp.sum(sig * tg, axis=0, keepdims=True)


def _sc_gather(z_pad, addr):
    mesh = plsc.VectorSubcoreMesh(core_axis_name="c", subcore_axis_name="s")

    @functools.partial(
        pl.kernel,
        out_type=jax.ShapeDtypeStruct((_N,), jnp.int32),
        mesh=mesh,
        scratch_types=[
            pltpu.VMEM((_BPW,), jnp.int32),
            pltpu.VMEM((_BPW,), jnp.int32),
            pltpu.SemaphoreType.DMA,
        ],
    )
    def _k(z_hbm, a_hbm, out_hbm, idx_v, g_v, sem):
        wid = lax.axis_index("s") * 2 + lax.axis_index("c")
        base = wid * _BPW
        pltpu.sync_copy(a_hbm.at[pl.ds(base, _BPW)], idx_v)
        pltpu.async_copy(z_hbm.at[idx_v], g_v, sem).wait()
        pltpu.sync_copy(g_v, out_hbm.at[pl.ds(base, _BPW)])

    return _k(z_pad, addr)


def _row_spec(block_rows):
    return pl.BlockSpec((block_rows, _LANES), lambda b: (b, 0))


def kernel(pred, targ):
    f32 = jnp.float32
    x = pred.reshape(_ROWS, _LANES)
    t = targ.reshape(_ROWS, _LANES)

    stats, negb, z = pl.pallas_call(
        _pass_a,
        grid=(_GRID,),
        in_specs=[_row_spec(_BR), _row_spec(_BR)],
        out_specs=[
            pl.BlockSpec((8, _LANES), lambda b: (0, 0)),
            pl.BlockSpec((1, 1, _LANES), lambda b: (b, 0, 0)),
            _row_spec(_BR),
        ],
        out_shape=[
            jax.ShapeDtypeStruct((8, _LANES), f32),
            jax.ShapeDtypeStruct((_GRID, 1, _LANES), f32),
            jax.ShapeDtypeStruct((_ROWS, _LANES), jnp.int32),
        ],
    )(x, t)

    n_pos = jnp.sum(stats[0])
    sumsig_pos = jnp.sum(stats[1])
    sumbce_pos = jnp.sum(stats[2])
    lo = jnp.min(stats[3])
    hi = jnp.max(stats[4])
    negcnt_b = jnp.sum(negb[:, 0, :], axis=1)
    neg_off_b = jnp.cumsum(negcnt_b) - negcnt_b
    k = 3.0 * n_pos

    width = (hi - lo) * (1.000001 / _NBINS) + 1e-30
    kk = k
    bins = jnp.arange(_NBINS)
    for _ in range(_NLEV):
        prm = jnp.zeros((8, _LANES), f32)
        prm = prm.at[0, 0].set(lo).at[0, 1].set(1.0 / width)
        hist2 = pl.pallas_call(
            _pass_h,
            grid=(_GRID,),
            in_specs=[_row_spec(_BR), _row_spec(_BR),
                      pl.BlockSpec((8, _LANES), lambda b: (0, 0))],
            out_specs=pl.BlockSpec((_NBINS, _LANES), lambda b: (0, 0)),
            out_shape=jax.ShapeDtypeStruct((_NBINS, _LANES), f32),
        )(x, t, prm)
        histv = jnp.sum(hist2, axis=1)
        rc = jnp.cumsum(histv[::-1])[::-1]
        bsel = jnp.max(jnp.where(rc >= kk, bins, 0))
        kk = kk - (rc[bsel] - histv[bsel])
        lo = lo + bsel.astype(f32) * width
        width = width * (1.0 / _NBINS)

    lo4 = jnp.where(k > 0, lo, jnp.inf).astype(f32)

    prm_s = jnp.zeros((_GRID, 1, _LANES), f32)
    prm_s = prm_s.at[:, 0, 0].set(neg_off_b).at[:, 0, 1].set(lo4)
    addr = pl.pallas_call(
        _pass_s,
        grid=(_GRID,),
        in_specs=[_row_spec(_BR), _row_spec(_BR),
                  pl.BlockSpec((1, 1, _LANES), lambda b: (b, 0, 0))],
        out_specs=_row_spec(_BR),
        out_shape=jax.ShapeDtypeStruct((_ROWS, _LANES), jnp.int32),
    )(x, t, prm_s)

    dump_z = lax.bitcast_convert_type(jnp.float32(_DUMP_P), jnp.int32) & jnp.int32(-2)
    z_pad = jnp.concatenate([z.reshape(_N), jnp.full((_PAD,), dump_z, jnp.int32)])
    g = _sc_gather(z_pad, addr.reshape(_N))

    sums = pl.pallas_call(
        _pass_d,
        grid=(_GRID,),
        in_specs=[_row_spec(_BR)],
        out_specs=pl.BlockSpec((8, _LANES), lambda b: (0, 0)),
        out_shape=jax.ShapeDtypeStruct((8, _LANES), f32),
    )(g.reshape(_ROWS, _LANES))

    s_sig = jnp.sum(sums[0])
    s_t = jnp.sum(sums[1])
    s_bce = jnp.sum(sums[2])
    s_sigt = jnp.sum(sums[3])

    total = 4.0 * n_pos
    inter = s_sigt + sumsig_pos
    dice = (2.0 * inter + 1.0) / ((s_sig + sumsig_pos) + (s_t + n_pos) + 1.0)
    return (1.0 - dice) + (s_bce + sumbce_pos) / total

# --- scband reference (transcript-rebuilt; emitter-appended) ---
"""Pipeline reference for scband-dice-bce-ohnmloss-19301583029027 (READ-ONLY COPY).

The authoritative reference and input builder live on the scoring server;
editing this copy changes nothing except your own understanding.
"""

import jax, jax.numpy as jnp
import numpy as np


def dice_score(pred, targ, eps=1.0):
    inter = jnp.sum(pred * targ)
    return (2.0 * inter + eps) / (jnp.sum(pred) + jnp.sum(targ) + eps)


def bce_with_logits(pred, targ):
    # numerically stable binary_cross_entropy_with_logits, reduction='none'
    return jnp.maximum(pred, 0.0) - pred * targ + jnp.log1p(jnp.exp(-jnp.abs(pred)))


def setup_inputs(seed: int = 0) -> dict:
    key = jax.random.key(seed)
    k1, k2 = jax.random.split(key)
    pred = jax.random.normal(k1, (4, 512, 512), dtype=jnp.float32)
    # binary target mask with ~5% positives so n_pos * ohnm_ratio <= n_neg
    targ = (jax.random.uniform(k2, (4, 512, 512)) < 0.05).astype(jnp.float32)
    return {"pred": pred, "targ": targ}


def reference(pred, targ):
    ohnm_ratio = 3
    p = pred.reshape(-1)
    t = targ.reshape(-1)
    N = t.shape[0]
    n_pos = jnp.sum(t).astype(jnp.int32)
    n_neg = N - n_pos
    losses = bce_with_logits(p, t)
    slots = jnp.arange(N, dtype=jnp.int32)
    order = jnp.argsort(t, stable=True)
    neg_losses = jnp.where(slots < n_neg, jnp.take(losses, order), -jnp.inf)
    _, hns_idxs = jax.lax.top_k(neg_losses, N)
    k = n_pos * ohnm_ratio
    total = n_pos * (ohnm_ratio + 1)
    pos_slot = jnp.clip(slots + (N - total), 0, N - 1)
    pos_idxs = jnp.take(order, pos_slot).astype(hns_idxs.dtype)
    # faithful to the torch code: hns_idxs index the compressed negative
    # subarray while pos_idxs index the full array; they are concatenated
    # and used to index the full flattened tensors, as in the original.
    idxs = jnp.where(slots < k, hns_idxs, pos_idxs)
    mask = (slots < total).astype(p.dtype)
    p_sel = jnp.take(p, idxs)
    t_sel = jnp.take(t, idxs) * mask
    l_sel = jnp.take(losses, idxs) * mask
    dice_loss = 1.0 - dice_score(jax.nn.sigmoid(p_sel) * mask, t_sel)
    return dice_loss + jnp.sum(l_sel) / total.astype(p.dtype)

if __name__ == "__main__":
    import jax
    _d = setup_inputs()
    print(jax.jit(kernel)(*tuple(_d.values())))

</pallas_src>

<mosaic_0001>
#map = affine_map<(d0, d1) -> (0)>
module attributes {stable_mosaic.version = 14 : i64} {
  func.func @_k(%arg0: i32, %arg1: i32, %arg2: memref<1048640xi32, #tpu.memory_space<hbm>>, %arg3: memref<1048576xi32, #tpu.memory_space<hbm>>, %arg4: memref<1048576xi32, #tpu.memory_space<hbm>>, %arg5: memref<32768xi32, #tpu.memory_space<vmem>>, %arg6: memref<32768xi32, #tpu.memory_space<vmem>>, %arg7: memref<!tpu.dma_semaphore, #tpu.memory_space<semaphore_mem>>) attributes {dimension_semantics = [#tpu.dimension_semantics<core_parallel>, #tpu.dimension_semantics<subcore_parallel>], iteration_bounds = array<i64: 2, 16>, scalar_prefetch = 0 : i64, scratch_operands = 3 : i64, tpu.core_type = #tpu.core_type<sc_vector_subcore>, window_params = [{transform_indices = #map}, {transform_indices = #map}, {transform_indices = #map}]} {
    %mul3A = arith.constant 2 : i32
    %mul3A_0 = arith.muli %arg1, %mul3A : i32
    %add3A = arith.addi %mul3A_0, %arg0 : i32
    %mul3A_1 = arith.constant 32768 : i32
    %mul3A_2 = arith.muli %add3A, %mul3A_1 : i32
    "tpu.region"() ({
      %run_scoped3A = tpu.sem_alloc : memref<!tpu.dma_semaphore, #tpu.memory_space<semaphore_mem>>
      %dma_start3A_5 = tpu.memref_slice %arg3[%mul3A_2] : memref<1048576xi32, #tpu.memory_space<hbm>> -> memref<32768xi32, #tpu.memory_space<hbm>>
      %dma_start3A_6 = tpu.memref_slice %arg3[%mul3A_2] : memref<1048576xi32, #tpu.memory_space<hbm>> -> memref<32768xi32, #tpu.memory_space<hbm>>
      tpu.enqueue_dma source(%dma_start3A_6 : memref<32768xi32, #tpu.memory_space<hbm>>) target(%arg5 : memref<32768xi32, #tpu.memory_space<vmem>>) target_semaphore(%run_scoped3A : memref<!tpu.dma_semaphore, #tpu.memory_space<semaphore_mem>>)
      %dma_wait3A_7 = tpu.memref_slice %arg3[%mul3A_2] : memref<1048576xi32, #tpu.memory_space<hbm>> -> memref<32768xi32, #tpu.memory_space<hbm>>
      %dma_wait3A_8 = tpu.memref_slice %arg3[%mul3A_2] : memref<1048576xi32, #tpu.memory_space<hbm>> -> memref<32768xi32, #tpu.memory_space<hbm>>
      tpu.wait_dma2 semaphore(%run_scoped3A : memref<!tpu.dma_semaphore, #tpu.memory_space<semaphore_mem>>) src(%dma_wait3A_8 : memref<32768xi32, #tpu.memory_space<hbm>>) dst(%arg5 : memref<32768xi32, #tpu.memory_space<vmem>>)
      tpu.yield
    }) : () -> ()
    %dma_start3A = arith.constant 0 : i32
    %dma_start3A_3 = tpu.memref_slice %arg2[%dma_start3A] : memref<1048640xi32, #tpu.memory_space<hbm>> -> memref<1048640xi32, #tpu.memory_space<hbm>>
    tpu.enqueue_indirect_dma source(%dma_start3A_3 : memref<1048640xi32, #tpu.memory_space<hbm>>) target(%arg6 : memref<32768xi32, #tpu.memory_space<vmem>>) offsets(%arg5 : memref<32768xi32, #tpu.memory_space<vmem>>) semaphore(%arg7 : memref<!tpu.dma_semaphore, #tpu.memory_space<semaphore_mem>>)
    %dma_wait3A = arith.constant 0 : i32
    %dma_wait3A_4 = tpu.memref_slice %arg2[%dma_wait3A] : memref<1048640xi32, #tpu.memory_space<hbm>> -> memref<1048640xi32, #tpu.memory_space<hbm>>
    tpu.wait_indirect_dma semaphore(%arg7 : memref<!tpu.dma_semaphore, #tpu.memory_space<semaphore_mem>>) src(%dma_wait3A_4 : memref<1048640xi32, #tpu.memory_space<hbm>>) dst(%arg6 : memref<32768xi32, #tpu.memory_space<vmem>>)
    "tpu.region"() ({
      %run_scoped3A = tpu.sem_alloc : memref<!tpu.dma_semaphore, #tpu.memory_space<semaphore_mem>>
      %dma_start3A_5 = tpu.memref_slice %arg4[%mul3A_2] : memref<1048576xi32, #tpu.memory_space<hbm>> -> memref<32768xi32, #tpu.memory_space<hbm>>
      %dma_start3A_6 = tpu.memref_slice %arg4[%mul3A_2] : memref<1048576xi32, #tpu.memory_space<hbm>> -> memref<32768xi32, #tpu.memory_space<hbm>>
      tpu.enqueue_dma source(%arg6 : memref<32768xi32, #tpu.memory_space<vmem>>) target(%dma_start3A_6 : memref<32768xi32, #tpu.memory_space<hbm>>) target_semaphore(%run_scoped3A : memref<!tpu.dma_semaphore, #tpu.memory_space<semaphore_mem>>)
      %dma_wait3A_7 = tpu.memref_slice %arg4[%mul3A_2] : memref<1048576xi32, #tpu.memory_space<hbm>> -> memref<32768xi32, #tpu.memory_space<hbm>>
      %dma_wait3A_8 = tpu.memref_slice %arg4[%mul3A_2] : memref<1048576xi32, #tpu.memory_space<hbm>> -> memref<32768xi32, #tpu.memory_space<hbm>>
      tpu.wait_dma2 semaphore(%run_scoped3A : memref<!tpu.dma_semaphore, #tpu.memory_space<semaphore_mem>>) src(%arg6 : memref<32768xi32, #tpu.memory_space<vmem>>) dst(%dma_wait3A_8 : memref<32768xi32, #tpu.memory_space<hbm>>)
      tpu.yield
    }) : () -> ()
    return
  }
}

module attributes {stable_mosaic.version = 14 : i64} {
  func.func @_pass_a(%arg0: i32, %arg1: memref<256x128xf32, #tpu.memory_space<vmem>>, %arg2: memref<256x128xf32, #tpu.memory_space<vmem>>, %arg3: memref<8x128xf32, #tpu.memory_space<vmem>>, %arg4: memref<1x1x128xf32, #tpu.memory_space<vmem>>, %arg5: memref<256x128xi32, #tpu.memory_space<vmem>>) attributes {dimension_semantics = [#tpu.dimension_semantics<arbitrary>], iteration_bounds = array<i64: 32>, scalar_prefetch = 0 : i64, scratch_operands = 0 : i64, tpu.core_type = #tpu.core_type<tc>, window_params = [{transform_indices = @transform_0, window_bounds = array<i64: 256, 128>}, {transform_indices = @transform_1, window_bounds = array<i64: 256, 128>}, {pipeline_mode = #tpu.pipeline_mode<synchronous>, transform_indices = @transform_2, window_bounds = array<i64: 8, 128>}, {transform_indices = @transform_3, window_bounds = array<i64: 1, 1, 128>}, {transform_indices = @transform_4, window_bounds = array<i64: 256, 128>}]} {
    %get3A = arith.constant 0 : index
    %get3A_0 = arith.constant 0 : index
    %get3A_1 = vector.load %arg1[%get3A, %get3A_0] : memref<256x128xf32, #tpu.memory_space<vmem>>, vector<256x128xf32>
    %get3A_2 = arith.constant 0 : index
    %get3A_3 = arith.constant 0 : index
    %get3A_4 = vector.load %arg2[%get3A_2, %get3A_3] : memref<256x128xf32, #tpu.memory_space<vmem>>, vector<256x128xf32>
    %eq3A = arith.constant 0.000000e+00 : f32
    %eq3A_5 = vector.broadcast %eq3A : f32 to vector<256x128xf32>
    %eq3A_6 = arith.cmpf oeq, %get3A_4, %eq3A_5 : vector<256x128xf32>
    %jit3A = arith.constant 1.000000e+00 : f32
    %jit3A_7 = arith.constant 0.000000e+00 : f32
    %broadcast_in_dim3A = vector.broadcast %jit3A : f32 to vector<256x128xf32>
    %broadcast_in_dim3A_8 = vector.broadcast %jit3A_7 : f32 to vector<256x128xf32>
    %select_n3A = arith.select %eq3A_6, %broadcast_in_dim3A, %broadcast_in_dim3A_8 : vector<256x128xi1>, vector<256x128xf32>
    %sub3A = arith.constant 1.000000e+00 : f32
    %sub3A_9 = vector.broadcast %sub3A : f32 to vector<256x128xf32>
    %sub3A_10 = arith.subf %sub3A_9, %select_n3A : vector<256x128xf32>
    %neg3A = arith.constant 0.000000e+00 : f32
    %neg3A_11 = vector.broadcast %neg3A : f32 to vector<256x128xf32>
    %neg3A_12 = arith.subf %neg3A_11, %get3A_1 : vector<256x128xf32>
    %exp3A = math.exp %neg3A_12 : vector<256x128xf32>
    %add3A = arith.constant 1.000000e+00 : f32
    %add3A_13 = vector.broadcast %add3A : f32 to vector<256x128xf32>
    %add3A_14 = arith.addf %add3A_13, %exp3A : vector<256x128xf32>
    %div3A = arith.constant 1.000000e+00 : f32
    %div3A_15 = vector.broadcast %div3A : f32 to vector<256x128xf32>
    %div3A_16 = arith.divf %div3A_15, %add3A_14 : vector<256x128xf32>
    %max3A = arith.constant 0.000000e+00 : f32
    %max3A_17 = vector.broadcast %max3A : f32 to vector<256x128xf32>
    %max3A_18 = arith.maximumf %get3A_1, %max3A_17 : vector<256x128xf32>
    %mul3A = arith.mulf %get3A_1, %get3A_4 : vector<256x128xf32>
    %sub3A_19 = arith.subf %max3A_18, %mul3A : vector<256x128xf32>
    %abs3A = math.absf %get3A_1 : vector<256x128xf32>
    %neg3A_20 = arith.constant 0.000000e+00 : f32
    %neg3A_21 = vector.broadcast %neg3A_20 : f32 to vector<256x128xf32>
    %neg3A_22 = arith.subf %neg3A_21, %abs3A : vector<256x128xf32>
    %exp3A_23 = math.exp %neg3A_22 : vector<256x128xf32>
    %log1p3A = math.log1p %exp3A_23 : vector<256x128xf32>
    %add3A_24 = arith.addf %sub3A_19, %log1p3A : vector<256x128xf32>
    %eq3A_25 = arith.constant 0 : i32
    %eq3A_26 = arith.cmpi eq, %arg0, %eq3A_25 : i32
    %convert_element_type3A = arith.extui %eq3A_26 : i1 to i32
    %cond3A = arith.constant 0 : i32
    %cond3A_27 = arith.cmpi ne, %convert_element_type3A, %cond3A : i32
    scf.if %cond3A_27 {
      %broadcast_in_dim3A_94 = arith.constant 0.000000e+00 : f32
      %broadcast_in_dim3A_95 = vector.broadcast %broadcast_in_dim3A_94 : f32 to vector<8x128xf32>
      %swap3A_96 = arith.constant 0 : index
      %swap3A_97 = arith.constant 0 : index
      %swap3A_98 = vector.load %arg3[%swap3A_96, %swap3A_97] : memref<8x128xf32, #tpu.memory_space<vmem>>, vector<8x128xf32>
      tpu.vector_store %arg3[%swap3A_96, %swap3A_97], %broadcast_in_dim3A_95 {strides = array<i32>} : memref<8x128xf32, #tpu.memory_space<vmem>>, vector<8x128xf32>,
      %broadcast_in_dim3A_99 = arith.constant 0x7F800000 : f32
      %broadcast_in_dim3A_100 = vector.broadcast %broadcast_in_dim3A_99 : f32 to vector<1x128xf32>
      %swap3A_101 = arith.constant 3 : index
      %swap3A_102 = arith.constant 0 : index
      %swap3A_103 = vector.load %arg3[%swap3A_101, %swap3A_102] : memref<8x128xf32, #tpu.memory_space<vmem>>, vector<1x128xf32>
      tpu.vector_store %arg3[%swap3A_101, %swap3A_102], %broadcast_in_dim3A_100 {strides = array<i32>} : memref<8x128xf32, #tpu.memory_space<vmem>>, vector<1x128xf32>,
      %broadcast_in_dim3A_104 = arith.constant 0xFF800000 : f32
      %broadcast_in_dim3A_105 = vector.broadcast %broadcast_in_dim3A_104 : f32 to vector<1x128xf32>
      %swap3A_106 = arith.constant 4 : index
      %swap3A_107 = arith.constant 0 : index
      %swap3A_108 = vector.load %arg3[%swap3A_106, %swap3A_107] : memref<8x128xf32, #tpu.memory_space<vmem>>, vector<1x128xf32>
      tpu.vector_store %arg3[%swap3A_106, %swap3A_107], %broadcast_in_dim3A_105 {strides = array<i32>} : memref<8x128xf32, #tpu.memory_space<vmem>>, vector<1x128xf32>,
    } else {
    }
    %get3A_28 = arith.constant 0 : index
    %get3A_29 = arith.constant 0 : index
    %get3A_30 = vector.load %arg3[%get3A_28, %get3A_29] : memref<8x128xf32, #tpu.memory_space<vmem>>, vector<1x128xf32>
    %reduce_sum3A = arith.constant dense<0.000000e+00> : vector<128xf32>
    %reduce_sum3A_31 = vector.multi_reduction <add>, %sub3A_10, %reduce_sum3A [0] : vector<256x128xf32> to vector<128xf32>
    %broadcast_in_dim3A_32 = vector.shape_cast %reduce_sum3A_31 : vector<128xf32> to vector<1x128xf32>
    %add3A_33 = arith.addf %get3A_30, %broadcast_in_dim3A_32 : vector<1x128xf32>
    %swap3A = arith.constant 0 : index
    %swap3A_34 = arith.constant 0 : index
    %swap3A_35 = vector.load %arg3[%swap3A, %swap3A_34] : memref<8x128xf32, #tpu.memory_space<vmem>>, vector<1x128xf32>
    tpu.vector_store %arg3[%swap3A, %swap3A_34], %add3A_33 {strides = array<i32>} : memref<8x128xf32, #tpu.memory_space<vmem>>, vector<1x128xf32>,
    %get3A_36 = arith.constant 1 : index
    %get3A_37 = arith.constant 0 : index
    %get3A_38 = vector.load %arg3[%get3A_36, %get3A_37] : memref<8x128xf32, #tpu.memory_space<vmem>>, vector<1x128xf32>
    %mul3A_39 = arith.mulf %sub3A_10, %div3A_16 : vector<256x128xf32>
    %reduce_sum3A_40 = arith.constant dense<0.000000e+00> : vector<128xf32>
    %reduce_sum3A_41 = vector.multi_reduction <add>, %mul3A_39, %reduce_sum3A_40 [0] : vector<256x128xf32> to vector<128xf32>
    %broadcast_in_dim3A_42 = vector.shape_cast %reduce_sum3A_41 : vector<128xf32> to vector<1x128xf32>
    %add3A_43 = arith.addf %get3A_38, %broadcast_in_dim3A_42 : vector<1x128xf32>
    %swap3A_44 = arith.constant 1 : index
    %swap3A_45 = arith.constant 0 : index
    %swap3A_46 = vector.load %arg3[%swap3A_44, %swap3A_45] : memref<8x128xf32, #tpu.memory_space<vmem>>, vector<1x128xf32>
    tpu.vector_store %arg3[%swap3A_44, %swap3A_45], %add3A_43 {strides = array<i32>} : memref<8x128xf32, #tpu.memory_space<vmem>>, vector<1x128xf32>,
    %get3A_47 = arith.constant 2 : index
    %get3A_48 = arith.constant 0 : index
    %get3A_49 = vector.load %arg3[%get3A_47, %get3A_48] : memref<8x128xf32, #tpu.memory_space<vmem>>, vector<1x128xf32>
    %mul3A_50 = arith.mulf %sub3A_10, %add3A_24 : vector<256x128xf32>
    %reduce_sum3A_51 = arith.constant dense<0.000000e+00> : vector<128xf32>
    %reduce_sum3A_52 = vector.multi_reduction <add>, %mul3A_50, %reduce_sum3A_51 [0] : vector<256x128xf32> to vector<128xf32>
    %broadcast_in_dim3A_53 = vector.shape_cast %reduce_sum3A_52 : vector<128xf32> to vector<1x128xf32>
    %add3A_54 = arith.addf %get3A_49, %broadcast_in_dim3A_53 : vector<1x128xf32>
    %swap3A_55 = arith.constant 2 : index
    %swap3A_56 = arith.constant 0 : index
    %swap3A_57 = vector.load %arg3[%swap3A_55, %swap3A_56] : memref<8x128xf32, #tpu.memory_space<vmem>>, vector<1x128xf32>
    tpu.vector_store %arg3[%swap3A_55, %swap3A_56], %add3A_54 {strides = array<i32>} : memref<8x128xf32, #tpu.memory_space<vmem>>, vector<1x128xf32>,
    %get3A_58 = arith.constant 3 : index
    %get3A_59 = arith.constant 0 : index
    %get3A_60 = vector.load %arg3[%get3A_58, %get3A_59] : memref<8x128xf32, #tpu.memory_space<vmem>>, vector<1x128xf32>
    %jit3A_61 = arith.constant 0x7F800000 : f32
    %broadcast_in_dim3A_62 = vector.broadcast %jit3A_61 : f32 to vector<256x128xf32>
    %select_n3A_63 = arith.select %eq3A_6, %get3A_1, %broadcast_in_dim3A_62 : vector<256x128xi1>, vector<256x128xf32>
    %reduce_min3A = arith.constant dense<0x7F800000> : vector<128xf32>
    %reduce_min3A_64 = vector.multi_reduction <minimumf>, %select_n3A_63, %reduce_min3A [0] : vector<256x128xf32> to vector<128xf32>
    %broadcast_in_dim3A_65 = vector.shape_cast %reduce_min3A_64 : vector<128xf32> to vector<1x128xf32>
    %min3A = arith.minimumf %get3A_60, %broadcast_in_dim3A_65 : vector<1x128xf32>
    %swap3A_66 = arith.constant 3 : index
    %swap3A_67 = arith.constant 0 : index
    %swap3A_68 = vector.load %arg3[%swap3A_66, %swap3A_67] : memref<8x128xf32, #tpu.memory_space<vmem>>, vector<1x128xf32>
    tpu.vector_store %arg3[%swap3A_66, %swap3A_67], %min3A {strides = array<i32>} : memref<8x128xf32, #tpu.memory_space<vmem>>, vector<1x128xf32>,
    %get3A_69 = arith.constant 4 : index
    %get3A_70 = arith.constant 0 : index
    %get3A_71 = vector.load %arg3[%get3A_69, %get3A_70] : memref<8x128xf32, #tpu.memory_space<vmem>>, vector<1x128xf32>
    %jit3A_72 = arith.constant 0xFF800000 : f32
    %broadcast_in_dim3A_73 = vector.broadcast %jit3A_72 : f32 to vector<256x128xf32>
    %select_n3A_74 = arith.select %eq3A_6, %get3A_1, %broadcast_in_dim3A_73 : vector<256x128xi1>, vector<256x128xf32>
    %reduce_max3A = arith.constant dense<0xFF800000> : vector<128xf32>
    %reduce_max3A_75 = vector.multi_reduction <maximumf>, %select_n3A_74, %reduce_max3A [0] : vector<256x128xf32> to vector<128xf32>
    %broadcast_in_dim3A_76 = vector.shape_cast %reduce_max3A_75 : vector<128xf32> to vector<1x128xf32>
    %max3A_77 = arith.maximumf %get3A_71, %broadcast_in_dim3A_76 : vector<1x128xf32>
    %swap3A_78 = arith.constant 4 : index
    %swap3A_79 = arith.constant 0 : index
    %swap3A_80 = vector.load %arg3[%swap3A_78, %swap3A_79] : memref<8x128xf32, #tpu.memory_space<vmem>>, vector<1x128xf32>
    tpu.vector_store %arg3[%swap3A_78, %swap3A_79], %max3A_77 {strides = array<i32>} : memref<8x128xf32, #tpu.memory_space<vmem>>, vector<1x128xf32>,
    %reduce_sum3A_81 = arith.constant dense<0.000000e+00> : vector<128xf32>
    %reduce_sum3A_82 = vector.multi_reduction <add>, %select_n3A, %reduce_sum3A_81 [0] : vector<256x128xf32> to vector<128xf32>
    %broadcast_in_dim3A_83 = vector.shape_cast %reduce_sum3A_82 : vector<128xf32> to vector<1x128xf32>
    %reshape3A = vector.shape_cast %broadcast_in_dim3A_83 : vector<1x128xf32> to vector<1x1x128xf32>
    %swap3A_84 = arith.constant 0 : index
    %swap3A_85 = arith.constant 0 : index
    %swap3A_86 = arith.constant 0 : index
    %swap3A_87 = vector.load %arg4[%swap3A_84, %swap3A_85, %swap3A_86] : memref<1x1x128xf32, #tpu.memory_space<vmem>>, vector<1x1x128xf32>
    tpu.vector_store %arg4[%swap3A_84, %swap3A_85, %swap3A_86], %reshape3A {strides = array<i32>} : memref<1x1x128xf32, #tpu.memory_space<vmem>>, vector<1x1x128xf32>,
    %bitcast_convert_type3A = tpu.bitcast %get3A_1 : vector<256x128xf32> -> vector<256x128xi32>
    %and3A = arith.constant -2 : i32
    %and3A_88 = vector.broadcast %and3A : i32 to vector<256x128xi32>
    %and3A_89 = arith.andi %bitcast_convert_type3A, %and3A_88 : vector<256x128xi32>
    %convert_element_type3A_90 = arith.fptosi %get3A_4 : vector<256x128xf32> to vector<256x128xi32>
    %or3A = arith.ori %and3A_89, %convert_element_type3A_90 : vector<256x128xi32>
    %swap3A_91 = arith.constant 0 : index
    %swap3A_92 = arith.constant 0 : index
    %swap3A_93 = vector.load %arg5[%swap3A_91, %swap3A_92] : memref<256x128xi32, #tpu.memory_space<vmem>>, vector<256x128xi32>
    tpu.vector_store %arg5[%swap3A_91, %swap3A_92], %or3A {strides = array<i32>} : memref<256x128xi32, #tpu.memory_space<vmem>>, vector<256x128xi32>,
    return
  }
  func.func @transform_0(%arg0: i32) -> (i32, i32) {
    %c0_i32 = arith.constant 0 : i32
    %c0_i32_0 = arith.constant 0 : i32
    return %arg0, %c0_i32 : i32, i32
  }
  func.func @transform_1(%arg0: i32) -> (i32, i32) {
    %c0_i32 = arith.constant 0 : i32
    %c0_i32_0 = arith.constant 0 : i32
    return %arg0, %c0_i32 : i32, i32
  }
  func.func @transform_2(%arg0: i32) -> (i32, i32) {
    %c0_i32 = arith.constant 0 : i32
    %c0_i32_0 = arith.constant 0 : i32
    %c0_i32_1 = arith.constant 0 : i32
    return %c0_i32, %c0_i32_0 : i32, i32
  }
  func.func @transform_3(%arg0: i32) -> (i32, i32, i32) {
    %c0_i32 = arith.constant 0 : i32
    %c0_i32_0 = arith.constant 0 : i32
    %c0_i32_1 = arith.constant 0 : i32
    return %arg0, %c0_i32, %c0_i32_0 : i32, i32, i32
  }
  func.func @transform_4(%arg0: i32) -> (i32, i32) {
    %c0_i32 = arith.constant 0 : i32
    %c0_i32_0 = arith.constant 0 : i32
    return %arg0, %c0_i32 : i32, i32
  }
}

module attributes {stable_mosaic.version = 14 : i64} {
  func.func @_pass_h(%arg0: i32, %arg1: memref<256x128xf32, #tpu.memory_space<vmem>>, %arg2: memref<256x128xf32, #tpu.memory_space<vmem>>, %arg3: memref<8x128xf32, #tpu.memory_space<vmem>>, %arg4: memref<128x128xf32, #tpu.memory_space<vmem>>) attributes {dimension_semantics = [#tpu.dimension_semantics<arbitrary>], iteration_bounds = array<i64: 32>, scalar_prefetch = 0 : i64, scratch_operands = 0 : i64, tpu.core_type = #tpu.core_type<tc>, window_params = [{transform_indices = @transform_0, window_bounds = array<i64: 256, 128>}, {transform_indices = @transform_1, window_bounds = array<i64: 256, 128>}, {pipeline_mode = #tpu.pipeline_mode<synchronous>, transform_indices = @transform_2, window_bounds = array<i64: 8, 128>}, {pipeline_mode = #tpu.pipeline_mode<synchronous>, transform_indices = @transform_3, window_bounds = array<i64: 128, 128>}]} {
    %get3A = arith.constant 0 : index
    %get3A_0 = arith.constant 0 : index
    %get3A_1 = vector.load %arg1[%get3A, %get3A_0] : memref<256x128xf32, #tpu.memory_space<vmem>>, vector<256x128xf32>
    %get3A_2 = arith.constant 0 : index
    %get3A_3 = arith.constant 0 : index
    %get3A_4 = vector.load %arg2[%get3A_2, %get3A_3] : memref<256x128xf32, #tpu.memory_space<vmem>>, vector<256x128xf32>
    %get3A_5 = arith.constant 0 : index
    %get3A_6 = arith.constant 0 : index
    %get3A_7 = vector.load %arg3[%get3A_5, %get3A_6] : memref<8x128xf32, #tpu.memory_space<vmem>>, vector<1x1xf32>
    %get3A_8 = vector.extract %get3A_7[0, 0] : f32 from vector<1x1xf32>
    %get3A_9 = arith.constant 0 : index
    %get3A_10 = arith.constant 1 : index
    %get3A_11 = vector.load %arg3[%get3A_9, %get3A_10] : memref<8x128xf32, #tpu.memory_space<vmem>>, vector<1x1xf32>
    %get3A_12 = vector.extract %get3A_11[0, 0] : f32 from vector<1x1xf32>
    %eq3A = arith.constant 0.000000e+00 : f32
    %eq3A_13 = vector.broadcast %eq3A : f32 to vector<256x128xf32>
    %eq3A_14 = arith.cmpf oeq, %get3A_4, %eq3A_13 : vector<256x128xf32>
    %sub3A = vector.broadcast %get3A_8 : f32 to vector<256x128xf32>
    %sub3A_15 = arith.subf %get3A_1, %sub3A : vector<256x128xf32>
    %mul3A = vector.broadcast %get3A_12 : f32 to vector<256x128xf32>
    %mul3A_16 = arith.mulf %sub3A_15, %mul3A : vector<256x128xf32>
    %floor3A = math.floor %mul3A_16 : vector<256x128xf32>
    %jit3A = arith.constant -1.000000e+00 : f32
    %broadcast_in_dim3A = vector.broadcast %jit3A : f32 to vector<256x128xf32>
    %select_n3A = arith.select %eq3A_14, %floor3A, %broadcast_in_dim3A : vector<256x128xi1>, vector<256x128xf32>
    %eq3A_17 = arith.constant 0 : i32
    %eq3A_18 = arith.cmpi eq, %arg0, %eq3A_17 : i32
    %convert_element_type3A = arith.extui %eq3A_18 : i1 to i32
    %cond3A = arith.constant 0 : i32
    %cond3A_19 = arith.cmpi ne, %convert_element_type3A, %cond3A : i32
    scf.if %cond3A_19 {
      %broadcast_in_dim3A_2321 = arith.constant 0.000000e+00 : f32
      %broadcast_in_dim3A_2322 = vector.broadcast %broadcast_in_dim3A_2321 : f32 to vector<128x128xf32>
      %swap3A_2323 = arith.constant 0 : index
      %swap3A_2324 = arith.constant 0 : index
      %swap3A_2325 = vector.load %arg4[%swap3A_2323, %swap3A_2324] : memref<128x128xf32, #tpu.memory_space<vmem>>, vector<128x128xf32>
      tpu.vector_store %arg4[%swap3A_2323, %swap3A_2324], %broadcast_in_dim3A_2322 {strides = array<i32>} : memref<128x128xf32, #tpu.memory_space<vmem>>, vector<128x128xf32>,
    } else {
    }
    %eq3A_20 = arith.constant 0.000000e+00 : f32
    %eq3A_21 = vector.broadcast %eq3A_20 : f32 to vector<256x128xf32>
    %eq3A_22 = arith.cmpf oeq, %select_n3A, %eq3A_21 : vector<256x128xf32>
    %jit3A_23 = arith.constant 1.000000e+00 : f32
    %jit3A_24 = arith.constant 0.000000e+00 : f32
    %broadcast_in_dim3A_25 = vector.broadcast %jit3A_23 : f32 to vector<256x128xf32>
    %broadcast_in_dim3A_26 = vector.broadcast %jit3A_24 : f32 to vector<256x128xf32>
    %select_n3A_27 = arith.select %eq3A_22, %broadcast_in_dim3A_25, %broadcast_in_dim3A_26 : vector<256x128xi1>, vector<256x128xf32>
    %reduce_sum3A = arith.constant dense<0.000000e+00> : vector<128xf32>
    %reduce_sum3A_28 = vector.multi_reduction <add>, %select_n3A_27, %reduce_sum3A [0] : vector<256x128xf32> to vector<128xf32>
    %broadcast_in_dim3A_29 = vector.shape_cast %reduce_sum3A_28 : vector<128xf32> to vector<1x128xf32>
    %get3A_30 = arith.constant 0 : index
    %get3A_31 = arith.constant 0 : index
    %get3A_32 = vector.load %arg4[%get3A_30, %get3A_31] : memref<128x128xf32, #tpu.memory_space<vmem>>, vector<1x128xf32>
    %add3A = arith.addf %get3A_32, %broadcast_in_dim3A_29 : vector<1x128xf32>
    %swap3A = arith.constant 0 : index
    %swap3A_33 = arith.constant 0 : index
    %swap3A_34 = vector.load %arg4[%swap3A, %swap3A_33] : memref<128x128xf32, #tpu.memory_space<vmem>>, vector<1x128xf32>
    tpu.vector_store %arg4[%swap3A, %swap3A_33], %add3A {strides = array<i32>} : memref<128x128xf32, #tpu.memory_space<vmem>>, vector<1x128xf32>,
    %eq3A_35 = arith.constant 1.000000e+00 : f32
    %eq3A_36 = vector.broadcast %eq3A_35 : f32 to vector<256x128xf32>
    %eq3A_37 = arith.cmpf oeq, %select_n3A, %eq3A_36 : vector<256x128xf32>
    %jit3A_38 = arith.constant 1.000000e+00 : f32
    %jit3A_39 = arith.constant 0.000000e+00 : f32
    %broadcast_in_dim3A_40 = vector.broadcast %jit3A_38 : f32 to vector<256x128xf32>
    %broadcast_in_dim3A_41 = vector.broadcast %jit3A_39 : f32 to vector<256x128xf32>
    %select_n3A_42 = arith.select %eq3A_37, %broadcast_in_dim3A_40, %broadcast_in_dim3A_41 : vector<256x128xi1>, vector<256x128xf32>
    %reduce_sum3A_43 = arith.constant dense<0.000000e+00> : vector<128xf32>
    %reduce_sum3A_44 = vector.multi_reduction <add>, %select_n3A_42, %reduce_sum3A_43 [0] : vector<256x128xf32> to vector<128xf32>
    %broadcast_in_dim3A_45 = vector.shape_cast %reduce_sum3A_44 : vector<128xf32> to vector<1x128xf32>
    %get3A_46 = arith.constant 1 : index
    %get3A_47 = arith.constant 0 : index
    %get3A_48 = vector.load %arg4[%get3A_46, %get3A_47] : memref<128x128xf32, #tpu.memory_space<vmem>>, vector<1x128xf32>
    %add3A_49 = arith.addf %get3A_48, %broadcast_in_dim3A_45 : vector<1x128xf32>
    %swap3A_50 = arith.constant 1 : index
    %swap3A_51 = arith.constant 0 : index
    %swap3A_52 = vector.load %arg4[%swap3A_50, %swap3A_51] : memref<128x128xf32, #tpu.memory_space<vmem>>, vector<1x128xf32>
    tpu.vector_store %arg4[%swap3A_50, %swap3A_51], %add3A_49 {strides = array<i32>} : memref<128x128xf32, #tpu.memory_space<vmem>>, vector<1x128xf32>,
    %eq3A_53 = arith.constant 2.000000e+00 : f32
    %eq3A_54 = vector.broadcast %eq3A_53 : f32 to vector<256x128xf32>
    %eq3A_55 = arith.cmpf oeq, %select_n3A, %eq3A_54 : vector<256x128xf32>
    %jit3A_56 = arith.constant 1.000000e+00 : f32
    %jit3A_57 = arith.constant 0.000000e+00 : f32
    %broadcast_in_dim3A_58 = vector.broadcast %jit3A_56 : f32 to vector<256x128xf32>
    %broadcast_in_dim3A_59 = vector.broadcast %jit3A_57 : f32 to vector<256x128xf32>
    %select_n3A_60 = arith.select %eq3A_55, %broadcast_in_dim3A_58, %broadcast_in_dim3A_59 : vector<256x128xi1>, vector<256x128xf32>
    %reduce_sum3A_61 = arith.constant dense<0.000000e+00> : vector<128xf32>
    %reduce_sum3A_62 = vector.multi_reduction <add>, %select_n3A_60, %reduce_sum3A_61 [0] : vector<256x128xf32> to vector<128xf32>
    %broadcast_in_dim3A_63 = vector.shape_cast %reduce_sum3A_62 : vector<128xf32> to vector<1x128xf32>
    %get3A_64 = arith.constant 2 : index
    %get3A_65 = arith.constant 0 : index
    %get3A_66 = vector.load %arg4[%get3A_64, %get3A_65] : memref<128x128xf32, #tpu.memory_space<vmem>>, vector<1x128xf32>
    %add3A_67 = arith.addf %get3A_66, %broadcast_in_dim3A_63 : vector<1x128xf32>
    %swap3A_68 = arith.constant 2 : index
    %swap3A_69 = arith.constant 0 : index
    %swap3A_70 = vector.load %arg4[%swap3A_68, %swap3A_69] : memref<128x128xf32, #tpu.memory_space<vmem>>, vector<1x128xf32>
    tpu.vector_store %arg4[%swap3A_68, %swap3A_69], %add3A_67 {strides = array<i32>} : memref<128x128xf32, #tpu.memory_space<vmem>>, vector<1x128xf32>,
    %eq3A_71 = arith.constant 3.000000e+00 : f32
    %eq3A_72 = vector.broadcast %eq3A_71 : f32 to vector<256x128xf32>
    %eq3A_73 = arith.cmpf oeq, %select_n3A, %eq3A_72 : vector<256x128xf32>
    %jit3A_74 = arith.constant 1.000000e+00 : f32
    %jit3A_75 = arith.constant 0.000000e+00 : f32
    %broadcast_in_dim3A_76 = vector.broadcast %jit3A_74 : f32 to vector<256x128xf32>
    %broadcast_in_dim3A_77 = vector.broadcast %jit3A_75 : f32 to vector<256x128xf32>
    %select_n3A_78 = arith.select %eq3A_73, %broadcast_in_dim3A_76, %broadcast_in_dim3A_77 : vector<256x128xi1>, vector<256x128xf32>
    %reduce_sum3A_79 = arith.constant dense<0.000000e+00> : vector<128xf32>
    %reduce_sum3A_80 = vector.multi_reduction <add>, %select_n3A_78, %reduce_sum3A_79 [0] : vector<256x128xf32> to vector<128xf32>
    %broadcast_in_dim3A_81 = vector.shape_cast %reduce_sum3A_80 : vector<128xf32> to vector<1x128xf32>
    %get3A_82 = arith.constant 3 : index
    %get3A_83 = arith.constant 0 : index
    %get3A_84 = vector.load %arg4[%get3A_82, %get3A_83] : memref<128x128xf32, #tpu.memory_space<vmem>>, vector<1x128xf32>
    %add3A_85 = arith.addf %get3A_84, %broadcast_in_dim3A_81 : vector<1x128xf32>
    %swap3A_86 = arith.constant 3 : index
    %swap3A_87 = arith.constant 0 : index
    %swap3A_88 = vector.load %arg4[%swap3A_86, %swap3A_87] : memref<128x128xf32, #tpu.memory_space<vmem>>, vector<1x128xf32>
    tpu.vector_store %arg4[%swap3A_86, %swap3A_87], %add3A_85 {strides = array<i32>} : memref<128x128xf32, #tpu.memory_space<vmem>>, vector<1x128xf32>,
    %eq3A_89 = arith.constant 4.000000e+00 : f32
    %eq3A_90 = vector.broadcast %eq3A_89 : f32 to vector<256x128xf32>
    %eq3A_91 = arith.cmpf oeq, %select_n3A, %eq3A_90 : vector<256x128xf32>
    %jit3A_92 = arith.constant 1.000000e+00 : f32
    %jit3A_93 = arith.constant 0.000000e+00 : f32
    %broadcast_in_dim3A_94 = vector.broadcast %jit3A_92 : f32 to vector<256x128xf32>
    %broadcast_in_dim3A_95 = vector.broadcast %jit3A_93 : f32 to vector<256x128xf32>
    %select_n3A_96 = arith.select %eq3A_91, %broadcast_in_dim3A_94, %broadcast_in_dim3A_95 : vector<256x128xi1>, vector<256x128xf32>
    %reduce_sum3A_97 = arith.constant dense<0.000000e+00> : vector<128xf32>
    %reduce_sum3A_98 = vector.multi_reduction <add>, %select_n3A_96, %reduce_sum3A_97 [0] : vector<256x128xf32> to vector<128xf32>
    %broadcast_in_dim3A_99 = vector.shape_cast %reduce_sum3A_98 : vector<128xf32> to vector<1x128xf32>
    %get3A_100 = arith.constant 4 : index
    %get3A_101 = arith.constant 0 : index
    %get3A_102 = vector.load %arg4[%get3A_100, %get3A_101] : memref<128x128xf32, #tpu.memory_space<vmem>>, vector<1x128xf32>
    %add3A_103 = arith.addf %get3A_102, %broadcast_in_dim3A_99 : vector<1x128xf32>
    %swap3A_104 = arith.constant 4 : index
    %swap3A_105 = arith.constant 0 : index
    %swap3A_106 = vector.load %arg4[%swap3A_104, %swap3A_105] : memref<128x128xf32, #tpu.memory_space<vmem>>, vector<1x128xf32>
    tpu.vector_store %arg4[%swap3A_104, %swap3A_105], %add3A_103 {strides = array<i32>} : memref<128x128xf32, #tpu.memory_space<vmem>>, vector<1x128xf32>,
    %eq3A_107 = arith.constant 5.000000e+00 : f32
    %eq3A_108 = vector.broadcast %eq3A_107 : f32 to vector<256x128xf32>
    %eq3A_109 = arith.cmpf oeq, %select_n3A, %eq3A_108 : vector<256x128xf32>
    %jit3A_110 = arith.constant 1.000000e+00 : f32
    %jit3A_111 = arith.constant 0.000000e+00 : f32
    %broadcast_in_dim3A_112 = vector.broadcast %jit3A_110 : f32 to vector<256x128xf32>
    %broadcast_in_dim3A_113 = vector.broadcast %jit3A_111 : f32 to vector<256x128xf32>
    %select_n3A_114 = arith.select %eq3A_109, %broadcast_in_dim3A_112, %broadcast_in_dim3A_113 : vector<256x128xi1>, vector<256x128xf32>
    %reduce_sum3A_115 = arith.constant dense<0.000000e+00> : vector<128xf32>
    %reduce_sum3A_116 = vector.multi_reduction <add>, %select_n3A_114, %reduce_sum3A_115 [0] : vector<256x128xf32> to vector<128xf32>
    %broadcast_in_dim3A_117 = vector.shape_cast %reduce_sum3A_116 : vector<128xf32> to vector<1x128xf32>
    %get3A_118 = arith.constant 5 : index
    %get3A_119 = arith.constant 0 : index
    %get3A_120 = vector.load %arg4[%get3A_118, %get3A_119] : memref<128x128xf32, #tpu.memory_space<vmem>>, vector<1x128xf32>
    %add3A_121 = arith.addf %get3A_120, %broadcast_in_dim3A_117 : vector<1x128xf32>
    %swap3A_122 = arith.constant 5 : index
    %swap3A_123 = arith.constant 0 : index
    %swap3A_124 = vector.load %arg4[%swap3A_122, %swap3A_123] : memref<128x128xf32, #tpu.memory_space<vmem>>, vector<1x128xf32>
    tpu.vector_store %arg4[%swap3A_122, %swap3A_123], %add3A_121 {strides = array<i32>} : memref<128x128xf32, #tpu.memory_space<vmem>>, vector<1x128xf32>,
    %eq3A_125 = arith.constant 6.000000e+00 : f32
    %eq3A_126 = vector.broadcast %eq3A_125 : f32 to vector<256x128xf32>
    %eq3A_127 = arith.cmpf oeq, %select_n3A, %eq3A_126 : vector<256x128xf32>
    %jit3A_128 = arith.constant 1.000000e+00 : f32
    %jit3A_129 = arith.constant 0.000000e+00 : f32
    %broadcast_in_dim3A_130 = vector.broadcast %jit3A_128 : f32 to vector<256x128xf32>
    %broadcast_in_dim3A_131 = vector.broadcast %jit3A_129 : f32 to vector<256x128xf32>
    %select_n3A_132 = arith.select %eq3A_127, %broadcast_in_dim3A_130, %broadcast_in_dim3A_131 : vector<256x128xi1>, vector<256x128xf32>
    %reduce_sum3A_133 = arith.constant dense<0.000000e+00> : vector<128xf32>
    %reduce_sum3A_134 = vector.multi_reduction <add>, %select_n3A_132, %reduce_sum3A_133 [0] : vector<256x128xf32> to vector<128xf32>
    %broadcast_in_dim3A_135 = vector.shape_cast %reduce_sum3A_134 : vector<128xf32> to vector<1x128xf32>
    %get3A_136 = arith.constant 6 : index
    %get3A_137 = arith.constant 0 : index
    %get3A_138 = vector.load %arg4[%get3A_136, %get3A_137] : memref<128x128xf32, #tpu.memory_space<vmem>>, vector<1x128xf32>
    %add3A_139 = arith.addf %get3A_138, %broadcast_in_dim3A_135 : vector<1x128xf32>
    %swap3A_140 = arith.constant 6 : index
    %swap3A_141 = arith.constant 0 : index
    %swap3A_142 = vector.load %arg4[%swap3A_140, %swap3A_141] : memref<128x128xf32, #tpu.memory_space<vmem>>, vector<1x128xf32>
    tpu.vector_store %arg4[%swap3A_140, %swap3A_141], %add3A_139 {strides = array<i32>} : memref<128x128xf32, #tpu.memory_space<vmem>>, vector<1x128xf32>,
    %eq3A_143 = arith.constant 7.000000e+00 : f32
    %eq3A_144 = vector.broadcast %eq3A_143 : f32 to vector<256x128xf32>
    %eq3A_145 = arith.cmpf oeq, %select_n3A, %eq3A_144 : vector<256x128xf32>
    %jit3A_146 = arith.constant 1.000000e+00 : f32
    %jit3A_147 = arith.constant 0.000000e+00 : f32
    %broadcast_in_dim3A_148 = vector.broadcast %jit3A_146 : f32 to vector<256x128xf32>
    %broadcast_in_dim3A_149 = vector.broadcast %jit3A_147 : f32 to vector<256x128xf32>
    %select_n3A_150 = arith.select %eq3A_145, %broadcast_in_dim3A_148, %broadcast_in_dim3A_149 : vector<256x128xi1>, vector<256x128xf32>
    %reduce_sum3A_151 = arith.constant dense<0.000000e+00> : vector<128xf32>
    %reduce_sum3A_152 = vector.multi_reduction <add>, %select_n3A_150, %reduce_sum3A_151 [0] : vector<256x128xf32> to vector<128xf32>
    %broadcast_in_dim3A_153 = vector.shape_cast %reduce_sum3A_152 : vector<128xf32> to vector<1x128xf32>
    %get3A_154 = arith.constant 7 : index
    %get3A_155 = arith.constant 0 : index
    %get3A_156 = vector.load %arg4[%get3A_154, %get3A_155] : memref<128x128xf32, #tpu.memory_space<vmem>>, vector<1x128xf32>
    %add3A_157 = arith.addf %get3A_156, %broadcast_in_dim3A_153 : vector<1x128xf32>
    %swap3A_158 = arith.constant 7 : index
    %swap3A_159 = arith.constant 0 : index
    %swap3A_160 = vector.load %arg4[%swap3A_158, %swap3A_159] : memref<128x128xf32, #tpu.memory_space<vmem>>, vector<1x128xf32>
    tpu.vector_store %arg4[%swap3A_158, %swap3A_159], %add3A_157 {strides = array<i32>} : memref<128x128xf32, #tpu.memory_space<vmem>>, vector<1x128xf32>,
    %eq3A_161 = arith.constant 8.000000e+00 : f32
    %eq3A_162 = vector.broadcast %eq3A_161 : f32 to vector<256x128xf32>
    %eq3A_163 = arith.cmpf oeq, %select_n3A, %eq3A_162 : vector<256x128xf32>
    %jit3A_164 = arith.constant 1.000000e+00 : f32
    %jit3A_165 = arith.constant 0.000000e+00 : f32
    %broadcast_in_dim3A_166 = vector.broadcast %jit3A_164 : f32 to vector<256x128xf32>
    %broadcast_in_dim3A_167 = vector.broadcast %jit3A_165 : f32 to vector<256x128xf32>
    %select_n3A_168 = arith.select %eq3A_163, %broadcast_in_dim3A_166, %broadcast_in_dim3A_167 : vector<256x128xi1>, vector<256x128xf32>
    %reduce_sum3A_169 = arith.constant dense<0.000000e+00> : vector<128xf32>
    %reduce_sum3A_170 = vector.multi_reduction <add>, %select_n3A_168, %reduce_sum3A_169 [0] : vector<256x128xf32> to vector<128xf32>
    %broadcast_in_dim3A_171 = vector.shape_cast %reduce_sum3A_170 : vector<128xf32> to vector<1x128xf32>
    %get3A_172 = arith.constant 8 : index
    %get3A_173 = arith.constant 0 : index
    %get3A_174 = vector.load %arg4[%get3A_172, %get3A_173] : memref<128x128xf32, #tpu.memory_space<vmem>>, vector<1x128xf32>
    %add3A_175 = arith.addf %get3A_174, %broadcast_in_dim3A_171 : vector<1x128xf32>
    %swap3A_176 = arith.constant 8 : index
    %swap3A_177 = arith.constant 0 : index
    %swap3A_178 = vector.load %arg4[%swap3A_176, %swap3A_177] : memref<128x128xf32, #tpu.memory_space<vmem>>, vector<1x128xf32>
    tpu.vector_store %arg4[%swap3A_176, %swap3A_177], %add3A_175 {strides = array<i32>} : memref<128x128xf32, #tpu.memory_space<vmem>>, vector<1x128xf32>,
    %eq3A_179 = arith.constant 9.000000e+00 : f32
    %eq3A_180 = vector.broadcast %eq3A_179 : f32 to vector<256x128xf32>
    %eq3A_181 = arith.cmpf oeq, %select_n3A, %eq3A_180 : vector<256x128xf32>
    %jit3A_182 = arith.constant 1.000000e+00 : f32
    %jit3A_183 = arith.constant 0.000000e+00 : f32
    %broadcast_in_dim3A_184 = vector.broadcast %jit3A_182 : f32 to vector<256x128xf32>
    %broadcast_in_dim3A_185 = vector.broadcast %jit3A_183 : f32 to vector<256x128xf32>
    %select_n3A_186 = arith.select %eq3A_181, %broadcast_in_dim3A_184, %broadcast_in_dim3A_185 : vector<256x128xi1>, vector<256x128xf32>
    %reduce_sum3A_187 = arith.constant dense<0.000000e+00> : vector<128xf32>
    %reduce_sum3A_188 = vector.multi_reduction <add>, %select_n3A_186, %reduce_sum3A_187 [0] : vector<256x128xf32> to vector<128xf32>
    %broadcast_in_dim3A_189 = vector.shape_cast %reduce_sum3A_188 : vector<128xf32> to vector<1x128xf32>
    %get3A_190 = arith.constant 9 : index
    %get3A_191 = arith.constant 0 : index
    %get3A_192 = vector.load %arg4[%get3A_190, %get3A_191] : memref<128x128xf32, #tpu.memory_space<vmem>>, vector<1x128xf32>
    %add3A_193 = arith.addf %get3A_192, %broadcast_in_dim3A_189 : vector<1x128xf32>
    %swap3A_194 = arith.constant 9 : index
    %swap3A_195 = arith.constant 0 : index
    %swap3A_196 = vector.load %arg4[%swap3A_194, %swap3A_195] : memref<128x128xf32, #tpu.memory_space<vmem>>, vector<1x128xf32>
    tpu.vector_store %arg4[%swap3A_194, %swap3A_195], %add3A_193 {strides = array<i32>} : memref<128x128xf32, #tpu.memory_space<vmem>>, vector<1x128xf32>,
    %eq3A_197 = arith.constant 1.000000e+01 : f32
    %eq3A_198 = vector.broadcast %eq3A_197 : f32 to vector<256x128xf32>
    %eq3A_199 = arith.cmpf oeq, %select_n3A, %eq3A_198 : vector<256x128xf32>
    %jit3A_200 = arith.constant 1.000000e+00 : f32
    %jit3A_201 = arith.constant 0.000000e+00 : f32
    %broadcast_in_dim3A_202 = vector.broadcast %jit3A_200 : f32 to vector<256x128xf32>
    %broadcast_in_dim3A_203 = vector.broadcast %jit3A_201 : f32 to vector<256x128xf32>
    %select_n3A_204 = arith.select %eq3A_199, %broadcast_in_dim3A_202, %broadcast_in_dim3A_203 : vector<256x128xi1>, vector<256x128xf32>
    %reduce_sum3A_205 = arith.constant dense<0.000000e+00> : vector<128xf32>
    %reduce_sum3A_206 = vector.multi_reduction <add>, %select_n3A_204, %reduce_sum3A_205 [0] : vector<256x128xf32> to vector<128xf32>
    %broadcast_in_dim3A_207 = vector.shape_cast %reduce_sum3A_206 : vector<128xf32> to vector<1x128xf32>
    %get3A_208 = arith.constant 10 : index
    %get3A_209 = arith.constant 0 : index
    %get3A_210 = vector.load %arg4[%get3A_208, %get3A_209] : memref<128x128xf32, #tpu.memory_space<vmem>>, vector<1x128xf32>
    %add3A_211 = arith.addf %get3A_210, %broadcast_in_dim3A_207 : vector<1x128xf32>
    %swap3A_212 = arith.constant 10 : index
    %swap3A_213 = arith.constant 0 : index
    %swap3A_214 = vector.load %arg4[%swap3A_212, %swap3A_213] : memref<128x128xf32, #tpu.memory_space<vmem>>, vector<1x128xf32>
    tpu.vector_store %arg4[%swap3A_212, %swap3A_213], %add3A_211 {strides = array<i32>} : memref<128x128xf32, #tpu.memory_space<vmem>>, vector<1x128xf32>,
    %eq3A_215 = arith.constant 1.100000e+01 : f32
    %eq3A_216 = vector.broadcast %eq3A_215 : f32 to vector<256x128xf32>
    %eq3A_217 = arith.cmpf oeq, %select_n3A, %eq3A_216 : vector<256x128xf32>
    %jit3A_218 = arith.constant 1.000000e+00 : f32
    %jit3A_219 = arith.constant 0.000000e+00 : f32
    %broadcast_in_dim3A_220 = vector.broadcast %jit3A_218 : f32 to vector<256x128xf32>
    %broadcast_in_dim3A_221 = vector.broadcast %jit3A_219 : f32 to vector<256x128xf32>
    %select_n3A_222 = arith.select %eq3A_217, %broadcast_in_dim3A_220, %broadcast_in_dim3A_221 : vector<256x128xi1>, vector<256x128xf32>
    %reduce_sum3A_223 = arith.constant dense<0.000000e+00> : vector<128xf32>
    %reduce_sum3A_224 = vector.multi_reduction <add>, %select_n3A_222, %reduce_sum3A_223 [0] : vector<256x128xf32> to vector<128xf32>
    %broadcast_in_dim3A_225 = vector.shape_cast %reduce_sum3A_224 : vector<128xf32> to vector<1x128xf32>
    %get3A_226 = arith.constant 11 : index
    %get3A_227 = arith.constant 0 : index
    %get3A_228 = vector.load %arg4[%get3A_226, %get3A_227] : memref<128x128xf32, #tpu.memory_space<vmem>>, vector<1x128xf32>
    %add3A_229 = arith.addf %get3A_228, %broadcast_in_dim3A_225 : vector<1x128xf32>
    %swap3A_230 = arith.constant 11 : index
    %swap3A_231 = arith.constant 0 : index
    %swap3A_232 = vector.load %arg4[%swap3A_230, %swap3A_231] : memref<128x128xf32, #tpu.memory_space<vmem>>, vector<1x128xf32>
    tpu.vector_store %arg4[%swap3A_230, %swap3A_231], %add3A_229 {strides = array<i32>} : memref<128x128xf32, #tpu.memory_space<vmem>>, vector<1x128xf32>,
    %eq3A_233 = arith.constant 1.200000e+01 : f32
    %eq3A_234 = vector.broadcast %eq3A_233 : f32 to vector<256x128xf32>
    %eq3A_235 = arith.cmpf oeq, %select_n3A, %eq3A_234 : vector<256x128xf32>
    %jit3A_236 = arith.constant 1.000000e+00 : f32
    %jit3A_237 = arith.constant 0.000000e+00 : f32
    %broadcast_in_dim3A_238 = vector.broadcast %jit3A_236 : f32 to vector<256x128xf32>
    %broadcast_in_dim3A_239 = vector.broadcast %jit3A_237 : f32 to vector<256x128xf32>
    %select_n3A_240 = arith.select %eq3A_235, %broadcast_in_dim3A_238, %broadcast_in_dim3A_239 : vector<256x128xi1>, vector<256x128xf32>
    %reduce_sum3A_241 = arith.constant dense<0.000000e+00> : vector<128xf32>
    %reduce_sum3A_242 = vector.multi_reduction <add>, %select_n3A_240, %reduce_sum3A_241 [0] : vector<256x128xf32> to vector<128xf32>
    %broadcast_in_dim3A_243 = vector.shape_cast %reduce_sum3A_242 : vector<128xf32> to vector<1x128xf32>
    %get3A_244 = arith.constant 12 : index
    %get3A_245 = arith.constant 0 : index
    %get3A_246 = vector.load %arg4[%get3A_244, %get3A_245] : memref<128x128xf32, #tpu.memory_space<vmem>>, vector<1x128xf32>
    %add3A_247 = arith.addf %get3A_246, %broadcast_in_dim3A_243 : vector<1x128xf32>
    %swap3A_248 = arith.constant 12 : index
    %swap3A_249 = arith.constant 0 : index
    %swap3A_250 = vector.load %arg4[%swap3A_248, %swap3A_249] : memref<128x128xf32, #tpu.memory_space<vmem>>, vector<1x128xf32>
    tpu.vector_store %arg4[%swap3A_248, %swap3A_249], %add3A_247 {strides = array<i32>} : memref<128x128xf32, #tpu.memory_space<vmem>>, vector<1x128xf32>,
    %eq3A_251 = arith.constant 1.300000e+01 : f32
    %eq3A_252 = vector.broadcast %eq3A_251 : f32 to vector<256x128xf32>
    %eq3A_253 = arith.cmpf oeq, %select_n3A, %eq3A_252 : vector<256x128xf32>
    %jit3A_254 = arith.constant 1.000000e+00 : f32
    %jit3A_255 = arith.constant 0.000000e+00 : f32
    %broadcast_in_dim3A_256 = vector.broadcast %jit3A_254 : f32 to vector<256x128xf32>
    %broadcast_in_dim3A_257 = vector.broadcast %jit3A_255 : f32 to vector<256x128xf32>
    %select_n3A_258 = arith.select %eq3A_253, %broadcast_in_dim3A_256, %broadcast_in_dim3A_257 : vector<256x128xi1>, vector<256x128xf32>
    %reduce_sum3A_259 = arith.constant dense<0.000000e+00> : vector<128xf32>
    %reduce_sum3A_260 = vector.multi_reduction <add>, %select_n3A_258, %reduce_sum3A_259 [0] : vector<256x128xf32> to vector<128xf32>
    %broadcast_in_dim3A_261 = vector.shape_cast %reduce_sum3A_260 : vector<128xf32> to vector<1x128xf32>
    %get3A_262 = arith.constant 13 : index
    %get3A_263 = arith.constant 0 : index
    %get3A_264 = vector.load %arg4[%get3A_262, %get3A_263] : memref<128x128xf32, #tpu.memory_space<vmem>>, vector<1x128xf32>
    %add3A_265 = arith.addf %get3A_264, %broadcast_in_dim3A_261 : vector<1x128xf32>
    %swap3A_266 = arith.constant 13 : index
    %swap3A_267 = arith.constant 0 : index
    %swap3A_268 = vector.load %arg4[%swap3A_266, %swap3A_267] : memref<128x128xf32, #tpu.memory_space<vmem>>, vector<1x128xf32>
    tpu.vector_store %arg4[%swap3A_266, %swap3A_267], %add3A_265 {strides = array<i32>} : memref<128x128xf32, #tpu.memory_space<vmem>>, vector<1x128xf32>,
    %eq3A_269 = arith.constant 1.400000e+01 : f32
    %eq3A_270 = vector.broadcast %eq3A_269 : f32 to vector<256x128xf32>
    %eq3A_271 = arith.cmpf oeq, %select_n3A, %eq3A_270 : vector<256x128xf32>
    %jit3A_272 = arith.constant 1.000000e+00 : f32
    %jit3A_273 = arith.constant 0.000000e+00 : f32
    %broadcast_in_dim3A_274 = vector.broadcast %jit3A_272 : f32 to vector<256x128xf32>
    %broadcast_in_dim3A_275 = vector.broadcast %jit3A_273 : f32 to vector<256x128xf32>
    %select_n3A_276 = arith.select %eq3A_271, %broadcast_in_dim3A_274, %broadcast_in_dim3A_275 : vector<256x128xi1>, vector<256x128xf32>
    %reduce_sum3A_277 = arith.constant dense<0.000000e+00> : vector<128xf32>
    %reduce_sum3A_278 = vector.multi_reduction <add>, %select_n3A_276, %reduce_sum3A_277 [0] : vector<256x128xf32> to vector<128xf32>
    %broadcast_in_dim3A_279 = vector.shape_cast %reduce_sum3A_278 : vector<128xf32> to vector<1x128xf32>
    %get3A_280 = arith.constant 14 : index
    %get3A_281 = arith.constant 0 : index
    %get3A_282 = vector.load %arg4[%get3A_280, %get3A_281] : memref<128x128xf32, #tpu.memory_space<vmem>>, vector<1x128xf32>
    %add3A_283 = arith.addf %get3A_282, %broadcast_in_dim3A_279 : vector<1x128xf32>
    %swap3A_284 = arith.constant 14 : index
    %swap3A_285 = arith.constant 0 : index
    %swap3A_286 = vector.load %arg4[%swap3A_284, %swap3A_285] : memref<128x128xf32, #tpu.memory_space<vmem>>, vector<1x128xf32>
    tpu.vector_store %arg4[%swap3A_284, %swap3A_285], %add3A_283 {strides = array<i32>} : memref<128x128xf32, #tpu.memory_space<vmem>>, vector<1x128xf32>,
    %eq3A_287 = arith.constant 1.500000e+01 : f32
    %eq3A_288 = vector.broadcast %eq3A_287 : f32 to vector<256x128xf32>
    %eq3A_289 = arith.cmpf oeq, %select_n3A, %eq3A_288 : vector<256x128xf32>
    %jit3A_290 = arith.constant 1.000000e+00 : f32
    %jit3A_291 = arith.constant 0.000000e+00 : f32
    %broadcast_in_dim3A_292 = vector.broadcast %jit3A_290 : f32 to vector<256x128xf32>
    %broadcast_in_dim3A_293 = vector.broadcast %jit3A_291 : f32 to vector<256x128xf32>
    %select_n3A_294 = arith.select %eq3A_289, %broadcast_in_dim3A_292, %broadcast_in_dim3A_293 : vector<256x128xi1>, vector<256x128xf32>
    %reduce_sum3A_295 = arith.constant dense<0.000000e+00> : vector<128xf32>
    %reduce_sum3A_296 = vector.multi_reduction <add>, %select_n3A_294, %reduce_sum3A_295 [0] : vector<256x128xf32> to vector<128xf32>
    %broadcast_in_dim3A_297 = vector.shape_cast %reduce_sum3A_296 : vector<128xf32> to vector<1x128xf32>
    %get3A_298 = arith.constant 15 : index
    %get3A_299 = arith.constant 0 : index
    %get3A_300 = vector.load %arg4[%get3A_298, %get3A_299] : memref<128x128xf32, #tpu.memory_space<vmem>>, vector<1x128xf32>
    %add3A_301 = arith.addf %get3A_300, %broadcast_in_dim3A_297 : vector<1x128xf32>
    %swap3A_302 = arith.constant 15 : index
    %swap3A_303 = arith.constant 0 : index
    %swap3A_304 = vector.load %arg4[%swap3A_302, %swap3A_303] : memref<128x128xf32, #tpu.memory_space<vmem>>, vector<1x128xf32>
    tpu.vector_store %arg4[%swap3A_302, %swap3A_303], %add3A_301 {strides = array<i32>} : memref<128x128xf32, #tpu.memory_space<vmem>>, vector<1x128xf32>,
    %eq3A_305 = arith.constant 1.600000e+01 : f32
    %eq3A_306 = vector.broadcast %eq3A_305 : f32 to vector<256x128xf32>
    %eq3A_307 = arith.cmpf oeq, %select_n3A, %eq3A_306 : vector<256x128xf32>
    %jit3A_308 = arith.constant 1.000000e+00 : f32
    %jit3A_309 = arith.constant 0.000000e+00 : f32
    %broadcast_in_dim3A_310 = vector.broadcast %jit3A_308 : f32 to vector<256x128xf32>
    %broadcast_in_dim3A_311 = vector.broadcast %jit3A_309 : f32 to vector<256x128xf32>
    %select_n3A_312 = arith.select %eq3A_307, %broadcast_in_dim3A_310, %broadcast_in_dim3A_311 : vector<256x128xi1>, vector<256x128xf32>
    %reduce_sum3A_313 = arith.constant dense<0.000000e+00> : vector<128xf32>
    %reduce_sum3A_314 = vector.multi_reduction <add>, %select_n3A_312, %reduce_sum3A_313 [0] : vector<256x128xf32> to vector<128xf32>
    %broadcast_in_dim3A_315 = vector.shape_cast %reduce_sum3A_314 : vector<128xf32> to vector<1x128xf32>
    %get3A_316 = arith.constant 16 : index
    %get3A_317 = arith.constant 0 : index
    %get3A_318 = vector.load %arg4[%get3A_316, %get3A_317] : memref<128x128xf32, #tpu.memory_space<vmem>>, vector<1x128xf32>
    %add3A_319 = arith.addf %get3A_318, %broadcast_in_dim3A_315 : vector<1x128xf32>
    %swap3A_320 = arith.constant 16 : index
    %swap3A_321 = arith.constant 0 : index
    %swap3A_322 = vector.load %arg4[%swap3A_320, %swap3A_321] : memref<128x128xf32, #tpu.memory_space<vmem>>, vector<1x128xf32>
    tpu.vector_store %arg4[%swap3A_320, %swap3A_321], %add3A_319 {strides = array<i32>} : memref<128x128xf32, #tpu.memory_space<vmem>>, vector<1x128xf32>,
    %eq3A_323 = arith.constant 1.700000e+01 : f32
    %eq3A_324 = vector.broadcast %eq3A_323 : f32 to vector<256x128xf32>
    %eq3A_325 = arith.cmpf oeq, %select_n3A, %eq3A_324 : vector<256x128xf32>
    %jit3A_326 = arith.constant 1.000000e+00 : f32
    %jit3A_327 = arith.constant 0.000000e+00 : f32
    %broadcast_in_dim3A_328 = vector.broadcast %jit3A_326 : f32 to vector<256x128xf32>
    %broadcast_in_dim3A_329 = vector.broadcast %jit3A_327 : f32 to vector<256x128xf32>
    %select_n3A_330 = arith.select %eq3A_325, %broadcast_in_dim3A_328, %broadcast_in_dim3A_329 : vector<256x128xi1>, vector<256x128xf32>
    %reduce_sum3A_331 = arith.constant dense<0.000000e+00> : vector<128xf32>
    %reduce_sum3A_332 = vector.multi_reduction <add>, %select_n3A_330, %reduce_sum3A_331 [0] : vector<256x128xf32> to vector<128xf32>
    %broadcast_in_dim3A_333 = vector.shape_cast %reduce_sum3A_332 : vector<128xf32> to vector<1x128xf32>
    %get3A_334 = arith.constant 17 : index
    %get3A_335 = arith.constant 0 : index
    %get3A_336 = vector.load %arg4[%get3A_334, %get3A_335] : memref<128x128xf32, #tpu.memory_space<vmem>>, vector<1x128xf32>
    %add3A_337 = arith.addf %get3A_336, %broadcast_in_dim3A_333 : vector<1x128xf32>
    %swap3A_338 = arith.constant 17 : index
    %swap3A_339 = arith.constant 0 : index
    %swap3A_340 = vector.load %arg4[%swap3A_338, %swap3A_339] : memref<128x128xf32, #tpu.memory_space<vmem>>, vector<1x128xf32>
    tpu.vector_store %arg4[%swap3A_338, %swap3A_339], %add3A_337 {strides = array<i32>} : memref<128x128xf32, #tpu.memory_space<vmem>>, vector<1x128xf32>,
    %eq3A_341 = arith.constant 1.800000e+01 : f32
    %eq3A_342 = vector.broadcast %eq3A_341 : f32 to vector<256x128xf32>
    %eq3A_343 = arith.cmpf oeq, %select_n3A, %eq3A_342 : vector<256x128xf32>
    %jit3A_344 = arith.constant 1.000000e+00 : f32
    %jit3A_345 = arith.constant 0.000000e+00 : f32
    %broadcast_in_dim3A_346 = vector.broadcast %jit3A_344 : f32 to vector<256x128xf32>
    %broadcast_in_dim3A_347 = vector.broadcast %jit3A_345 : f32 to vector<256x128xf32>
    %select_n3A_348 = arith.select %eq3A_343, %broadcast_in_dim3A_346, %broadcast_in_dim3A_347 : vector<256x128xi1>, vector<256x128xf32>
    %reduce_sum3A_349 = arith.constant dense<0.000000e+00> : vector<128xf32>
    %reduce_sum3A_350 = vector.multi_reduction <add>, %select_n3A_348, %reduce_sum3A_349 [0] : vector<256x128xf32> to vector<128xf32>
    %broadcast_in_dim3A_351 = vector.shape_cast %reduce_sum3A_350 : vector<128xf32> to vector<1x128xf32>
    %get3A_352 = arith.constant 18 : index
    %get3A_353 = arith.constant 0 : index
    %get3A_354 = vector.load %arg4[%get3A_352, %get3A_353] : memref<128x128xf32, #tpu.memory_space<vmem>>, vector<1x128xf32>
    %add3A_355 = arith.addf %get3A_354, %broadcast_in_dim3A_351 : vector<1x128xf32>
    %swap3A_356 = arith.constant 18 : index
    %swap3A_357 = arith.constant 0 : index
    %swap3A_358 = vector.load %arg4[%swap3A_356, %swap3A_357] : memref<128x128xf32, #tpu.memory_space<vmem>>, vector<1x128xf32>
    tpu.vector_store %arg4[%swap3A_356, %swap3A_357], %add3A_355 {strides = array<i32>} : memref<128x128xf32, #tpu.memory_space<vmem>>, vector<1x128xf32>,
    %eq3A_359 = arith.constant 1.900000e+01 : f32
    %eq3A_360 = vector.broadcast %eq3A_359 : f32 to vector<256x128xf32>
    %eq3A_361 = arith.cmpf oeq, %select_n3A, %eq3A_360 : vector<256x128xf32>
    %jit3A_362 = arith.constant 1.000000e+00 : f32
    %jit3A_363 = arith.constant 0.000000e+00 : f32
    %broadcast_in_dim3A_364 = vector.broadcast %jit3A_362 : f32 to vector<256x128xf32>
    %broadcast_in_dim3A_365 = vector.broadcast %jit3A_363 : f32 to vector<256x128xf32>
    %select_n3A_366 = arith.select %eq3A_361, %broadcast_in_dim3A_364, %broadcast_in_dim3A_365 : vector<256x128xi1>, vector<256x128xf32>
    %reduce_sum3A_367 = arith.constant dense<0.000000e+00> : vector<128xf32>
    %reduce_sum3A_368 = vector.multi_reduction <add>, %select_n3A_366, %reduce_sum3A_367 [0] : vector<256x128xf32> to vector<128xf32>
    %broadcast_in_dim3A_369 = vector.shape_cast %reduce_sum3A_368 : vector<128xf32> to vector<1x128xf32>
    %get3A_370 = arith.constant 19 : index
    %get3A_371 = arith.constant 0 : index
    %get3A_372 = vector.load %arg4[%get3A_370, %get3A_371] : memref<128x128xf32, #tpu.memory_space<vmem>>, vector<1x128xf32>
    %add3A_373 = arith.addf %get3A_372, %broadcast_in_dim3A_369 : vector<1x128xf32>
    %swap3A_374 = arith.constant 19 : index
    %swap3A_375 = arith.constant 0 : index
    %swap3A_376 = vector.load %arg4[%swap3A_374, %swap3A_375] : memref<128x128xf32, #tpu.memory_space<vmem>>, vector<1x128xf32>
    tpu.vector_store %arg4[%swap3A_374, %swap3A_375], %add3A_373 {strides = array<i32>} : memref<128x128xf32, #tpu.memory_space<vmem>>, vector<1x128xf32>,
    %eq3A_377 = arith.constant 2.000000e+01 : f32
    %eq3A_378 = vector.broadcast %eq3A_377 : f32 to vector<256x128xf32>
    %eq3A_379 = arith.cmpf oeq, %select_n3A, %eq3A_378 : vector<256x128xf32>
    %jit3A_380 = arith.constant 1.000000e+00 : f32
    %jit3A_381 = arith.constant 0.000000e+00 : f32
    %broadcast_in_dim3A_382 = vector.broadcast %jit3A_380 : f32 to vector<256x128xf32>
    %broadcast_in_dim3A_383 = vector.broadcast %jit3A_381 : f32 to vector<256x128xf32>
    %select_n3A_384 = arith.select %eq3A_379, %broadcast_in_dim3A_382, %broadcast_in_dim3A_383 : vector<256x128xi1>, vector<256x128xf32>
    %reduce_sum3A_385 = arith.constant dense<0.000000e+00> : vector<128xf32>
    %reduce_sum3A_386 = vector.multi_reduction <add>, %select_n3A_384, %reduce_sum3A_385 [0] : vector<256x128xf32> to vector<128xf32>
    %broadcast_in_dim3A_387 = vector.shape_cast %reduce_sum3A_386 : vector<128xf32> to vector<1x128xf32>
    %get3A_388 = arith.constant 20 : index
    %get3A_389 = arith.constant 0 : index
    %get3A_390 = vector.load %arg4[%get3A_388, %get3A_389] : memref<128x128xf32, #tpu.memory_space<vmem>>, vector<1x128xf32>
    %add3A_391 = arith.addf %get3A_390, %broadcast_in_dim3A_387 : vector<1x128xf32>
    %swap3A_392 = arith.constant 20 : index
    %swap3A_393 = arith.constant 0 : index
    %swap3A_394 = vector.load %arg4[%swap3A_392, %swap3A_393] : memref<128x128xf32, #tpu.memory_space<vmem>>, vector<1x128xf32>
    tpu.vector_store %arg4[%swap3A_392, %swap3A_393], %add3A_391 {strides = array<i32>} : memref<128x128xf32, #tpu.memory_space<vmem>>, vector<1x128xf32>,
    %eq3A_395 = arith.constant 2.100000e+01 : f32
    %eq3A_396 = vector.broadcast %eq3A_395 : f32 to vector<256x128xf32>
    %eq3A_397 = arith.cmpf oeq, %select_n3A, %eq3A_396 : vector<256x128xf32>
    %jit3A_398 = arith.constant 1.000000e+00 : f32
    %jit3A_399 = arith.constant 0.000000e+00 : f32
    %broadcast_in_dim3A_400 = vector.broadcast %jit3A_398 : f32 to vector<256x128xf32>
    %broadcast_in_dim3A_401 = vector.broadcast %jit3A_399 : f32 to vector<256x128xf32>
    %select_n3A_402 = arith.select %eq3A_397, %broadcast_in_dim3A_400, %broadcast_in_dim3A_401 : vector<256x128xi1>, vector<256x128xf32>
    %reduce_sum3A_403 = arith.constant dense<0.000000e+00> : vector<128xf32>
    %reduce_sum3A_404 = vector.multi_reduction <add>, %select_n3A_402, %reduce_sum3A_403 [0] : vector<256x128xf32> to vector<128xf32>
    %broadcast_in_dim3A_405 = vector.shape_cast %reduce_sum3A_404 : vector<128xf32> to vector<1x128xf32>
    %get3A_406 = arith.constant 21 : index
    %get3A_407 = arith.constant 0 : index
    %get3A_408 = vector.load %arg4[%get3A_406, %get3A_407] : memref<128x128xf32, #tpu.memory_space<vmem>>, vector<1x128xf32>
    %add3A_409 = arith.addf %get3A_408, %broadcast_in_dim3A_405 : vector<1x128xf32>
    %swap3A_410 = arith.constant 21 : index
    %swap3A_411 = arith.constant 0 : index
    %swap3A_412 = vector.load %arg4[%swap3A_410, %swap3A_411] : memref<128x128xf32, #tpu.memory_space<vmem>>, vector<1x128xf32>
    tpu.vector_store %arg4[%swap3A_410, %swap3A_411], %add3A_409 {strides = array<i32>} : memref<128x128xf32, #tpu.memory_space<vmem>>, vector<1x128xf32>,
    %eq3A_413 = arith.constant 2.200000e+01 : f32
    %eq3A_414 = vector.broadcast %eq3A_413 : f32 to vector<256x128xf32>
    %eq3A_415 = arith.cmpf oeq, %select_n3A, %eq3A_414 : vector<256x128xf32>
    %jit3A_416 = arith.constant 1.000000e+00 : f32
    %jit3A_417 = arith.constant 0.000000e+00 : f32
    %broadcast_in_dim3A_418 = vector.broadcast %jit3A_416 : f32 to vector<256x128xf32>
    %broadcast_in_dim3A_419 = vector.broadcast %jit3A_417 : f32 to vector<256x128xf32>
    %select_n3A_420 = arith.select %eq3A_415, %broadcast_in_dim3A_418, %broadcast_in_dim3A_419 : vector<256x128xi1>, vector<256x128xf32>
    %reduce_sum3A_421 = arith.constant dense<0.000000e+00> : vector<128xf32>
    %reduce_sum3A_422 = vector.multi_reduction <add>, %select_n3A_420, %reduce_sum3A_421 [0] : vector<256x128xf32> to vector<128xf32>
    %broadcast_in_dim3A_423 = vector.shape_cast %reduce_sum3A_422 : vector<128xf32> to vector<1x128xf32>
    %get3A_424 = arith.constant 22 : index
    %get3A_425 = arith.constant 0 : index
    %get3A_426 = vector.load %arg4[%get3A_424, %get3A_425] : memref<128x128xf32, #tpu.memory_space<vmem>>, vector<1x128xf32>
    %add3A_427 = arith.addf %get3A_426, %broadcast_in_dim3A_423 : vector<1x128xf32>
    %swap3A_428 = arith.constant 22 : index
    %swap3A_429 = arith.constant 0 : index
    %swap3A_430 = vector.load %arg4[%swap3A_428, %swap3A_429] : memref<128x128xf32, #tpu.memory_space<vmem>>, vector<1x128xf32>
    tpu.vector_store %arg4[%swap3A_428, %swap3A_429], %add3A_427 {strides = array<i32>} : memref<128x128xf32, #tpu.memory_space<vmem>>, vector<1x128xf32>,
    %eq3A_431 = arith.constant 2.300000e+01 : f32
    %eq3A_432 = vector.broadcast %eq3A_431 : f32 to vector<256x128xf32>
    %eq3A_433 = arith.cmpf oeq, %select_n3A, %eq3A_432 : vector<256x128xf32>
    %jit3A_434 = arith.constant 1.000000e+00 : f32
    %jit3A_435 = arith.constant 0.000000e+00 : f32
    %broadcast_in_dim3A_436 = vector.broadcast %jit3A_434 : f32 to vector<256x128xf32>
    %broadcast_in_dim3A_437 = vector.broadcast %jit3A_435 : f32 to vector<256x128xf32>
    %select_n3A_438 = arith.select %eq3A_433, %broadcast_in_dim3A_436, %broadcast_in_dim3A_437 : vector<256x128xi1>, vector<256x128xf32>
    %reduce_sum3A_439 = arith.constant dense<0.000000e+00> : vector<128xf32>
    %reduce_sum3A_440 = vector.multi_reduction <add>, %select_n3A_438, %reduce_sum3A_439 [0] : vector<256x128xf32> to vector<128xf32>
    %broadcast_in_dim3A_441 = vector.shape_cast %reduce_sum3A_440 : vector<128xf32> to vector<1x128xf32>
    %get3A_442 = arith.constant 23 : index
    %get3A_443 = arith.constant 0 : index
    %get3A_444 = vector.load %arg4[%get3A_442, %get3A_443] : memref<128x128xf32, #tpu.memory_space<vmem>>, vector<1x128xf32>
    %add3A_445 = arith.addf %get3A_444, %broadcast_in_dim3A_441 : vector<1x128xf32>
    %swap3A_446 = arith.constant 23 : index
    %swap3A_447 = arith.constant 0 : index
    %swap3A_448 = vector.load %arg4[%swap3A_446, %swap3A_447] : memref<128x128xf32, #tpu.memory_space<vmem>>, vector<1x128xf32>
    tpu.vector_store %arg4[%swap3A_446, %swap3A_447], %add3A_445 {strides = array<i32>} : memref<128x128xf32, #tpu.memory_space<vmem>>, vector<1x128xf32>,
    %eq3A_449 = arith.constant 2.400000e+01 : f32
    %eq3A_450 = vector.broadcast %eq3A_449 : f32 to vector<256x128xf32>
    %eq3A_451 = arith.cmpf oeq, %select_n3A, %eq3A_450 : vector<256x128xf32>
    %jit3A_452 = arith.constant 1.000000e+00 : f32
    %jit3A_453 = arith.constant 0.000000e+00 : f32
    %broadcast_in_dim3A_454 = vector.broadcast %jit3A_452 : f32 to vector<256x128xf32>
    %broadcast_in_dim3A_455 = vector.broadcast %jit3A_453 : f32 to vector<256x128xf32>
    %select_n3A_456 = arith.select %eq3A_451, %broadcast_in_dim3A_454, %broadcast_in_dim3A_455 : vector<256x128xi1>, vector<256x128xf32>
    %reduce_sum3A_457 = arith.constant dense<0.000000e+00> : vector<128xf32>
    %reduce_sum3A_458 = vector.multi_reduction <add>, %select_n3A_456, %reduce_sum3A_457 [0] : vector<256x128xf32> to vector<128xf32>
    %broadcast_in_dim3A_459 = vector.shape_cast %reduce_sum3A_458 : vector<128xf32> to vector<1x128xf32>
    %get3A_460 = arith.constant 24 : index
    %get3A_461 = arith.constant 0 : index
    %get3A_462 = vector.load %arg4[%get3A_460, %get3A_461] : memref<128x128xf32, #tpu.memory_space<vmem>>, vector<1x128xf32>
    %add3A_463 = arith.addf %get3A_462, %broadcast_in_dim3A_459 : vector<1x128xf32>
    %swap3A_464 = arith.constant 24 : index
    %swap3A_465 = arith.constant 0 : index
    %swap3A_466 = vector.load %arg4[%swap3A_464, %swap3A_465] : memref<128x128xf32, #tpu.memory_space<vmem>>, vector<1x128xf32>
    tpu.vector_store %arg4[%swap3A_464, %swap3A_465], %add3A_463 {strides = array<i32>} : memref<128x128xf32, #tpu.memory_space<vmem>>, vector<1x128xf32>,
    %eq3A_467 = arith.constant 2.500000e+01 : f32
    %eq3A_468 = vector.broadcast %eq3A_467 : f32 to vector<256x128xf32>
    %eq3A_469 = arith.cmpf oeq, %select_n3A, %eq3A_468 : vector<256x128xf32>
    %jit3A_470 = arith.constant 1.000000e+00 : f32
    %jit3A_471 = arith.constant 0.000000e+00 : f32
    %broadcast_in_dim3A_472 = vector.broadcast %jit3A_470 : f32 to vector<256x128xf32>
    %broadcast_in_dim3A_473 = vector.broadcast %jit3A_471 : f32 to vector<256x128xf32>
    %select_n3A_474 = arith.select %eq3A_469, %broadcast_in_dim3A_472, %broadcast_in_dim3A_473 : vector<256x128xi1>, vector<256x128xf32>
    %reduce_sum3A_475 = arith.constant dense<0.000000e+00> : vector<128xf32>
    %reduce_sum3A_476 = vector.multi_reduction <add>, %select_n3A_474, %reduce_sum3A_475 [0] : vector<256x128xf32> to vector<128xf32>
    %broadcast_in_dim3A_477 = vector.shape_cast %reduce_sum3A_476 : vector<128xf32> to vector<1x128xf32>
    %get3A_478 = arith.constant 25 : index
    %get3A_479 = arith.constant 0 : index
    %get3A_480 = vector.load %arg4[%get3A_478, %get3A_479] : memref<128x128xf32, #tpu.memory_space<vmem>>, vector<1x128xf32>
    %add3A_481 = arith.addf %get3A_480, %broadcast_in_dim3A_477 : vector<1x128xf32>
    %swap3A_482 = arith.constant 25 : index
    %swap3A_483 = arith.constant 0 : index
    %swap3A_484 = vector.load %arg4[%swap3A_482, %swap3A_483] : memref<128x128xf32, #tpu.memory_space<vmem>>, vector<1x128xf32>
    tpu.vector_store %arg4[%swap3A_482, %swap3A_483], %add3A_481 {strides = array<i32>} : memref<128x128xf32, #tpu.memory_space<vmem>>, vector<1x128xf32>,
    %eq3A_485 = arith.constant 2.600000e+01 : f32
    %eq3A_486 = vector.broadcast %eq3A_485 : f32 to vector<256x128xf32>
    %eq3A_487 = arith.cmpf oeq, %select_n3A, %eq3A_486 : vector<256x128xf32>
    %jit3A_488 = arith.constant 1.000000e+00 : f32
    %jit3A_489 = arith.constant 0.000000e+00 : f32
    %broadcast_in_dim3A_490 = vector.broadcast %jit3A_488 : f32 to vector<256x128xf32>
    %broadcast_in_dim3A_491 = vector.broadcast %jit3A_489 : f32 to vector<256x128xf32>
    %select_n3A_492 = arith.select %eq3A_487, %broadcast_in_dim3A_490, %broadcast_in_dim3A_491 : vector<256x128xi1>, vector<256x128xf32>
    %reduce_sum3A_493 = arith.constant dense<0.000000e+00> : vector<128xf32>
    %reduce_sum3A_494 = vector.multi_reduction <add>, %select_n3A_492, %reduce_sum3A_493 [0] : vector<256x128xf32> to vector<128xf32>
    %broadcast_in_dim3A_495 = vector.shape_cast %reduce_sum3A_494 : vector<128xf32> to vector<1x128xf32>
    %get3A_496 = arith.constant 26 : index
    %get3A_497 = arith.constant 0 : index
    %get3A_498 = vector.load %arg4[%get3A_496, %get3A_497] : memref<128x128xf32, #tpu.memory_space<vmem>>, vector<1x128xf32>
    %add3A_499 = arith.addf %get3A_498, %broadcast_in_dim3A_495 : vector<1x128xf32>
    %swap3A_500 = arith.constant 26 : index
    %swap3A_501 = arith.constant 0 : index
    %swap3A_502 = vector.load %arg4[%swap3A_500, %swap3A_501] : memref<128x128xf32, #tpu.memory_space<vmem>>, vector<1x128xf32>
    tpu.vector_store %arg4[%swap3A_500, %swap3A_501], %add3A_499 {strides = array<i32>} : memref<128x128xf32, #tpu.memory_space<vmem>>, vector<1x128xf32>,
    %eq3A_503 = arith.constant 2.700000e+01 : f32
    %eq3A_504 = vector.broadcast %eq3A_503 : f32 to vector<256x128xf32>
    %eq3A_505 = arith.cmpf oeq, %select_n3A, %eq3A_504 : vector<256x128xf32>
    %jit3A_506 = arith.constant 1.000000e+00 : f32
    %jit3A_507 = arith.constant 0.000000e+00 : f32
    %broadcast_in_dim3A_508 = vector.broadcast %jit3A_506 : f32 to vector<256x128xf32>
    %broadcast_in_dim3A_509 = vector.broadcast %jit3A_507 : f32 to vector<256x128xf32>
    %select_n3A_510 = arith.select %eq3A_505, %broadcast_in_dim3A_508, %broadcast_in_dim3A_509 : vector<256x128xi1>, vector<256x128xf32>
    %reduce_sum3A_511 = arith.constant dense<0.000000e+00> : vector<128xf32>
    %reduce_sum3A_512 = vector.multi_reduction <add>, %select_n3A_510, %reduce_sum3A_511 [0] : vector<256x128xf32> to vector<128xf32>
    %broadcast_in_dim3A_513 = vector.shape_cast %reduce_sum3A_512 : vector<128xf32> to vector<1x128xf32>
    %get3A_514 = arith.constant 27 : index
    %get3A_515 = arith.constant 0 : index
    %get3A_516 = vector.load %arg4[%get3A_514, %get3A_515] : memref<128x128xf32, #tpu.memory_space<vmem>>, vector<1x128xf32>
    %add3A_517 = arith.addf %get3A_516, %broadcast_in_dim3A_513 : vector<1x128xf32>
    %swap3A_518 = arith.constant 27 : index
    %swap3A_519 = arith.constant 0 : index
    %swap3A_520 = vector.load %arg4[%swap3A_518, %swap3A_519] : memref<128x128xf32, #tpu.memory_space<vmem>>, vector<1x128xf32>
    tpu.vector_store %arg4[%swap3A_518, %swap3A_519], %add3A_517 {strides = array<i32>} : memref<128x128xf32, #tpu.memory_space<vmem>>, vector<1x128xf32>,
    %eq3A_521 = arith.constant 2.800000e+01 : f32
    %eq3A_522 = vector.broadcast %eq3A_521 : f32 to vector<256x128xf32>
    %eq3A_523 = arith.cmpf oeq, %select_n3A, %eq3A_522 : vector<256x128xf32>
    %jit3A_524 = arith.constant 1.000000e+00 : f32
    %jit3A_525 = arith.constant 0.000000e+00 : f32
    %broadcast_in_dim3A_526 = vector.broadcast %jit3A_524 : f32 to vector<256x128xf32>
    %broadcast_in_dim3A_527 = vector.broadcast %jit3A_525 : f32 to vector<256x128xf32>
    %select_n3A_528 = arith.select %eq3A_523, %broadcast_in_dim3A_526, %broadcast_in_dim3A_527 : vector<256x128xi1>, vector<256x128xf32>
    %reduce_sum3A_529 = arith.constant dense<0.000000e+00> : vector<128xf32>
    %reduce_sum3A_530 = vector.multi_reduction <add>, %select_n3A_528, %reduce_sum3A_529 [0] : vector<256x128xf32> to vector<128xf32>
    %broadcast_in_dim3A_531 = vector.shape_cast %reduce_sum3A_530 : vector<128xf32> to vector<1x128xf32>
    %get3A_532 = arith.constant 28 : index
    %get3A_533 = arith.constant 0 : index
    %get3A_534 = vector.load %arg4[%get3A_532, %get3A_533] : memref<128x128xf32, #tpu.memory_space<vmem>>, vector<1x128xf32>
    %add3A_535 = arith.addf %get3A_534, %broadcast_in_dim3A_531 : vector<1x128xf32>
    %swap3A_536 = arith.constant 28 : index
    %swap3A_537 = arith.constant 0 : index
    %swap3A_538 = vector.load %arg4[%swap3A_536, %swap3A_537] : memref<128x128xf32, #tpu.memory_space<vmem>>, vector<1x128xf32>
    tpu.vector_store %arg4[%swap3A_536, %swap3A_537], %add3A_535 {strides = array<i32>} : memref<128x128xf32, #tpu.memory_space<vmem>>, vector<1x128xf32>,
    %eq3A_539 = arith.constant 2.900000e+01 : f32
    %eq3A_540 = vector.broadcast %eq3A_539 : f32 to vector<256x128xf32>
    %eq3A_541 = arith.cmpf oeq, %select_n3A, %eq3A_540 : vector<256x128xf32>
    %jit3A_542 = arith.constant 1.000000e+00 : f32
    %jit3A_543 = arith.constant 0.000000e+00 : f32
    %broadcast_in_dim3A_544 = vector.broadcast %jit3A_542 : f32 to vector<256x128xf32>
    %broadcast_in_dim3A_545 = vector.broadcast %jit3A_543 : f32 to vector<256x128xf32>
    %select_n3A_546 = arith.select %eq3A_541, %broadcast_in_dim3A_544, %broadcast_in_dim3A_545 : vector<256x128xi1>, vector<256x128xf32>
    %reduce_sum3A_547 = arith.constant dense<0.000000e+00> : vector<128xf32>
    %reduce_sum3A_548 = vector.multi_reduction <add>, %select_n3A_546, %reduce_sum3A_547 [0] : vector<256x128xf32> to vector<128xf32>
    %broadcast_in_dim3A_549 = vector.shape_cast %reduce_sum3A_548 : vector<128xf32> to vector<1x128xf32>
    %get3A_550 = arith.constant 29 : index
    %get3A_551 = arith.constant 0 : index
    %get3A_552 = vector.load %arg4[%get3A_550, %get3A_551] : memref<128x128xf32, #tpu.memory_space<vmem>>, vector<1x128xf32>
    %add3A_553 = arith.addf %get3A_552, %broadcast_in_dim3A_549 : vector<1x128xf32>
    %swap3A_554 = arith.constant 29 : index
    %swap3A_555 = arith.constant 0 : index
    %swap3A_556 = vector.load %arg4[%swap3A_554, %swap3A_555] : memref<128x128xf32, #tpu.memory_space<vmem>>, vector<1x128xf32>
    tpu.vector_store %arg4[%swap3A_554, %swap3A_555], %add3A_553 {strides = array<i32>} : memref<128x128xf32, #tpu.memory_space<vmem>>, vector<1x128xf32>,
    %eq3A_557 = arith.constant 3.000000e+01 : f32
    %eq3A_558 = vector.broadcast %eq3A_557 : f32 to vector<256x128xf32>
    %eq3A_559 = arith.cmpf oeq, %select_n3A, %eq3A_558 : vector<256x128xf32>
    %jit3A_560 = arith.constant 1.000000e+00 : f32
    %jit3A_561 = arith.constant 0.000000e+00 : f32
    %broadcast_in_dim3A_562 = vector.broadcast %jit3A_560 : f32 to vector<256x128xf32>
    %broadcast_in_dim3A_563 = vector.broadcast %jit3A_561 : f32 to vector<256x128xf32>
    %select_n3A_564 = arith.select %eq3A_559, %broadcast_in_dim3A_562, %broadcast_in_dim3A_563 : vector<256x128xi1>, vector<256x128xf32>
    %reduce_sum3A_565 = arith.constant dense<0.000000e+00> : vector<128xf32>
    %reduce_sum3A_566 = vector.multi_reduction <add>, %select_n3A_564, %reduce_sum3A_565 [0] : vector<256x128xf32> to vector<128xf32>
    %broadcast_in_dim3A_567 = vector.shape_cast %reduce_sum3A_566 : vector<128xf32> to vector<1x128xf32>
    %get3A_568 = arith.constant 30 : index
    %get3A_569 = arith.constant 0 : index
    %get3A_570 = vector.load %arg4[%get3A_568, %get3A_569] : memref<128x128xf32, #tpu.memory_space<vmem>>, vector<1x128xf32>
    %add3A_571 = arith.addf %get3A_570, %broadcast_in_dim3A_567 : vector<1x128xf32>
    %swap3A_572 = arith.constant 30 : index
    %swap3A_573 = arith.constant 0 : index
    %swap3A_574 = vector.load %arg4[%swap3A_572, %swap3A_573] : memref<128x128xf32, #tpu.memory_space<vmem>>, vector<1x128xf32>
    tpu.vector_store %arg4[%swap3A_572, %swap3A_573], %add3A_571 {strides = array<i32>} : memref<128x128xf32, #tpu.memory_space<vmem>>, vector<1x128xf32>,
    %eq3A_575 = arith.constant 3.100000e+01 : f32
    %eq3A_576 = vector.broadcast %eq3A_575 : f32 to vector<256x128xf32>
    %eq3A_577 = arith.cmpf oeq, %select_n3A, %eq3A_576 : vector<256x128xf32>
    %jit3A_578 = arith.constant 1.000000e+00 : f32
    %jit3A_579 = arith.constant 0.000000e+00 : f32
    %broadcast_in_dim3A_580 = vector.broadcast %jit3A_578 : f32 to vector<256x128xf32>
    %broadcast_in_dim3A_581 = vector.broadcast %jit3A_579 : f32 to vector<256x128xf32>
    %select_n3A_582 = arith.select %eq3A_577, %broadcast_in_dim3A_580, %broadcast_in_dim3A_581 : vector<256x128xi1>, vector<256x128xf32>
    %reduce_sum3A_583 = arith.constant dense<0.000000e+00> : vector<128xf32>
    %reduce_sum3A_584 = vector.multi_reduction <add>, %select_n3A_582, %reduce_sum3A_583 [0] : vector<256x128xf32> to vector<128xf32>
    %broadcast_in_dim3A_585 = vector.shape_cast %reduce_sum3A_584 : vector<128xf32> to vector<1x128xf32>
    %get3A_586 = arith.constant 31 : index
    %get3A_587 = arith.constant 0 : index
    %get3A_588 = vector.load %arg4[%get3A_586, %get3A_587] : memref<128x128xf32, #tpu.memory_space<vmem>>, vector<1x128xf32>
    %add3A_589 = arith.addf %get3A_588, %broadcast_in_dim3A_585 : vector<1x128xf32>
    %swap3A_590 = arith.constant 31 : index
    %swap3A_591 = arith.constant 0 : index
    %swap3A_592 = vector.load %arg4[%swap3A_590, %swap3A_591] : memref<128x128xf32, #tpu.memory_space<vmem>>, vector<1x128xf32>
    tpu.vector_store %arg4[%swap3A_590, %swap3A_591], %add3A_589 {strides = array<i32>} : memref<128x128xf32, #tpu.memory_space<vmem>>, vector<1x128xf32>,
    %eq3A_593 = arith.constant 3.200000e+01 : f32
    %eq3A_594 = vector.broadcast %eq3A_593 : f32 to vector<256x128xf32>
    %eq3A_595 = arith.cmpf oeq, %select_n3A, %eq3A_594 : vector<256x128xf32>
    %jit3A_596 = arith.constant 1.000000e+00 : f32
    %jit3A_597 = arith.constant 0.000000e+00 : f32
    %broadcast_in_dim3A_598 = vector.broadcast %jit3A_596 : f32 to vector<256x128xf32>
    %broadcast_in_dim3A_599 = vector.broadcast %jit3A_597 : f32 to vector<256x128xf32>
    %select_n3A_600 = arith.select %eq3A_595, %broadcast_in_dim3A_598, %broadcast_in_dim3A_599 : vector<256x128xi1>, vector<256x128xf32>
    %reduce_sum3A_601 = arith.constant dense<0.000000e+00> : vector<128xf32>
    %reduce_sum3A_602 = vector.multi_reduction <add>, %select_n3A_600, %reduce_sum3A_601 [0] : vector<256x128xf32> to vector<128xf32>
    %broadcast_in_dim3A_603 = vector.shape_cast %reduce_sum3A_602 : vector<128xf32> to vector<1x128xf32>
    %get3A_604 = arith.constant 32 : index
    %get3A_605 = arith.constant 0 : index
    %get3A_606 = vector.load %arg4[%get3A_604, %get3A_605] : memref<128x128xf32, #tpu.memory_space<vmem>>, vector<1x128xf32>
    %add3A_607 = arith.addf %get3A_606, %broadcast_in_dim3A_603 : vector<1x128xf32>
    %swap3A_608 = arith.constant 32 : index
    %swap3A_609 = arith.constant 0 : index
    %swap3A_610 = vector.load %arg4[%swap3A_608, %swap3A_609] : memref<128x128xf32, #tpu.memory_space<vmem>>, vector<1x128xf32>
    tpu.vector_store %arg4[%swap3A_608, %swap3A_609], %add3A_607 {strides = array<i32>} : memref<128x128xf32, #tpu.memory_space<vmem>>, vector<1x128xf32>,
    %eq3A_611 = arith.constant 3.300000e+01 : f32
    %eq3A_612 = vector.broadcast %eq3A_611 : f32 to vector<256x128xf32>
    %eq3A_613 = arith.cmpf oeq, %select_n3A, %eq3A_612 : vector<256x128xf32>
    %jit3A_614 = arith.constant 1.000000e+00 : f32
    %jit3A_615 = arith.constant 0.000000e+00 : f32
    %broadcast_in_dim3A_616 = vector.broadcast %jit3A_614 : f32 to vector<256x128xf32>
    %broadcast_in_dim3A_617 = vector.broadcast %jit3A_615 : f32 to vector<256x128xf32>
    %select_n3A_618 = arith.select %eq3A_613, %broadcast_in_dim3A_616, %broadcast_in_dim3A_617 : vector<256x128xi1>, vector<256x128xf32>
    %reduce_sum3A_619 = arith.constant dense<0.000000e+00> : vector<128xf32>
    %reduce_sum3A_620 = vector.multi_reduction <add>, %select_n3A_618, %reduce_sum3A_619 [0] : vector<256x128xf32> to vector<128xf32>
    %broadcast_in_dim3A_621 = vector.shape_cast %reduce_sum3A_620 : vector<128xf32> to vector<1x128xf32>
    %get3A_622 = arith.constant 33 : index
    %get3A_623 = arith.constant 0 : index
    %get3A_624 = vector.load %arg4[%get3A_622, %get3A_623] : memref<128x128xf32, #tpu.memory_space<vmem>>, vector<1x128xf32>
    %add3A_625 = arith.addf %get3A_624, %broadcast_in_dim3A_621 : vector<1x128xf32>
    %swap3A_626 = arith.constant 33 : index
    %swap3A_627 = arith.constant 0 : index
    %swap3A_628 = vector.load %arg4[%swap3A_626, %swap3A_627] : memref<128x128xf32, #tpu.memory_space<vmem>>, vector<1x128xf32>
    tpu.vector_store %arg4[%swap3A_626, %swap3A_627], %add3A_625 {strides = array<i32>} : memref<128x128xf32, #tpu.memory_space<vmem>>, vector<1x128xf32>,
    %eq3A_629 = arith.constant 3.400000e+01 : f32
    %eq3A_630 = vector.broadcast %eq3A_629 : f32 to vector<256x128xf32>
    %eq3A_631 = arith.cmpf oeq, %select_n3A, %eq3A_630 : vector<256x128xf32>
    %jit3A_632 = arith.constant 1.000000e+00 : f32
    %jit3A_633 = arith.constant 0.000000e+00 : f32
    %broadcast_in_dim3A_634 = vector.broadcast %jit3A_632 : f32 to vector<256x128xf32>
    %broadcast_in_dim3A_635 = vector.broadcast %jit3A_633 : f32 to vector<256x128xf32>
    %select_n3A_636 = arith.select %eq3A_631, %broadcast_in_dim3A_634, %broadcast_in_dim3A_635 : vector<256x128xi1>, vector<256x128xf32>
    %reduce_sum3A_637 = arith.constant dense<0.000000e+00> : vector<128xf32>
    %reduce_sum3A_638 = vector.multi_reduction <add>, %select_n3A_636, %reduce_sum3A_637 [0] : vector<256x128xf32> to vector<128xf32>
    %broadcast_in_dim3A_639 = vector.shape_cast %reduce_sum3A_638 : vector<128xf32> to vector<1x128xf32>
    %get3A_640 = arith.constant 34 : index
    %get3A_641 = arith.constant 0 : index
    %get3A_642 = vector.load %arg4[%get3A_640, %get3A_641] : memref<128x128xf32, #tpu.memory_space<vmem>>, vector<1x128xf32>
    %add3A_643 = arith.addf %get3A_642, %broadcast_in_dim3A_639 : vector<1x128xf32>
    %swap3A_644 = arith.constant 34 : index
    %swap3A_645 = arith.constant 0 : index
    %swap3A_646 = vector.load %arg4[%swap3A_644, %swap3A_645] : memref<128x128xf32, #tpu.memory_space<vmem>>, vector<1x128xf32>
    tpu.vector_store %arg4[%swap3A_644, %swap3A_645], %add3A_643 {strides = array<i32>} : memref<128x128xf32, #tpu.memory_space<vmem>>, vector<1x128xf32>,
    %eq3A_647 = arith.constant 3.500000e+01 : f32
    %eq3A_648 = vector.broadcast %eq3A_647 : f32 to vector<256x128xf32>
    %eq3A_649 = arith.cmpf oeq, %select_n3A, %eq3A_648 : vector<256x128xf32>
    %jit3A_650 = arith.constant 1.000000e+00 : f32
    %jit3A_651 = arith.constant 0.000000e+00 : f32
    %broadcast_in_dim3A_652 = vector.broadcast %jit3A_650 : f32 to vector<256x128xf32>
    %broadcast_in_dim3A_653 = vector.broadcast %jit3A_651 : f32 to vector<256x128xf32>
    %select_n3A_654 = arith.select %eq3A_649, %broadcast_in_dim3A_652, %broadcast_in_dim3A_653 : vector<256x128xi1>, vector<256x128xf32>
    %reduce_sum3A_655 = arith.constant dense<0.000000e+00> : vector<128xf32>
    %reduce_sum3A_656 = vector.multi_reduction <add>, %select_n3A_654, %reduce_sum3A_655 [0] : vector<256x128xf32> to vector<128xf32>
    %broadcast_in_dim3A_657 = vector.shape_cast %reduce_sum3A_656 : vector<128xf32> to vector<1x128xf32>
    %get3A_658 = arith.constant 35 : index
    %get3A_659 = arith.constant 0 : index
    %get3A_660 = vector.load %arg4[%get3A_658, %get3A_659] : memref<128x128xf32, #tpu.memory_space<vmem>>, vector<1x128xf32>
    %add3A_661 = arith.addf %get3A_660, %broadcast_in_dim3A_657 : vector<1x128xf32>
    %swap3A_662 = arith.constant 35 : index
    %swap3A_663 = arith.constant 0 : index
    %swap3A_664 = vector.load %arg4[%swap3A_662, %swap3A_663] : memref<128x128xf32, #tpu.memory_space<vmem>>, vector<1x128xf32>
    tpu.vector_store %arg4[%swap3A_662, %swap3A_663], %add3A_661 {strides = array<i32>} : memref<128x128xf32, #tpu.memory_space<vmem>>, vector<1x128xf32>,
    %eq3A_665 = arith.constant 3.600000e+01 : f32
    %eq3A_666 = vector.broadcast %eq3A_665 : f32 to vector<256x128xf32>
    %eq3A_667 = arith.cmpf oeq, %select_n3A, %eq3A_666 : vector<256x128xf32>
    %jit3A_668 = arith.constant 1.000000e+00 : f32
    %jit3A_669 = arith.constant 0.000000e+00 : f32
    %broadcast_in_dim3A_670 = vector.broadcast %jit3A_668 : f32 to vector<256x128xf32>
    %broadcast_in_dim3A_671 = vector.broadcast %jit3A_669 : f32 to vector<256x128xf32>
    %select_n3A_672 = arith.select %eq3A_667, %broadcast_in_dim3A_670, %broadcast_in_dim3A_671 : vector<256x128xi1>, vector<256x128xf32>
    %reduce_sum3A_673 = arith.constant dense<0.000000e+00> : vector<128xf32>
    %reduce_sum3A_674 = vector.multi_reduction <add>, %select_n3A_672, %reduce_sum3A_673 [0] : vector<256x128xf32> to vector<128xf32>
    %broadcast_in_dim3A_675 = vector.shape_cast %reduce_sum3A_674 : vector<128xf32> to vector<1x128xf32>
    %get3A_676 = arith.constant 36 : index
    %get3A_677 = arith.constant 0 : index
    %get3A_678 = vector.load %arg4[%get3A_676, %get3A_677] : memref<128x128xf32, #tpu.memory_space<vmem>>, vector<1x128xf32>
    %add3A_679 = arith.addf %get3A_678, %broadcast_in_dim3A_675 : vector<1x128xf32>
    %swap3A_680 = arith.constant 36 : index
    %swap3A_681 = arith.constant 0 : index
    %swap3A_682 = vector.load %arg4[%swap3A_680, %swap3A_681] : memref<128x128xf32, #tpu.memory_space<vmem>>, vector<1x128xf32>
    tpu.vector_store %arg4[%swap3A_680, %swap3A_681], %add3A_679 {strides = array<i32>} : memref<128x128xf32, #tpu.memory_space<vmem>>, vector<1x128xf32>,
    %eq3A_683 = arith.constant 3.700000e+01 : f32
    %eq3A_684 = vector.broadcast %eq3A_683 : f32 to vector<256x128xf32>
    %eq3A_685 = arith.cmpf oeq, %select_n3A, %eq3A_684 : vector<256x128xf32>
    %jit3A_686 = arith.constant 1.000000e+00 : f32
    %jit3A_687 = arith.constant 0.000000e+00 : f32
    %broadcast_in_dim3A_688 = vector.broadcast %jit3A_686 : f32 to vector<256x128xf32>
    %broadcast_in_dim3A_689 = vector.broadcast %jit3A_687 : f32 to vector<256x128xf32>
    %select_n3A_690 = arith.select %eq3A_685, %broadcast_in_dim3A_688, %broadcast_in_dim3A_689 : vector<256x128xi1>, vector<256x128xf32>
    %reduce_sum3A_691 = arith.constant dense<0.000000e+00> : vector<128xf32>
    %reduce_sum3A_692 = vector.multi_reduction <add>, %select_n3A_690, %reduce_sum3A_691 [0] : vector<256x128xf32> to vector<128xf32>
    %broadcast_in_dim3A_693 = vector.shape_cast %reduce_sum3A_692 : vector<128xf32> to vector<1x128xf32>
    %get3A_694 = arith.constant 37 : index
    %get3A_695 = arith.constant 0 : index
    %get3A_696 = vector.load %arg4[%get3A_694, %get3A_695] : memref<128x128xf32, #tpu.memory_space<vmem>>, vector<1x128xf32>
    %add3A_697 = arith.addf %get3A_696, %broadcast_in_dim3A_693 : vector<1x128xf32>
    %swap3A_698 = arith.constant 37 : index
    %swap3A_699 = arith.constant 0 : index
    %swap3A_700 = vector.load %arg4[%swap3A_698, %swap3A_699] : memref<128x128xf32, #tpu.memory_space<vmem>>, vector<1x128xf32>
    tpu.vector_store %arg4[%swap3A_698, %swap3A_699], %add3A_697 {strides = array<i32>} : memref<128x128xf32, #tpu.memory_space<vmem>>, vector<1x128xf32>,
    %eq3A_701 = arith.constant 3.800000e+01 : f32
    %eq3A_702 = vector.broadcast %eq3A_701 : f32 to vector<256x128xf32>
    %eq3A_703 = arith.cmpf oeq, %select_n3A, %eq3A_702 : vector<256x128xf32>
    %jit3A_704 = arith.constant 1.000000e+00 : f32
    %jit3A_705 = arith.constant 0.000000e+00 : f32
    %broadcast_in_dim3A_706 = vector.broadcast %jit3A_704 : f32 to vector<256x128xf32>
    %broadcast_in_dim3A_707 = vector.broadcast %jit3A_705 : f32 to vector<256x128xf32>
    %select_n3A_708 = arith.select %eq3A_703, %broadcast_in_dim3A_706, %broadcast_in_dim3A_707 : vector<256x128xi1>, vector<256x128xf32>
    %reduce_sum3A_709 = arith.constant dense<0.000000e+00> : vector<128xf32>
    %reduce_sum3A_710 = vector.multi_reduction <add>, %select_n3A_708, %reduce_sum3A_709 [0] : vector<256x128xf32> to vector<128xf32>
    %broadcast_in_dim3A_711 = vector.shape_cast %reduce_sum3A_710 : vector<128xf32> to vector<1x128xf32>
    %get3A_712 = arith.constant 38 : index
    %get3A_713 = arith.constant 0 : index
    %get3A_714 = vector.load %arg4[%get3A_712, %get3A_713] : memref<128x128xf32, #tpu.memory_space<vmem>>, vector<1x128xf32>
    %add3A_715 = arith.addf %get3A_714, %broadcast_in_dim3A_711 : vector<1x128xf32>
    %swap3A_716 = arith.constant 38 : index
    %swap3A_717 = arith.constant 0 : index
    %swap3A_718 = vector.load %arg4[%swap3A_716, %swap3A_717] : memref<128x128xf32, #tpu.memory_space<vmem>>, vector<1x128xf32>
    tpu.vector_store %arg4[%swap3A_716, %swap3A_717], %add3A_715 {strides = array<i32>} : memref<128x128xf32, #tpu.memory_space<vmem>>, vector<1x128xf32>,
    %eq3A_719 = arith.constant 3.900000e+01 : f32
    %eq3A_720 = vector.broadcast %eq3A_719 : f32 to vector<256x128xf32>
    %eq3A_721 = arith.cmpf oeq, %select_n3A, %eq3A_720 : vector<256x128xf32>
    %jit3A_722 = arith.constant 1.000000e+00 : f32
    %jit3A_723 = arith.constant 0.000000e+00 : f32
    %broadcast_in_dim3A_724 = vector.broadcast %jit3A_722 : f32 to vector<256x128xf32>
    %broadcast_in_dim3A_725 = vector.broadcast %jit3A_723 : f32 to vector<256x128xf32>
    %select_n3A_726 = arith.select %eq3A_721, %broadcast_in_dim3A_724, %broadcast_in_dim3A_725 : vector<256x128xi1>, vector<256x128xf32>
    %reduce_sum3A_727 = arith.constant dense<0.000000e+00> : vector<128xf32>
    %reduce_sum3A_728 = vector.multi_reduction <add>, %select_n3A_726, %reduce_sum3A_727 [0] : vector<256x128xf32> to vector<128xf32>
    %broadcast_in_dim3A_729 = vector.shape_cast %reduce_sum3A_728 : vector<128xf32> to vector<1x128xf32>
    %get3A_730 = arith.constant 39 : index
    %get3A_731 = arith.constant 0 : index
    %get3A_732 = vector.load %arg4[%get3A_730, %get3A_731] : memref<128x128xf32, #tpu.memory_space<vmem>>, vector<1x128xf32>
    %add3A_733 = arith.addf %get3A_732, %broadcast_in_dim3A_729 : vector<1x128xf32>
    %swap3A_734 = arith.constant 39 : index
    %swap3A_735 = arith.constant 0 : index
    %swap3A_736 = vector.load %arg4[%swap3A_734, %swap3A_735] : memref<128x128xf32, #tpu.memory_space<vmem>>, vector<1x128xf32>
    tpu.vector_store %arg4[%swap3A_734, %swap3A_735], %add3A_733 {strides = array<i32>} : memref<128x128xf32, #tpu.memory_space<vmem>>, vector<1x128xf32>,
    %eq3A_737 = arith.constant 4.000000e+01 : f32
    %eq3A_738 = vector.broadcast %eq3A_737 : f32 to vector<256x128xf32>
    %eq3A_739 = arith.cmpf oeq, %select_n3A, %eq3A_738 : vector<256x128xf32>
    %jit3A_740 = arith.constant 1.000000e+00 : f32
    %jit3A_741 = arith.constant 0.000000e+00 : f32
    %broadcast_in_dim3A_742 = vector.broadcast %jit3A_740 : f32 to vector<256x128xf32>
    %broadcast_in_dim3A_743 = vector.broadcast %jit3A_741 : f32 to vector<256x128xf32>
    %select_n3A_744 = arith.select %eq3A_739, %broadcast_in_dim3A_742, %broadcast_in_dim3A_743 : vector<256x128xi1>, vector<256x128xf32>
    %reduce_sum3A_745 = arith.constant dense<0.000000e+00> : vector<128xf32>
    %reduce_sum3A_746 = vector.multi_reduction <add>, %select_n3A_744, %reduce_sum3A_745 [0] : vector<256x128xf32> to vector<128xf32>
    %broadcast_in_dim3A_747 = vector.shape_cast %reduce_sum3A_746 : vector<128xf32> to vector<1x128xf32>
    %get3A_748 = arith.constant 40 : index
    %get3A_749 = arith.constant 0 : index
    %get3A_750 = vector.load %arg4[%get3A_748, %get3A_749] : memref<128x128xf32, #tpu.memory_space<vmem>>, vector<1x128xf32>
    %add3A_751 = arith.addf %get3A_750, %broadcast_in_dim3A_747 : vector<1x128xf32>
    %swap3A_752 = arith.constant 40 : index
    %swap3A_753 = arith.constant 0 : index
    %swap3A_754 = vector.load %arg4[%swap3A_752, %swap3A_753] : memref<128x128xf32, #tpu.memory_space<vmem>>, vector<1x128xf32>
    tpu.vector_store %arg4[%swap3A_752, %swap3A_753], %add3A_751 {strides = array<i32>} : memref<128x128xf32, #tpu.memory_space<vmem>>, vector<1x128xf32>,
    %eq3A_755 = arith.constant 4.100000e+01 : f32
    %eq3A_756 = vector.broadcast %eq3A_755 : f32 to vector<256x128xf32>
    %eq3A_757 = arith.cmpf oeq, %select_n3A, %eq3A_756 : vector<256x128xf32>
    %jit3A_758 = arith.constant 1.000000e+00 : f32
    %jit3A_759 = arith.constant 0.000000e+00 : f32
    %broadcast_in_dim3A_760 = vector.broadcast %jit3A_758 : f32 to vector<256x128xf32>
    %broadcast_in_dim3A_761 = vector.broadcast %jit3A_759 : f32 to vector<256x128xf32>
    %select_n3A_762 = arith.select %eq3A_757, %broadcast_in_dim3A_760, %broadcast_in_dim3A_761 : vector<256x128xi1>, vector<256x128xf32>
    %reduce_sum3A_763 = arith.constant dense<0.000000e+00> : vector<128xf32>
    %reduce_sum3A_764 = vector.multi_reduction <add>, %select_n3A_762, %reduce_sum3A_763 [0] : vector<256x128xf32> to vector<128xf32>
    %broadcast_in_dim3A_765 = vector.shape_cast %reduce_sum3A_764 : vector<128xf32> to vector<1x128xf32>
    %get3A_766 = arith.constant 41 : index
    %get3A_767 = arith.constant 0 : index
    %get3A_768 = vector.load %arg4[%get3A_766, %get3A_767] : memref<128x128xf32, #tpu.memory_space<vmem>>, vector<1x128xf32>
    %add3A_769 = arith.addf %get3A_768, %broadcast_in_dim3A_765 : vector<1x128xf32>
    %swap3A_770 = arith.constant 41 : index
    %swap3A_771 = arith.constant 0 : index
    %swap3A_772 = vector.load %arg4[%swap3A_770, %swap3A_771] : memref<128x128xf32, #tpu.memory_space<vmem>>, vector<1x128xf32>
    tpu.vector_store %arg4[%swap3A_770, %swap3A_771], %add3A_769 {strides = array<i32>} : memref<128x128xf32, #tpu.memory_space<vmem>>, vector<1x128xf32>,
    %eq3A_773 = arith.constant 4.200000e+01 : f32
    %eq3A_774 = vector.broadcast %eq3A_773 : f32 to vector<256x128xf32>
    %eq3A_775 = arith.cmpf oeq, %select_n3A, %eq3A_774 : vector<256x128xf32>
    %jit3A_776 = arith.constant 1.000000e+00 : f32
    %jit3A_777 = arith.constant 0.000000e+00 : f32
    %broadcast_in_dim3A_778 = vector.broadcast %jit3A_776 : f32 to vector<256x128xf32>
    %broadcast_in_dim3A_779 = vector.broadcast %jit3A_777 : f32 to vector<256x128xf32>
    %select_n3A_780 = arith.select %eq3A_775, %broadcast_in_dim3A_778, %broadcast_in_dim3A_779 : vector<256x128xi1>, vector<256x128xf32>
    %reduce_sum3A_781 = arith.constant dense<0.000000e+00> : vector<128xf32>
    %reduce_sum3A_782 = vector.multi_reduction <add>, %select_n3A_780, %reduce_sum3A_781 [0] : vector<256x128xf32> to vector<128xf32>
    %broadcast_in_dim3A_783 = vector.shape_cast %reduce_sum3A_782 : vector<128xf32> to vector<1x128xf32>
    %get3A_784 = arith.constant 42 : index
    %get3A_785 = arith.constant 0 : index
    %get3A_786 = vector.load %arg4[%get3A_784, %get3A_785] : memref<128x128xf32, #tpu.memory_space<vmem>>, vector<1x128xf32>
    %add3A_787 = arith.addf %get3A_786, %broadcast_in_dim3A_783 : vector<1x128xf32>
    %swap3A_788 = arith.constant 42 : index
    %swap3A_789 = arith.constant 0 : index
    %swap3A_790 = vector.load %arg4[%swap3A_788, %swap3A_789] : memref<128x128xf32, #tpu.memory_space<vmem>>, vector<1x128xf32>
    tpu.vector_store %arg4[%swap3A_788, %swap3A_789], %add3A_787 {strides = array<i32>} : memref<128x128xf32, #tpu.memory_space<vmem>>, vector<1x128xf32>,
    %eq3A_791 = arith.constant 4.300000e+01 : f32
    %eq3A_792 = vector.broadcast %eq3A_791 : f32 to vector<256x128xf32>
    %eq3A_793 = arith.cmpf oeq, %select_n3A, %eq3A_792 : vector<256x128xf32>
    %jit3A_794 = arith.constant 1.000000e+00 : f32
    %jit3A_795 = arith.constant 0.000000e+00 : f32
    %broadcast_in_dim3A_796 = vector.broadcast %jit3A_794 : f32 to vector<256x128xf32>
    %broadcast_in_dim3A_797 = vector.broadcast %jit3A_795 : f32 to vector<256x128xf32>
    %select_n3A_798 = arith.select %eq3A_793, %broadcast_in_dim3A_796, %broadcast_in_dim3A_797 : vector<256x128xi1>, vector<256x128xf32>
    %reduce_sum3A_799 = arith.constant dense<0.000000e+00> : vector<128xf32>
    %reduce_sum3A_800 = vector.multi_reduction <add>, %select_n3A_798, %reduce_sum3A_799 [0] : vector<256x128xf32> to vector<128xf32>
    %broadcast_in_dim3A_801 = vector.shape_cast %reduce_sum3A_800 : vector<128xf32> to vector<1x128xf32>
    %get3A_802 = arith.constant 43 : index
    %get3A_803 = arith.constant 0 : index
    %get3A_804 = vector.load %arg4[%get3A_802, %get3A_803] : memref<128x128xf32, #tpu.memory_space<vmem>>, vector<1x128xf32>
    %add3A_805 = arith.addf %get3A_804, %broadcast_in_dim3A_801 : vector<1x128xf32>
    %swap3A_806 = arith.constant 43 : index
    %swap3A_807 = arith.constant 0 : index
    %swap3A_808 = vector.load %arg4[%swap3A_806, %swap3A_807] : memref<128x128xf32, #tpu.memory_space<vmem>>, vector<1x128xf32>
    tpu.vector_store %arg4[%swap3A_806, %swap3A_807], %add3A_805 {strides = array<i32>} : memref<128x128xf32, #tpu.memory_space<vmem>>, vector<1x128xf32>,
    %eq3A_809 = arith.constant 4.400000e+01 : f32
    %eq3A_810 = vector.broadcast %eq3A_809 : f32 to vector<256x128xf32>
    %eq3A_811 = arith.cmpf oeq, %select_n3A, %eq3A_810 : vector<256x128xf32>
    %jit3A_812 = arith.constant 1.000000e+00 : f32
    %jit3A_813 = arith.constant 0.000000e+00 : f32
    %broadcast_in_dim3A_814 = vector.broadcast %jit3A_812 : f32 to vector<256x128xf32>
    %broadcast_in_dim3A_815 = vector.broadcast %jit3A_813 : f32 to vector<256x128xf32>
    %select_n3A_816 = arith.select %eq3A_811, %broadcast_in_dim3A_814, %broadcast_in_dim3A_815 : vector<256x128xi1>, vector<256x128xf32>
    %reduce_sum3A_817 = arith.constant dense<0.000000e+00> : vector<128xf32>
    %reduce_sum3A_818 = vector.multi_reduction <add>, %select_n3A_816, %reduce_sum3A_817 [0] : vector<256x128xf32> to vector<128xf32>
    %broadcast_in_dim3A_819 = vector.shape_cast %reduce_sum3A_818 : vector<128xf32> to vector<1x128xf32>
    %get3A_820 = arith.constant 44 : index
    %get3A_821 = arith.constant 0 : index
    %get3A_822 = vector.load %arg4[%get3A_820, %get3A_821] : memref<128x128xf32, #tpu.memory_space<vmem>>, vector<1x128xf32>
    %add3A_823 = arith.addf %get3A_822, %broadcast_in_dim3A_819 : vector<1x128xf32>
    %swap3A_824 = arith.constant 44 : index
    %swap3A_825 = arith.constant 0 : index
    %swap3A_826 = vector.load %arg4[%swap3A_824, %swap3A_825] : memref<128x128xf32, #tpu.memory_space<vmem>>, vector<1x128xf32>
    tpu.vector_store %arg4[%swap3A_824, %swap3A_825], %add3A_823 {strides = array<i32>} : memref<128x128xf32, #tpu.memory_space<vmem>>, vector<1x128xf32>,
    %eq3A_827 = arith.constant 4.500000e+01 : f32
    %eq3A_828 = vector.broadcast %eq3A_827 : f32 to vector<256x128xf32>
    %eq3A_829 = arith.cmpf oeq, %select_n3A, %eq3A_828 : vector<256x128xf32>
    %jit3A_830 = arith.constant 1.000000e+00 : f32
    %jit3A_831 = arith.constant 0.000000e+00 : f32
    %broadcast_in_dim3A_832 = vector.broadcast %jit3A_830 : f32 to vector<256x128xf32>
    %broadcast_in_dim3A_833 = vector.broadcast %jit3A_831 : f32 to vector<256x128xf32>
    %select_n3A_834 = arith.select %eq3A_829, %broadcast_in_dim3A_832, %broadcast_in_dim3A_833 : vector<256x128xi1>, vector<256x128xf32>
    %reduce_sum3A_835 = arith.constant dense<0.000000e+00> : vector<128xf32>
    %reduce_sum3A_836 = vector.multi_reduction <add>, %select_n3A_834, %reduce_sum3A_835 [0] : vector<256x128xf32> to vector<128xf32>
    %broadcast_in_dim3A_837 = vector.shape_cast %reduce_sum3A_836 : vector<128xf32> to vector<1x128xf32>
    %get3A_838 = arith.constant 45 : index
    %get3A_839 = arith.constant 0 : index
    %get3A_840 = vector.load %arg4[%get3A_838, %get3A_839] : memref<128x128xf32, #tpu.memory_space<vmem>>, vector<1x128xf32>
    %add3A_841 = arith.addf %get3A_840, %broadcast_in_dim3A_837 : vector<1x128xf32>
    %swap3A_842 = arith.constant 45 : index
    %swap3A_843 = arith.constant 0 : index
    %swap3A_844 = vector.load %arg4[%swap3A_842, %swap3A_843] : memref<128x128xf32, #tpu.memory_space<vmem>>, vector<1x128xf32>
    tpu.vector_store %arg4[%swap3A_842, %swap3A_843], %add3A_841 {strides = array<i32>} : memref<128x128xf32, #tpu.memory_space<vmem>>, vector<1x128xf32>,
    %eq3A_845 = arith.constant 4.600000e+01 : f32
    %eq3A_846 = vector.broadcast %eq3A_845 : f32 to vector<256x128xf32>
    %eq3A_847 = arith.cmpf oeq, %select_n3A, %eq3A_846 : vector<256x128xf32>
    %jit3A_848 = arith.constant 1.000000e+00 : f32
    %jit3A_849 = arith.constant 0.000000e+00 : f32
    %broadcast_in_dim3A_850 = vector.broadcast %jit3A_848 : f32 to vector<256x128xf32>
    %broadcast_in_dim3A_851 = vector.broadcast %jit3A_849 : f32 to vector<256x128xf32>
    %select_n3A_852 = arith.select %eq3A_847, %broadcast_in_dim3A_850, %broadcast_in_dim3A_851 : vector<256x128xi1>, vector<256x128xf32>
    %reduce_sum3A_853 = arith.constant dense<0.000000e+00> : vector<128xf32>
    %reduce_sum3A_854 = vector.multi_reduction <add>, %select_n3A_852, %reduce_sum3A_853 [0] : vector<256x128xf32> to vector<128xf32>
    %broadcast_in_dim3A_855 = vector.shape_cast %reduce_sum3A_854 : vector<128xf32> to vector<1x128xf32>
    %get3A_856 = arith.constant 46 : index
    %get3A_857 = arith.constant 0 : index
    %get3A_858 = vector.load %arg4[%get3A_856, %get3A_857] : memref<128x128xf32, #tpu.memory_space<vmem>>, vector<1x128xf32>
    %add3A_859 = arith.addf %get3A_858, %broadcast_in_dim3A_855 : vector<1x128xf32>
    %swap3A_860 = arith.constant 46 : index
    %swap3A_861 = arith.constant 0 : index
    %swap3A_862 = vector.load %arg4[%swap3A_860, %swap3A_861] : memref<128x128xf32, #tpu.memory_space<vmem>>, vector<1x128xf32>
    tpu.vector_store %arg4[%swap3A_860, %swap3A_861], %add3A_859 {strides = array<i32>} : memref<128x128xf32, #tpu.memory_space<vmem>>, vector<1x128xf32>,
    %eq3A_863 = arith.constant 4.700000e+01 : f32
    %eq3A_864 = vector.broadcast %eq3A_863 : f32 to vector<256x128xf32>
    %eq3A_865 = arith.cmpf oeq, %select_n3A, %eq3A_864 : vector<256x128xf32>
    %jit3A_866 = arith.constant 1.000000e+00 : f32
    %jit3A_867 = arith.constant 0.000000e+00 : f32
    %broadcast_in_dim3A_868 = vector.broadcast %jit3A_866 : f32 to vector<256x128xf32>
    %broadcast_in_dim3A_869 = vector.broadcast %jit3A_867 : f32 to vector<256x128xf32>
    %select_n3A_870 = arith.select %eq3A_865, %broadcast_in_dim3A_868, %broadcast_in_dim3A_869 : vector<256x128xi1>, vector<256x128xf32>
    %reduce_sum3A_871 = arith.constant dense<0.000000e+00> : vector<128xf32>
    %reduce_sum3A_872 = vector.multi_reduction <add>, %select_n3A_870, %reduce_sum3A_871 [0] : vector<256x128xf32> to vector<128xf32>
    %broadcast_in_dim3A_873 = vector.shape_cast %reduce_sum3A_872 : vector<128xf32> to vector<1x128xf32>
    %get3A_874 = arith.constant 47 : index
    %get3A_875 = arith.constant 0 : index
    %get3A_876 = vector.load %arg4[%get3A_874, %get3A_875] : memref<128x128xf32, #tpu.memory_space<vmem>>, vector<1x128xf32>
    %add3A_877 = arith.addf %get3A_876, %broadcast_in_dim3A_873 : vector<1x128xf32>
    %swap3A_878 = arith.constant 47 : index
    %swap3A_879 = arith.constant 0 : index
    %swap3A_880 = vector.load %arg4[%swap3A_878, %swap3A_879] : memref<128x128xf32, #tpu.memory_space<vmem>>, vector<1x128xf32>
    tpu.vector_store %arg4[%swap3A_878, %swap3A_879], %add3A_877 {strides = array<i32>} : memref<128x128xf32, #tpu.memory_space<vmem>>, vector<1x128xf32>,
    %eq3A_881 = arith.constant 4.800000e+01 : f32
    %eq3A_882 = vector.broadcast %eq3A_881 : f32 to vector<256x128xf32>
    %eq3A_883 = arith.cmpf oeq, %select_n3A, %eq3A_882 : vector<256x128xf32>
    %jit3A_884 = arith.constant 1.000000e+00 : f32
    %jit3A_885 = arith.constant 0.000000e+00 : f32
    %broadcast_in_dim3A_886 = vector.broadcast %jit3A_884 : f32 to vector<256x128xf32>
    %broadcast_in_dim3A_887 = vector.broadcast %jit3A_885 : f32 to vector<256x128xf32>
    %select_n3A_888 = arith.select %eq3A_883, %broadcast_in_dim3A_886, %broadcast_in_dim3A_887 : vector<256x128xi1>, vector<256x128xf32>
    %reduce_sum3A_889 = arith.constant dense<0.000000e+00> : vector<128xf32>
    %reduce_sum3A_890 = vector.multi_reduction <add>, %select_n3A_888, %reduce_sum3A_889 [0] : vector<256x128xf32> to vector<128xf32>
    %broadcast_in_dim3A_891 = vector.shape_cast %reduce_sum3A_890 : vector<128xf32> to vector<1x128xf32>
    %get3A_892 = arith.constant 48 : index
    %get3A_893 = arith.constant 0 : index
    %get3A_894 = vector.load %arg4[%get3A_892, %get3A_893] : memref<128x128xf32, #tpu.memory_space<vmem>>, vector<1x128xf32>
    %add3A_895 = arith.addf %get3A_894, %broadcast_in_dim3A_891 : vector<1x128xf32>
    %swap3A_896 = arith.constant 48 : index
    %swap3A_897 = arith.constant 0 : index
    %swap3A_898 = vector.load %arg4[%swap3A_896, %swap3A_897] : memref<128x128xf32, #tpu.memory_space<vmem>>, vector<1x128xf32>
    tpu.vector_store %arg4[%swap3A_896, %swap3A_897], %add3A_895 {strides = array<i32>} : memref<128x128xf32, #tpu.memory_space<vmem>>, vector<1x128xf32>,
    %eq3A_899 = arith.constant 4.900000e+01 : f32
    %eq3A_900 = vector.broadcast %eq3A_899 : f32 to vector<256x128xf32>
    %eq3A_901 = arith.cmpf oeq, %select_n3A, %eq3A_900 : vector<256x128xf32>
    %jit3A_902 = arith.constant 1.000000e+00 : f32
    %jit3A_903 = arith.constant 0.000000e+00 : f32
    %broadcast_in_dim3A_904 = vector.broadcast %jit3A_902 : f32 to vector<256x128xf32>
    %broadcast_in_dim3A_905 = vector.broadcast %jit3A_903 : f32 to vector<256x128xf32>
    %select_n3A_906 = arith.select %eq3A_901, %broadcast_in_dim3A_904, %broadcast_in_dim3A_905 : vector<256x128xi1>, vector<256x128xf32>
    %reduce_sum3A_907 = arith.constant dense<0.000000e+00> : vector<128xf32>
    %reduce_sum3A_908 = vector.multi_reduction <add>, %select_n3A_906, %reduce_sum3A_907 [0] : vector<256x128xf32> to vector<128xf32>
    %broadcast_in_dim3A_909 = vector.shape_cast %reduce_sum3A_908 : vector<128xf32> to vector<1x128xf32>
    %get3A_910 = arith.constant 49 : index
    %get3A_911 = arith.constant 0 : index
    %get3A_912 = vector.load %arg4[%get3A_910, %get3A_911] : memref<128x128xf32, #tpu.memory_space<vmem>>, vector<1x128xf32>
    %add3A_913 = arith.addf %get3A_912, %broadcast_in_dim3A_909 : vector<1x128xf32>
    %swap3A_914 = arith.constant 49 : index
    %swap3A_915 = arith.constant 0 : index
    %swap3A_916 = vector.load %arg4[%swap3A_914, %swap3A_915] : memref<128x128xf32, #tpu.memory_space<vmem>>, vector<1x128xf32>
    tpu.vector_store %arg4[%swap3A_914, %swap3A_915], %add3A_913 {strides = array<i32>} : memref<128x128xf32, #tpu.memory_space<vmem>>, vector<1x128xf32>,
    %eq3A_917 = arith.constant 5.000000e+01 : f32
    %eq3A_918 = vector.broadcast %eq3A_917 : f32 to vector<256x128xf32>
    %eq3A_919 = arith.cmpf oeq, %select_n3A, %eq3A_918 : vector<256x128xf32>
    %jit3A_920 = arith.constant 1.000000e+00 : f32
    %jit3A_921 = arith.constant 0.000000e+00 : f32
    %broadcast_in_dim3A_922 = vector.broadcast %jit3A_920 : f32 to vector<256x128xf32>
    %broadcast_in_dim3A_923 = vector.broadcast %jit3A_921 : f32 to vector<256x128xf32>
    %select_n3A_924 = arith.select %eq3A_919, %broadcast_in_dim3A_922, %broadcast_in_dim3A_923 : vector<256x128xi1>, vector<256x128xf32>
    %reduce_sum3A_925 = arith.constant dense<0.000000e+00> : vector<128xf32>
    %reduce_sum3A_926 = vector.multi_reduction <add>, %select_n3A_924, %reduce_sum3A_925 [0] : vector<256x128xf32> to vector<128xf32>
    %broadcast_in_dim3A_927 = vector.shape_cast %reduce_sum3A_926 : vector<128xf32> to vector<1x128xf32>
    %get3A_928 = arith.constant 50 : index
    %get3A_929 = arith.constant 0 : index
    %get3A_930 = vector.load %arg4[%get3A_928, %get3A_929] : memref<128x128xf32, #tpu.memory_space<vmem>>, vector<1x128xf32>
    %add3A_931 = arith.addf %get3A_930, %broadcast_in_dim3A_927 : vector<1x128xf32>
    %swap3A_932 = arith.constant 50 : index
    %swap3A_933 = arith.constant 0 : index
    %swap3A_934 = vector.load %arg4[%swap3A_932, %swap3A_933] : memref<128x128xf32, #tpu.memory_space<vmem>>, vector<1x128xf32>
    tpu.vector_store %arg4[%swap3A_932, %swap3A_933], %add3A_931 {strides = array<i32>} : memref<128x128xf32, #tpu.memory_space<vmem>>, vector<1x128xf32>,
    %eq3A_935 = arith.constant 5.100000e+01 : f32
    %eq3A_936 = vector.broadcast %eq3A_935 : f32 to vector<256x128xf32>
    %eq3A_937 = arith.cmpf oeq, %select_n3A, %eq3A_936 : vector<256x128xf32>
    %jit3A_938 = arith.constant 1.000000e+00 : f32
    %jit3A_939 = arith.constant 0.000000e+00 : f32
    %broadcast_in_dim3A_940 = vector.broadcast %jit3A_938 : f32 to vector<256x128xf32>
    %broadcast_in_dim3A_941 = vector.broadcast %jit3A_939 : f32 to vector<256x128xf32>
    %select_n3A_942 = arith.select %eq3A_937, %broadcast_in_dim3A_940, %broadcast_in_dim3A_941 : vector<256x128xi1>, vector<256x128xf32>
    %reduce_sum3A_943 = arith.constant dense<0.000000e+00> : vector<128xf32>
    %reduce_sum3A_944 = vector.multi_reduction <add>, %select_n3A_942, %reduce_sum3A_943 [0] : vector<256x128xf32> to vector<128xf32>
    %broadcast_in_dim3A_945 = vector.shape_cast %reduce_sum3A_944 : vector<128xf32> to vector<1x128xf32>
    %get3A_946 = arith.constant 51 : index
    %get3A_947 = arith.constant 0 : index
    %get3A_948 = vector.load %arg4[%get3A_946, %get3A_947] : memref<128x128xf32, #tpu.memory_space<vmem>>, vector<1x128xf32>
    %add3A_949 = arith.addf %get3A_948, %broadcast_in_dim3A_945 : vector<1x128xf32>
    %swap3A_950 = arith.constant 51 : index
    %swap3A_951 = arith.constant 0 : index
    %swap3A_952 = vector.load %arg4[%swap3A_950, %swap3A_951] : memref<128x128xf32, #tpu.memory_space<vmem>>, vector<1x128xf32>
    tpu.vector_store %arg4[%swap3A_950, %swap3A_951], %add3A_949 {strides = array<i32>} : memref<128x128xf32, #tpu.memory_space<vmem>>, vector<1x128xf32>,
    %eq3A_953 = arith.constant 5.200000e+01 : f32
    %eq3A_954 = vector.broadcast %eq3A_953 : f32 to vector<256x128xf32>
    %eq3A_955 = arith.cmpf oeq, %select_n3A, %eq3A_954 : vector<256x128xf32>
    %jit3A_956 = arith.constant 1.000000e+00 : f32
    %jit3A_957 = arith.constant 0.000000e+00 : f32
    %broadcast_in_dim3A_958 = vector.broadcast %jit3A_956 : f32 to vector<256x128xf32>
    %broadcast_in_dim3A_959 = vector.broadcast %jit3A_957 : f32 to vector<256x128xf32>
    %select_n3A_960 = arith.select %eq3A_955, %broadcast_in_dim3A_958, %broadcast_in_dim3A_959 : vector<256x128xi1>, vector<256x128xf32>
    %reduce_sum3A_961 = arith.constant dense<0.000000e+00> : vector<128xf32>
    %reduce_sum3A_962 = vector.multi_reduction <add>, %select_n3A_960, %reduce_sum3A_961 [0] : vector<256x128xf32> to vector<128xf32>
    %broadcast_in_dim3A_963 = vector.shape_cast %reduce_sum3A_962 : vector<128xf32> to vector<1x128xf32>
    %get3A_964 = arith.constant 52 : index
    %get3A_965 = arith.constant 0 : index
    %get3A_966 = vector.load %arg4[%get3A_964, %get3A_965] : memref<128x128xf32, #tpu.memory_space<vmem>>, vector<1x128xf32>
    %add3A_967 = arith.addf %get3A_966, %broadcast_in_dim3A_963 : vector<1x128xf32>
    %swap3A_968 = arith.constant 52 : index
    %swap3A_969 = arith.constant 0 : index
    %swap3A_970 = vector.load %arg4[%swap3A_968, %swap3A_969] : memref<128x128xf32, #tpu.memory_space<vmem>>, vector<1x128xf32>
    tpu.vector_store %arg4[%swap3A_968, %swap3A_969], %add3A_967 {strides = array<i32>} : memref<128x128xf32, #tpu.memory_space<vmem>>, vector<1x128xf32>,
    %eq3A_971 = arith.constant 5.300000e+01 : f32
    %eq3A_972 = vector.broadcast %eq3A_971 : f32 to vector<256x128xf32>
    %eq3A_973 = arith.cmpf oeq, %select_n3A, %eq3A_972 : vector<256x128xf32>
    %jit3A_974 = arith.constant 1.000000e+00 : f32
    %jit3A_975 = arith.constant 0.000000e+00 : f32
    %broadcast_in_dim3A_976 = vector.broadcast %jit3A_974 : f32 to vector<256x128xf32>
    %broadcast_in_dim3A_977 = vector.broadcast %jit3A_975 : f32 to vector<256x128xf32>
    %select_n3A_978 = arith.select %eq3A_973, %broadcast_in_dim3A_976, %broadcast_in_dim3A_977 : vector<256x128xi1>, vector<256x128xf32>
    %reduce_sum3A_979 = arith.constant dense<0.000000e+00> : vector<128xf32>
    %reduce_sum3A_980 = vector.multi_reduction <add>, %select_n3A_978, %reduce_sum3A_979 [0] : vector<256x128xf32> to vector<128xf32>
    %broadcast_in_dim3A_981 = vector.shape_cast %reduce_sum3A_980 : vector<128xf32> to vector<1x128xf32>
    %get3A_982 = arith.constant 53 : index
    %get3A_983 = arith.constant 0 : index
    %get3A_984 = vector.load %arg4[%get3A_982, %get3A_983] : memref<128x128xf32, #tpu.memory_space<vmem>>, vector<1x128xf32>
    %add3A_985 = arith.addf %get3A_984, %broadcast_in_dim3A_981 : vector<1x128xf32>
    %swap3A_986 = arith.constant 53 : index
    %swap3A_987 = arith.constant 0 : index
    %swap3A_988 = vector.load %arg4[%swap3A_986, %swap3A_987] : memref<128x128xf32, #tpu.memory_space<vmem>>, vector<1x128xf32>
    tpu.vector_store %arg4[%swap3A_986, %swap3A_987], %add3A_985 {strides = array<i32>} : memref<128x128xf32, #tpu.memory_space<vmem>>, vector<1x128xf32>,
    %eq3A_989 = arith.constant 5.400000e+01 : f32
    %eq3A_990 = vector.broadcast %eq3A_989 : f32 to vector<256x128xf32>
    %eq3A_991 = arith.cmpf oeq, %select_n3A, %eq3A_990 : vector<256x128xf32>
    %jit3A_992 = arith.constant 1.000000e+00 : f32
    %jit3A_993 = arith.constant 0.000000e+00 : f32
    %broadcast_in_dim3A_994 = vector.broadcast %jit3A_992 : f32 to vector<256x128xf32>
    %broadcast_in_dim3A_995 = vector.broadcast %jit3A_993 : f32 to vector<256x128xf32>
    %select_n3A_996 = arith.select %eq3A_991, %broadcast_in_dim3A_994, %broadcast_in_dim3A_995 : vector<256x128xi1>, vector<256x128xf32>
    %reduce_sum3A_997 = arith.constant dense<0.000000e+00> : vector<128xf32>
    %reduce_sum3A_998 = vector.multi_reduction <add>, %select_n3A_996, %reduce_sum3A_997 [0] : vector<256x128xf32> to vector<128xf32>
    %broadcast_in_dim3A_999 = vector.shape_cast %reduce_sum3A_998 : vector<128xf32> to vector<1x128xf32>
    %get3A_1000 = arith.constant 54 : index
    %get3A_1001 = arith.constant 0 : index
    %get3A_1002 = vector.load %arg4[%get3A_1000, %get3A_1001] : memref<128x128xf32, #tpu.memory_space<vmem>>, vector<1x128xf32>
    %add3A_1003 = arith.addf %get3A_1002, %broadcast_in_dim3A_999 : vector<1x128xf32>
    %swap3A_1004 = arith.constant 54 : index
    %swap3A_1005 = arith.constant 0 : index
    %swap3A_1006 = vector.load %arg4[%swap3A_1004, %swap3A_1005] : memref<128x128xf32, #tpu.memory_space<vmem>>, vector<1x128xf32>
    tpu.vector_store %arg4[%swap3A_1004, %swap3A_1005], %add3A_1003 {strides = array<i32>} : memref<128x128xf32, #tpu.memory_space<vmem>>, vector<1x128xf32>,
    %eq3A_1007 = arith.constant 5.500000e+01 : f32
    %eq3A_1008 = vector.broadcast %eq3A_1007 : f32 to vector<256x128xf32>
    %eq3A_1009 = arith.cmpf oeq, %select_n3A, %eq3A_1008 : vector<256x128xf32>
    %jit3A_1010 = arith.constant 1.000000e+00 : f32
    %jit3A_1011 = arith.constant 0.000000e+00 : f32
    %broadcast_in_dim3A_1012 = vector.broadcast %jit3A_1010 : f32 to vector<256x128xf32>
    %broadcast_in_dim3A_1013 = vector.broadcast %jit3A_1011 : f32 to vector<256x128xf32>
    %select_n3A_1014 = arith.select %eq3A_1009, %broadcast_in_dim3A_1012, %broadcast_in_dim3A_1013 : vector<256x128xi1>, vector<256x128xf32>
    %reduce_sum3A_1015 = arith.constant dense<0.000000e+00> : vector<128xf32>
    %reduce_sum3A_1016 = vector.multi_reduction <add>, %select_n3A_1014, %reduce_sum3A_1015 [0] : vector<256x128xf32> to vector<128xf32>
    %broadcast_in_dim3A_1017 = vector.shape_cast %reduce_sum3A_1016 : vector<128xf32> to vector<1x128xf32>
    %get3A_1018 = arith.constant 55 : index
    %get3A_1019 = arith.constant 0 : index
    %get3A_1020 = vector.load %arg4[%get3A_1018, %get3A_1019] : memref<128x128xf32, #tpu.memory_space<vmem>>, vector<1x128xf32>
    %add3A_1021 = arith.addf %get3A_1020, %broadcast_in_dim3A_1017 : vector<1x128xf32>
    %swap3A_1022 = arith.constant 55 : index
    %swap3A_1023 = arith.constant 0 : index
    %swap3A_1024 = vector.load %arg4[%swap3A_1022, %swap3A_1023] : memref<128x128xf32, #tpu.memory_space<vmem>>, vector<1x128xf32>
    tpu.vector_store %arg4[%swap3A_1022, %swap3A_1023], %add3A_1021 {strides = array<i32>} : memref<128x128xf32, #tpu.memory_space<vmem>>, vector<1x128xf32>,
    %eq3A_1025 = arith.constant 5.600000e+01 : f32
    %eq3A_1026 = vector.broadcast %eq3A_1025 : f32 to vector<256x128xf32>
    %eq3A_1027 = arith.cmpf oeq, %select_n3A, %eq3A_1026 : vector<256x128xf32>
    %jit3A_1028 = arith.constant 1.000000e+00 : f32
    %jit3A_1029 = arith.constant 0.000000e+00 : f32
    %broadcast_in_dim3A_1030 = vector.broadcast %jit3A_1028 : f32 to vector<256x128xf32>
    %broadcast_in_dim3A_1031 = vector.broadcast %jit3A_1029 : f32 to vector<256x128xf32>
    %select_n3A_1032 = arith.select %eq3A_1027, %broadcast_in_dim3A_1030, %broadcast_in_dim3A_1031 : vector<256x128xi1>, vector<256x128xf32>
    %reduce_sum3A_1033 = arith.constant dense<0.000000e+00> : vector<128xf32>
    %reduce_sum3A_1034 = vector.multi_reduction <add>, %select_n3A_1032, %reduce_sum3A_1033 [0] : vector<256x128xf32> to vector<128xf32>
    %broadcast_in_dim3A_1035 = vector.shape_cast %reduce_sum3A_1034 : vector<128xf32> to vector<1x128xf32>
    %get3A_1036 = arith.constant 56 : index
    %get3A_1037 = arith.constant 0 : index
    %get3A_1038 = vector.load %arg4[%get3A_1036, %get3A_1037] : memref<128x128xf32, #tpu.memory_space<vmem>>, vector<1x128xf32>
    %add3A_1039 = arith.addf %get3A_1038, %broadcast_in_dim3A_1035 : vector<1x128xf32>
    %swap3A_1040 = arith.constant 56 : index
    %swap3A_1041 = arith.constant 0 : index
    %swap3A_1042 = vector.load %arg4[%swap3A_1040, %swap3A_1041] : memref<128x128xf32, #tpu.memory_space<vmem>>, vector<1x128xf32>
    tpu.vector_store %arg4[%swap3A_1040, %swap3A_1041], %add3A_1039 {strides = array<i32>} : memref<128x128xf32, #tpu.memory_space<vmem>>, vector<1x128xf32>,
    %eq3A_1043 = arith.constant 5.700000e+01 : f32
    %eq3A_1044 = vector.broadcast %eq3A_1043 : f32 to vector<256x128xf32>
    %eq3A_1045 = arith.cmpf oeq, %select_n3A, %eq3A_1044 : vector<256x128xf32>
    %jit3A_1046 = arith.constant 1.000000e+00 : f32
    %jit3A_1047 = arith.constant 0.000000e+00 : f32
    %broadcast_in_dim3A_1048 = vector.broadcast %jit3A_1046 : f32 to vector<256x128xf32>
    %broadcast_in_dim3A_1049 = vector.broadcast %jit3A_1047 : f32 to vector<256x128xf32>
    %select_n3A_1050 = arith.select %eq3A_1045, %broadcast_in_dim3A_1048, %broadcast_in_dim3A_1049 : vector<256x128xi1>, vector<256x128xf32>
    %reduce_sum3A_1051 = arith.constant dense<0.000000e+00> : vector<128xf32>
    %reduce_sum3A_1052 = vector.multi_reduction <add>, %select_n3A_1050, %reduce_sum3A_1051 [0] : vector<256x128xf32> to vector<128xf32>
    %broadcast_in_dim3A_1053 = vector.shape_cast %reduce_sum3A_1052 : vector<128xf32> to vector<1x128xf32>
    %get3A_1054 = arith.constant 57 : index
    %get3A_1055 = arith.constant 0 : index
    %get3A_1056 = vector.load %arg4[%get3A_1054, %get3A_1055] : memref<128x128xf32, #tpu.memory_space<vmem>>, vector<1x128xf32>
    %add3A_1057 = arith.addf %get3A_1056, %broadcast_in_dim3A_1053 : vector<1x128xf32>
    %swap3A_1058 = arith.constant 57 : index
    %swap3A_1059 = arith.constant 0 : index
    %swap3A_1060 = vector.load %arg4[%swap3A_1058, %swap3A_1059] : memref<128x128xf32, #tpu.memory_space<vmem>>, vector<1x128xf32>
    tpu.vector_store %arg4[%swap3A_1058, %swap3A_1059], %add3A_1057 {strides = array<i32>} : memref<128x128xf32, #tpu.memory_space<vmem>>, vector<1x128xf32>,
    %eq3A_1061 = arith.constant 5.800000e+01 : f32
    %eq3A_1062 = vector.broadcast %eq3A_1061 : f32 to vector<256x128xf32>
    %eq3A_1063 = arith.cmpf oeq, %select_n3A, %eq3A_1062 : vector<256x128xf32>
    %jit3A_1064 = arith.constant 1.000000e+00 : f32
    %jit3A_1065 = arith.constant 0.000000e+00 : f32
    %broadcast_in_dim3A_1066 = vector.broadcast %jit3A_1064 : f32 to vector<256x128xf32>
    %broadcast_in_dim3A_1067 = vector.broadcast %jit3A_1065 : f32 to vector<256x128xf32>
    %select_n3A_1068 = arith.select %eq3A_1063, %broadcast_in_dim3A_1066, %broadcast_in_dim3A_1067 : vector<256x128xi1>, vector<256x128xf32>
    %reduce_sum3A_1069 = arith.constant dense<0.000000e+00> : vector<128xf32>
    %reduce_sum3A_1070 = vector.multi_reduction <add>, %select_n3A_1068, %reduce_sum3A_1069 [0] : vector<256x128xf32> to vector<128xf32>
    %broadcast_in_dim3A_1071 = vector.shape_cast %reduce_sum3A_1070 : vector<128xf32> to vector<1x128xf32>
    %get3A_1072 = arith.constant 58 : index
    %get3A_1073 = arith.constant 0 : index
    %get3A_1074 = vector.load %arg4[%get3A_1072, %get3A_1073] : memref<128x128xf32, #tpu.memory_space<vmem>>, vector<1x128xf32>
    %add3A_1075 = arith.addf %get3A_1074, %broadcast_in_dim3A_1071 : vector<1x128xf32>
    %swap3A_1076 = arith.constant 58 : index
    %swap3A_1077 = arith.constant 0 : index
    %swap3A_1078 = vector.load %arg4[%swap3A_1076, %swap3A_1077] : memref<128x128xf32, #tpu.memory_space<vmem>>, vector<1x128xf32>
    tpu.vector_store %arg4[%swap3A_1076, %swap3A_1077], %add3A_1075 {strides = array<i32>} : memref<128x128xf32, #tpu.memory_space<vmem>>, vector<1x128xf32>,
    %eq3A_1079 = arith.constant 5.900000e+01 : f32
    %eq3A_1080 = vector.broadcast %eq3A_1079 : f32 to vector<256x128xf32>
    %eq3A_1081 = arith.cmpf oeq, %select_n3A, %eq3A_1080 : vector<256x128xf32>
    %jit3A_1082 = arith.constant 1.000000e+00 : f32
    %jit3A_1083 = arith.constant 0.000000e+00 : f32
    %broadcast_in_dim3A_1084 = vector.broadcast %jit3A_1082 : f32 to vector<256x128xf32>
    %broadcast_in_dim3A_1085 = vector.broadcast %jit3A_1083 : f32 to vector<256x128xf32>
    %select_n3A_1086 = arith.select %eq3A_1081, %broadcast_in_dim3A_1084, %broadcast_in_dim3A_1085 : vector<256x128xi1>, vector<256x128xf32>
    %reduce_sum3A_1087 = arith.constant dense<0.000000e+00> : vector<128xf32>
    %reduce_sum3A_1088 = vector.multi_reduction <add>, %select_n3A_1086, %reduce_sum3A_1087 [0] : vector<256x128xf32> to vector<128xf32>
    %broadcast_in_dim3A_1089 = vector.shape_cast %reduce_sum3A_1088 : vector<128xf32> to vector<1x128xf32>
    %get3A_1090 = arith.constant 59 : index
    %get3A_1091 = arith.constant 0 : index
    %get3A_1092 = vector.load %arg4[%get3A_1090, %get3A_1091] : memref<128x128xf32, #tpu.memory_space<vmem>>, vector<1x128xf32>
    %add3A_1093 = arith.addf %get3A_1092, %broadcast_in_dim3A_1089 : vector<1x128xf32>
    %swap3A_1094 = arith.constant 59 : index
    %swap3A_1095 = arith.constant 0 : index
    %swap3A_1096 = vector.load %arg4[%swap3A_1094, %swap3A_1095] : memref<128x128xf32, #tpu.memory_space<vmem>>, vector<1x128xf32>
    tpu.vector_store %arg4[%swap3A_1094, %swap3A_1095], %add3A_1093 {strides = array<i32>} : memref<128x128xf32, #tpu.memory_space<vmem>>, vector<1x128xf32>,
    %eq3A_1097 = arith.constant 6.000000e+01 : f32
    %eq3A_1098 = vector.broadcast %eq3A_1097 : f32 to vector<256x128xf32>
    %eq3A_1099 = arith.cmpf oeq, %select_n3A, %eq3A_1098 : vector<256x128xf32>
    %jit3A_1100 = arith.constant 1.000000e+00 : f32
    %jit3A_1101 = arith.constant 0.000000e+00 : f32
    %broadcast_in_dim3A_1102 = vector.broadcast %jit3A_1100 : f32 to vector<256x128xf32>
    %broadcast_in_dim3A_1103 = vector.broadcast %jit3A_1101 : f32 to vector<256x128xf32>
    %select_n3A_1104 = arith.select %eq3A_1099, %broadcast_in_dim3A_1102, %broadcast_in_dim3A_1103 : vector<256x128xi1>, vector<256x128xf32>
    %reduce_sum3A_1105 = arith.constant dense<0.000000e+00> : vector<128xf32>
    %reduce_sum3A_1106 = vector.multi_reduction <add>, %select_n3A_1104, %reduce_sum3A_1105 [0] : vector<256x128xf32> to vector<128xf32>
    %broadcast_in_dim3A_1107 = vector.shape_cast %reduce_sum3A_1106 : vector<128xf32> to vector<1x128xf32>
    %get3A_1108 = arith.constant 60 : index
    %get3A_1109 = arith.constant 0 : index
    %get3A_1110 = vector.load %arg4[%get3A_1108, %get3A_1109] : memref<128x128xf32, #tpu.memory_space<vmem>>, vector<1x128xf32>
    %add3A_1111 = arith.addf %get3A_1110, %broadcast_in_dim3A_1107 : vector<1x128xf32>
    %swap3A_1112 = arith.constant 60 : index
    %swap3A_1113 = arith.constant 0 : index
    %swap3A_1114 = vector.load %arg4[%swap3A_1112, %swap3A_1113] : memref<128x128xf32, #tpu.memory_space<vmem>>, vector<1x128xf32>
    tpu.vector_store %arg4[%swap3A_1112, %swap3A_1113], %add3A_1111 {strides = array<i32>} : memref<128x128xf32, #tpu.memory_space<vmem>>, vector<1x128xf32>,
    %eq3A_1115 = arith.constant 6.100000e+01 : f32
    %eq3A_1116 = vector.broadcast %eq3A_1115 : f32 to vector<256x128xf32>
    %eq3A_1117 = arith.cmpf oeq, %select_n3A, %eq3A_1116 : vector<256x128xf32>
    %jit3A_1118 = arith.constant 1.000000e+00 : f32
    %jit3A_1119 = arith.constant 0.000000e+00 : f32
    %broadcast_in_dim3A_1120 = vector.broadcast %jit3A_1118 : f32 to vector<256x128xf32>
    %broadcast_in_dim3A_1121 = vector.broadcast %jit3A_1119 : f32 to vector<256x128xf32>
    %select_n3A_1122 = arith.select %eq3A_1117, %broadcast_in_dim3A_1120, %broadcast_in_dim3A_1121 : vector<256x128xi1>, vector<256x128xf32>
    %reduce_sum3A_1123 = arith.constant dense<0.000000e+00> : vector<128xf32>
    %reduce_sum3A_1124 = vector.multi_reduction <add>, %select_n3A_1122, %reduce_sum3A_1123 [0] : vector<256x128xf32> to vector<128xf32>
    %broadcast_in_dim3A_1125 = vector.shape_cast %reduce_sum3A_1124 : vector<128xf32> to vector<1x128xf32>
    %get3A_1126 = arith.constant 61 : index
    %get3A_1127 = arith.constant 0 : index
    %get3A_1128 = vector.load %arg4[%get3A_1126, %get3A_1127] : memref<128x128xf32, #tpu.memory_space<vmem>>, vector<1x128xf32>
    %add3A_1129 = arith.addf %get3A_1128, %broadcast_in_dim3A_1125 : vector<1x128xf32>
    %swap3A_1130 = arith.constant 61 : index
    %swap3A_1131 = arith.constant 0 : index
    %swap3A_1132 = vector.load %arg4[%swap3A_1130, %swap3A_1131] : memref<128x128xf32, #tpu.memory_space<vmem>>, vector<1x128xf32>
    tpu.vector_store %arg4[%swap3A_1130, %swap3A_1131], %add3A_1129 {strides = array<i32>} : memref<128x128xf32, #tpu.memory_space<vmem>>, vector<1x128xf32>,
    %eq3A_1133 = arith.constant 6.200000e+01 : f32
    %eq3A_1134 = vector.broadcast %eq3A_1133 : f32 to vector<256x128xf32>
    %eq3A_1135 = arith.cmpf oeq, %select_n3A, %eq3A_1134 : vector<256x128xf32>
    %jit3A_1136 = arith.constant 1.000000e+00 : f32
    %jit3A_1137 = arith.constant 0.000000e+00 : f32
    %broadcast_in_dim3A_1138 = vector.broadcast %jit3A_1136 : f32 to vector<256x128xf32>
    %broadcast_in_dim3A_1139 = vector.broadcast %jit3A_1137 : f32 to vector<256x128xf32>
    %select_n3A_1140 = arith.select %eq3A_1135, %broadcast_in_dim3A_1138, %broadcast_in_dim3A_1139 : vector<256x128xi1>, vector<256x128xf32>
    %reduce_sum3A_1141 = arith.constant dense<0.000000e+00> : vector<128xf32>
    %reduce_sum3A_1142 = vector.multi_reduction <add>, %select_n3A_1140, %reduce_sum3A_1141 [0] : vector<256x128xf32> to vector<128xf32>
    %broadcast_in_dim3A_1143 = vector.shape_cast %reduce_sum3A_1142 : vector<128xf32> to vector<1x128xf32>
    %get3A_1144 = arith.constant 62 : index
    %get3A_1145 = arith.constant 0 : index
    %get3A_1146 = vector.load %arg4[%get3A_1144, %get3A_1145] : memref<128x128xf32, #tpu.memory_space<vmem>>, vector<1x128xf32>
    %add3A_1147 = arith.addf %get3A_1146, %broadcast_in_dim3A_1143 : vector<1x128xf32>
    %swap3A_1148 = arith.constant 62 : index
    %swap3A_1149 = arith.constant 0 : index
    %swap3A_1150 = vector.load %arg4[%swap3A_1148, %swap3A_1149] : memref<128x128xf32, #tpu.memory_space<vmem>>, vector<1x128xf32>
    tpu.vector_store %arg4[%swap3A_1148, %swap3A_1149], %add3A_1147 {strides = array<i32>} : memref<128x128xf32, #tpu.memory_space<vmem>>, vector<1x128xf32>,
    %eq3A_1151 = arith.constant 6.300000e+01 : f32
    %eq3A_1152 = vector.broadcast %eq3A_1151 : f32 to vector<256x128xf32>
    %eq3A_1153 = arith.cmpf oeq, %select_n3A, %eq3A_1152 : vector<256x128xf32>
    %jit3A_1154 = arith.constant 1.000000e+00 : f32
    %jit3A_1155 = arith.constant 0.000000e+00 : f32
    %broadcast_in_dim3A_1156 = vector.broadcast %jit3A_1154 : f32 to vector<256x128xf32>
    %broadcast_in_dim3A_1157 = vector.broadcast %jit3A_1155 : f32 to vector<256x128xf32>
    %select_n3A_1158 = arith.select %eq3A_1153, %broadcast_in_dim3A_1156, %broadcast_in_dim3A_1157 : vector<256x128xi1>, vector<256x128xf32>
    %reduce_sum3A_1159 = arith.constant dense<0.000000e+00> : vector<128xf32>
    %reduce_sum3A_1160 = vector.multi_reduction <add>, %select_n3A_1158, %reduce_sum3A_1159 [0] : vector<256x128xf32> to vector<128xf32>
    %broadcast_in_dim3A_1161 = vector.shape_cast %reduce_sum3A_1160 : vector<128xf32> to vector<1x128xf32>
    %get3A_1162 = arith.constant 63 : index
    %get3A_1163 = arith.constant 0 : index
    %get3A_1164 = vector.load %arg4[%get3A_1162, %get3A_1163] : memref<128x128xf32, #tpu.memory_space<vmem>>, vector<1x128xf32>
    %add3A_1165 = arith.addf %get3A_1164, %broadcast_in_dim3A_1161 : vector<1x128xf32>
    %swap3A_1166 = arith.constant 63 : index
    %swap3A_1167 = arith.constant 0 : index
    %swap3A_1168 = vector.load %arg4[%swap3A_1166, %swap3A_1167] : memref<128x128xf32, #tpu.memory_space<vmem>>, vector<1x128xf32>
    tpu.vector_store %arg4[%swap3A_1166, %swap3A_1167], %add3A_1165 {strides = array<i32>} : memref<128x128xf32, #tpu.memory_space<vmem>>, vector<1x128xf32>,
    %eq3A_1169 = arith.constant 6.400000e+01 : f32
    %eq3A_1170 = vector.broadcast %eq3A_1169 : f32 to vector<256x128xf32>
    %eq3A_1171 = arith.cmpf oeq, %select_n3A, %eq3A_1170 : vector<256x128xf32>
    %jit3A_1172 = arith.constant 1.000000e+00 : f32
    %jit3A_1173 = arith.constant 0.000000e+00 : f32
    %broadcast_in_dim3A_1174 = vector.broadcast %jit3A_1172 : f32 to vector<256x128xf32>
    %broadcast_in_dim3A_1175 = vector.broadcast %jit3A_1173 : f32 to vector<256x128xf32>
    %select_n3A_1176 = arith.select %eq3A_1171, %broadcast_in_dim3A_1174, %broadcast_in_dim3A_1175 : vector<256x128xi1>, vector<256x128xf32>
    %reduce_sum3A_1177 = arith.constant dense<0.000000e+00> : vector<128xf32>
    %reduce_sum3A_1178 = vector.multi_reduction <add>, %select_n3A_1176, %reduce_sum3A_1177 [0] : vector<256x128xf32> to vector<128xf32>
    %broadcast_in_dim3A_1179 = vector.shape_cast %reduce_sum3A_1178 : vector<128xf32> to vector<1x128xf32>
    %get3A_1180 = arith.constant 64 : index
    %get3A_1181 = arith.constant 0 : index
    %get3A_1182 = vector.load %arg4[%get3A_1180, %get3A_1181] : memref<128x128xf32, #tpu.memory_space<vmem>>, vector<1x128xf32>
    %add3A_1183 = arith.addf %get3A_1182, %broadcast_in_dim3A_1179 : vector<1x128xf32>
    %swap3A_1184 = arith.constant 64 : index
    %swap3A_1185 = arith.constant 0 : index
    %swap3A_1186 = vector.load %arg4[%swap3A_1184, %swap3A_1185] : memref<128x128xf32, #tpu.memory_space<vmem>>, vector<1x128xf32>
    tpu.vector_store %arg4[%swap3A_1184, %swap3A_1185], %add3A_1183 {strides = array<i32>} : memref<128x128xf32, #tpu.memory_space<vmem>>, vector<1x128xf32>,
    %eq3A_1187 = arith.constant 6.500000e+01 : f32
    %eq3A_1188 = vector.broadcast %eq3A_1187 : f32 to vector<256x128xf32>
    %eq3A_1189 = arith.cmpf oeq, %select_n3A, %eq3A_1188 : vector<256x128xf32>
    %jit3A_1190 = arith.constant 1.000000e+00 : f32
    %jit3A_1191 = arith.constant 0.000000e+00 : f32
    %broadcast_in_dim3A_1192 = vector.broadcast %jit3A_1190 : f32 to vector<256x128xf32>
    %broadcast_in_dim3A_1193 = vector.broadcast %jit3A_1191 : f32 to vector<256x128xf32>
    %select_n3A_1194 = arith.select %eq3A_1189, %broadcast_in_dim3A_1192, %broadcast_in_dim3A_1193 : vector<256x128xi1>, vector<256x128xf32>
    %reduce_sum3A_1195 = arith.constant dense<0.000000e+00> : vector<128xf32>
    %reduce_sum3A_1196 = vector.multi_reduction <add>, %select_n3A_1194, %reduce_sum3A_1195 [0] : vector<256x128xf32> to vector<128xf32>
    %broadcast_in_dim3A_1197 = vector.shape_cast %reduce_sum3A_1196 : vector<128xf32> to vector<1x128xf32>
    %get3A_1198 = arith.constant 65 : index
    %get3A_1199 = arith.constant 0 : index
    %get3A_1200 = vector.load %arg4[%get3A_1198, %get3A_1199] : memref<128x128xf32, #tpu.memory_space<vmem>>, vector<1x128xf32>
    %add3A_1201 = arith.addf %get3A_1200, %broadcast_in_dim3A_1197 : vector<1x128xf32>
    %swap3A_1202 = arith.constant 65 : index
    %swap3A_1203 = arith.constant 0 : index
    %swap3A_1204 = vector.load %arg4[%swap3A_1202, %swap3A_1203] : memref<128x128xf32, #tpu.memory_space<vmem>>, vector<1x128xf32>
    tpu.vector_store %arg4[%swap3A_1202, %swap3A_1203], %add3A_1201 {strides = array<i32>} : memref<128x128xf32, #tpu.memory_space<vmem>>, vector<1x128xf32>,
    %eq3A_1205 = arith.constant 6.600000e+01 : f32
    %eq3A_1206 = vector.broadcast %eq3A_1205 : f32 to vector<256x128xf32>
    %eq3A_1207 = arith.cmpf oeq, %select_n3A, %eq3A_1206 : vector<256x128xf32>
    %jit3A_1208 = arith.constant 1.000000e+00 : f32
    %jit3A_1209 = arith.constant 0.000000e+00 : f32
    %broadcast_in_dim3A_1210 = vector.broadcast %jit3A_1208 : f32 to vector<256x128xf32>
    %broadcast_in_dim3A_1211 = vector.broadcast %jit3A_1209 : f32 to vector<256x128xf32>
    %select_n3A_1212 = arith.select %eq3A_1207, %broadcast_in_dim3A_1210, %broadcast_in_dim3A_1211 : vector<256x128xi1>, vector<256x128xf32>
    %reduce_sum3A_1213 = arith.constant dense<0.000000e+00> : vector<128xf32>
    %reduce_sum3A_1214 = vector.multi_reduction <add>, %select_n3A_1212, %reduce_sum3A_1213 [0] : vector<256x128xf32> to vector<128xf32>
    %broadcast_in_dim3A_1215 = vector.shape_cast %reduce_sum3A_1214 : vector<128xf32> to vector<1x128xf32>
    %get3A_1216 = arith.constant 66 : index
    %get3A_1217 = arith.constant 0 : index
    %get3A_1218 = vector.load %arg4[%get3A_1216, %get3A_1217] : memref<128x128xf32, #tpu.memory_space<vmem>>, vector<1x128xf32>
    %add3A_1219 = arith.addf %get3A_1218, %broadcast_in_dim3A_1215 : vector<1x128xf32>
    %swap3A_1220 = arith.constant 66 : index
    %swap3A_1221 = arith.constant 0 : index
    %swap3A_1222 = vector.load %arg4[%swap3A_1220, %swap3A_1221] : memref<128x128xf32, #tpu.memory_space<vmem>>, vector<1x128xf32>
    tpu.vector_store %arg4[%swap3A_1220, %swap3A_1221], %add3A_1219 {strides = array<i32>} : memref<128x128xf32, #tpu.memory_space<vmem>>, vector<1x128xf32>,
    %eq3A_1223 = arith.constant 6.700000e+01 : f32
    %eq3A_1224 = vector.broadcast %eq3A_1223 : f32 to vector<256x128xf32>
    %eq3A_1225 = arith.cmpf oeq, %select_n3A, %eq3A_1224 : vector<256x128xf32>
    %jit3A_1226 = arith.constant 1.000000e+00 : f32
    %jit3A_1227 = arith.constant 0.000000e+00 : f32
    %broadcast_in_dim3A_1228 = vector.broadcast %jit3A_1226 : f32 to vector<256x128xf32>
    %broadcast_in_dim3A_1229 = vector.broadcast %jit3A_1227 : f32 to vector<256x128xf32>
    %select_n3A_1230 = arith.select %eq3A_1225, %broadcast_in_dim3A_1228, %broadcast_in_dim3A_1229 : vector<256x128xi1>, vector<256x128xf32>
    %reduce_sum3A_1231 = arith.constant dense<0.000000e+00> : vector<128xf32>
    %reduce_sum3A_1232 = vector.multi_reduction <add>, %select_n3A_1230, %reduce_sum3A_1231 [0] : vector<256x128xf32> to vector<128xf32>
    %broadcast_in_dim3A_1233 = vector.shape_cast %reduce_sum3A_1232 : vector<128xf32> to vector<1x128xf32>
    %get3A_1234 = arith.constant 67 : index
    %get3A_1235 = arith.constant 0 : index
    %get3A_1236 = vector.load %arg4[%get3A_1234, %get3A_1235] : memref<128x128xf32, #tpu.memory_space<vmem>>, vector<1x128xf32>
    %add3A_1237 = arith.addf %get3A_1236, %broadcast_in_dim3A_1233 : vector<1x128xf32>
    %swap3A_1238 = arith.constant 67 : index
    %swap3A_1239 = arith.constant 0 : index
    %swap3A_1240 = vector.load %arg4[%swap3A_1238, %swap3A_1239] : memref<128x128xf32, #tpu.memory_space<vmem>>, vector<1x128xf32>
    tpu.vector_store %arg4[%swap3A_1238, %swap3A_1239], %add3A_1237 {strides = array<i32>} : memref<128x128xf32, #tpu.memory_space<vmem>>, vector<1x128xf32>,
    %eq3A_1241 = arith.constant 6.800000e+01 : f32
    %eq3A_1242 = vector.broadcast %eq3A_1241 : f32 to vector<256x128xf32>
    %eq3A_1243 = arith.cmpf oeq, %select_n3A, %eq3A_1242 : vector<256x128xf32>
    %jit3A_1244 = arith.constant 1.000000e+00 : f32
    %jit3A_1245 = arith.constant 0.000000e+00 : f32
    %broadcast_in_dim3A_1246 = vector.broadcast %jit3A_1244 : f32 to vector<256x128xf32>
    %broadcast_in_dim3A_1247 = vector.broadcast %jit3A_1245 : f32 to vector<256x128xf32>
    %select_n3A_1248 = arith.select %eq3A_1243, %broadcast_in_dim3A_1246, %broadcast_in_dim3A_1247 : vector<256x128xi1>, vector<256x128xf32>
    %reduce_sum3A_1249 = arith.constant dense<0.000000e+00> : vector<128xf32>
    %reduce_sum3A_1250 = vector.multi_reduction <add>, %select_n3A_1248, %reduce_sum3A_1249 [0] : vector<256x128xf32> to vector<128xf32>
    %broadcast_in_dim3A_1251 = vector.shape_cast %reduce_sum3A_1250 : vector<128xf32> to vector<1x128xf32>
    %get3A_1252 = arith.constant 68 : index
    %get3A_1253 = arith.constant 0 : index
    %get3A_1254 = vector.load %arg4[%get3A_1252, %get3A_1253] : memref<128x128xf32, #tpu.memory_space<vmem>>, vector<1x128xf32>
    %add3A_1255 = arith.addf %get3A_1254, %broadcast_in_dim3A_1251 : vector<1x128xf32>
    %swap3A_1256 = arith.constant 68 : index
    %swap3A_1257 = arith.constant 0 : index
    %swap3A_1258 = vector.load %arg4[%swap3A_1256, %swap3A_1257] : memref<128x128xf32, #tpu.memory_space<vmem>>, vector<1x128xf32>
    tpu.vector_store %arg4[%swap3A_1256, %swap3A_1257], %add3A_1255 {strides = array<i32>} : memref<128x128xf32, #tpu.memory_space<vmem>>, vector<1x128xf32>,
    %eq3A_1259 = arith.constant 6.900000e+01 : f32
    %eq3A_1260 = vector.broadcast %eq3A_1259 : f32 to vector<256x128xf32>
    %eq3A_1261 = arith.cmpf oeq, %select_n3A, %eq3A_1260 : vector<256x128xf32>
    %jit3A_1262 = arith.constant 1.000000e+00 : f32
    %jit3A_1263 = arith.constant 0.000000e+00 : f32
    %broadcast_in_dim3A_1264 = vector.broadcast %jit3A_1262 : f32 to vector<256x128xf32>
    %broadcast_in_dim3A_1265 = vector.broadcast %jit3A_1263 : f32 to vector<256x128xf32>
    %select_n3A_1266 = arith.select %eq3A_1261, %broadcast_in_dim3A_1264, %broadcast_in_dim3A_1265 : vector<256x128xi1>, vector<256x128xf32>
    %reduce_sum3A_1267 = arith.constant dense<0.000000e+00> : vector<128xf32>
    %reduce_sum3A_1268 = vector.multi_reduction <add>, %select_n3A_1266, %reduce_sum3A_1267 [0] : vector<256x128xf32> to vector<128xf32>
    %broadcast_in_dim3A_1269 = vector.shape_cast %reduce_sum3A_1268 : vector<128xf32> to vector<1x128xf32>
    %get3A_1270 = arith.constant 69 : index
    %get3A_1271 = arith.constant 0 : index
    %get3A_1272 = vector.load %arg4[%get3A_1270, %get3A_1271] : memref<128x128xf32, #tpu.memory_space<vmem>>, vector<1x128xf32>
    %add3A_1273 = arith.addf %get3A_1272, %broadcast_in_dim3A_1269 : vector<1x128xf32>
    %swap3A_1274 = arith.constant 69 : index
    %swap3A_1275 = arith.constant 0 : index
    %swap3A_1276 = vector.load %arg4[%swap3A_1274, %swap3A_1275] : memref<128x128xf32, #tpu.memory_space<vmem>>, vector<1x128xf32>
    tpu.vector_store %arg4[%swap3A_1274, %swap3A_1275], %add3A_1273 {strides = array<i32>} : memref<128x128xf32, #tpu.memory_space<vmem>>, vector<1x128xf32>,
    %eq3A_1277 = arith.constant 7.000000e+01 : f32
    %eq3A_1278 = vector.broadcast %eq3A_1277 : f32 to vector<256x128xf32>
    %eq3A_1279 = arith.cmpf oeq, %select_n3A, %eq3A_1278 : vector<256x128xf32>
    %jit3A_1280 = arith.constant 1.000000e+00 : f32
    %jit3A_1281 = arith.constant 0.000000e+00 : f32
    %broadcast_in_dim3A_1282 = vector.broadcast %jit3A_1280 : f32 to vector<256x128xf32>
    %broadcast_in_dim3A_1283 = vector.broadcast %jit3A_1281 : f32 to vector<256x128xf32>
    %select_n3A_1284 = arith.select %eq3A_1279, %broadcast_in_dim3A_1282, %broadcast_in_dim3A_1283 : vector<256x128xi1>, vector<256x128xf32>
    %reduce_sum3A_1285 = arith.constant dense<0.000000e+00> : vector<128xf32>
    %reduce_sum3A_1286 = vector.multi_reduction <add>, %select_n3A_1284, %reduce_sum3A_1285 [0] : vector<256x128xf32> to vector<128xf32>
    %broadcast_in_dim3A_1287 = vector.shape_cast %reduce_sum3A_1286 : vector<128xf32> to vector<1x128xf32>
    %get3A_1288 = arith.constant 70 : index
    %get3A_1289 = arith.constant 0 : index
    %get3A_1290 = vector.load %arg4[%get3A_1288, %get3A_1289] : memref<128x128xf32, #tpu.memory_space<vmem>>, vector<1x128xf32>
    %add3A_1291 = arith.addf %get3A_1290, %broadcast_in_dim3A_1287 : vector<1x128xf32>
    %swap3A_1292 = arith.constant 70 : index
    %swap3A_1293 = arith.constant 0 : index
    %swap3A_1294 = vector.load %arg4[%swap3A_1292, %swap3A_1293] : memref<128x128xf32, #tpu.memory_space<vmem>>, vector<1x128xf32>
    tpu.vector_store %arg4[%swap3A_1292, %swap3A_1293], %add3A_1291 {strides = array<i32>} : memref<128x128xf32, #tpu.memory_space<vmem>>, vector<1x128xf32>,
    %eq3A_1295 = arith.constant 7.100000e+01 : f32
    %eq3A_1296 = vector.broadcast %eq3A_1295 : f32 to vector<256x128xf32>
    %eq3A_1297 = arith.cmpf oeq, %select_n3A, %eq3A_1296 : vector<256x128xf32>
    %jit3A_1298 = arith.constant 1.000000e+00 : f32
    %jit3A_1299 = arith.constant 0.000000e+00 : f32
    %broadcast_in_dim3A_1300 = vector.broadcast %jit3A_1298 : f32 to vector<256x128xf32>
    %broadcast_in_dim3A_1301 = vector.broadcast %jit3A_1299 : f32 to vector<256x128xf32>
    %select_n3A_1302 = arith.select %eq3A_1297, %broadcast_in_dim3A_1300, %broadcast_in_dim3A_1301 : vector<256x128xi1>, vector<256x128xf32>
    %reduce_sum3A_1303 = arith.constant dense<0.000000e+00> : vector<128xf32>
    %reduce_sum3A_1304 = vector.multi_reduction <add>, %select_n3A_1302, %reduce_sum3A_1303 [0] : vector<256x128xf32> to vector<128xf32>
    %broadcast_in_dim3A_1305 = vector.shape_cast %reduce_sum3A_1304 : vector<128xf32> to vector<1x128xf32>
    %get3A_1306 = arith.constant 71 : index
    %get3A_1307 = arith.constant 0 : index
    %get3A_1308 = vector.load %arg4[%get3A_1306, %get3A_1307] : memref<128x128xf32, #tpu.memory_space<vmem>>, vector<1x128xf32>
    %add3A_1309 = arith.addf %get3A_1308, %broadcast_in_dim3A_1305 : vector<1x128xf32>
    %swap3A_1310 = arith.constant 71 : index
    %swap3A_1311 = arith.constant 0 : index
    %swap3A_1312 = vector.load %arg4[%swap3A_1310, %swap3A_1311] : memref<128x128xf32, #tpu.memory_space<vmem>>, vector<1x128xf32>
    tpu.vector_store %arg4[%swap3A_1310, %swap3A_1311], %add3A_1309 {strides = array<i32>} : memref<128x128xf32, #tpu.memory_space<vmem>>, vector<1x128xf32>,
    %eq3A_1313 = arith.constant 7.200000e+01 : f32
    %eq3A_1314 = vector.broadcast %eq3A_1313 : f32 to vector<256x128xf32>
    %eq3A_1315 = arith.cmpf oeq, %select_n3A, %eq3A_1314 : vector<256x128xf32>
    %jit3A_1316 = arith.constant 1.000000e+00 : f32
    %jit3A_1317 = arith.constant 0.000000e+00 : f32
    %broadcast_in_dim3A_1318 = vector.broadcast %jit3A_1316 : f32 to vector<256x128xf32>
    %broadcast_in_dim3A_1319 = vector.broadcast %jit3A_1317 : f32 to vector<256x128xf32>
    %select_n3A_1320 = arith.select %eq3A_1315, %broadcast_in_dim3A_1318, %broadcast_in_dim3A_1319 : vector<256x128xi1>, vector<256x128xf32>
    %reduce_sum3A_1321 = arith.constant dense<0.000000e+00> : vector<128xf32>
    %reduce_sum3A_1322 = vector.multi_reduction <add>, %select_n3A_1320, %reduce_sum3A_1321 [0] : vector<256x128xf32> to vector<128xf32>
    %broadcast_in_dim3A_1323 = vector.shape_cast %reduce_sum3A_1322 : vector<128xf32> to vector<1x128xf32>
    %get3A_1324 = arith.constant 72 : index
    %get3A_1325 = arith.constant 0 : index
    %get3A_1326 = vector.load %arg4[%get3A_1324, %get3A_1325] : memref<128x128xf32, #tpu.memory_space<vmem>>, vector<1x128xf32>
    %add3A_1327 = arith.addf %get3A_1326, %broadcast_in_dim3A_1323 : vector<1x128xf32>
    %swap3A_1328 = arith.constant 72 : index
    %swap3A_1329 = arith.constant 0 : index
    %swap3A_1330 = vector.load %arg4[%swap3A_1328, %swap3A_1329] : memref<128x128xf32, #tpu.memory_space<vmem>>, vector<1x128xf32>
    tpu.vector_store %arg4[%swap3A_1328, %swap3A_1329], %add3A_1327 {strides = array<i32>} : memref<128x128xf32, #tpu.memory_space<vmem>>, vector<1x128xf32>,
    %eq3A_1331 = arith.constant 7.300000e+01 : f32
    %eq3A_1332 = vector.broadcast %eq3A_1331 : f32 to vector<256x128xf32>
    %eq3A_1333 = arith.cmpf oeq, %select_n3A, %eq3A_1332 : vector<256x128xf32>
    %jit3A_1334 = arith.constant 1.000000e+00 : f32
    %jit3A_1335 = arith.constant 0.000000e+00 : f32
    %broadcast_in_dim3A_1336 = vector.broadcast %jit3A_1334 : f32 to vector<256x128xf32>
    %broadcast_in_dim3A_1337 = vector.broadcast %jit3A_1335 : f32 to vector<256x128xf32>
    %select_n3A_1338 = arith.select %eq3A_1333, %broadcast_in_dim3A_1336, %broadcast_in_dim3A_1337 : vector<256x128xi1>, vector<256x128xf32>
    %reduce_sum3A_1339 = arith.constant dense<0.000000e+00> : vector<128xf32>
    %reduce_sum3A_1340 = vector.multi_reduction <add>, %select_n3A_1338, %reduce_sum3A_1339 [0] : vector<256x128xf32> to vector<128xf32>
    %broadcast_in_dim3A_1341 = vector.shape_cast %reduce_sum3A_1340 : vector<128xf32> to vector<1x128xf32>
    %get3A_1342 = arith.constant 73 : index
    %get3A_1343 = arith.constant 0 : index
    %get3A_1344 = vector.load %arg4[%get3A_1342, %get3A_1343] : memref<128x128xf32, #tpu.memory_space<vmem>>, vector<1x128xf32>
    %add3A_1345 = arith.addf %get3A_1344, %broadcast_in_dim3A_1341 : vector<1x128xf32>
    %swap3A_1346 = arith.constant 73 : index
    %swap3A_1347 = arith.constant 0 : index
    %swap3A_1348 = vector.load %arg4[%swap3A_1346, %swap3A_1347] : memref<128x128xf32, #tpu.memory_space<vmem>>, vector<1x128xf32>
    tpu.vector_store %arg4[%swap3A_1346, %swap3A_1347], %add3A_1345 {strides = array<i32>} : memref<128x128xf32, #tpu.memory_space<vmem>>, vector<1x128xf32>,
    %eq3A_1349 = arith.constant 7.400000e+01 : f32
    %eq3A_1350 = vector.broadcast %eq3A_1349 : f32 to vector<256x128xf32>
    %eq3A_1351 = arith.cmpf oeq, %select_n3A, %eq3A_1350 : vector<256x128xf32>
    %jit3A_1352 = arith.constant 1.000000e+00 : f32
    %jit3A_1353 = arith.constant 0.000000e+00 : f32
    %broadcast_in_dim3A_1354 = vector.broadcast %jit3A_1352 : f32 to vector<256x128xf32>
    %broadcast_in_dim3A_1355 = vector.broadcast %jit3A_1353 : f32 to vector<256x128xf32>
    %select_n3A_1356 = arith.select %eq3A_1351, %broadcast_in_dim3A_1354, %broadcast_in_dim3A_1355 : vector<256x128xi1>, vector<256x128xf32>
    %reduce_sum3A_1357 = arith.constant dense<0.000000e+00> : vector<128xf32>
    %reduce_sum3A_1358 = vector.multi_reduction <add>, %select_n3A_1356, %reduce_sum3A_1357 [0] : vector<256x128xf32> to vector<128xf32>
    %broadcast_in_dim3A_1359 = vector.shape_cast %reduce_sum3A_1358 : vector<128xf32> to vector<1x128xf32>
    %get3A_1360 = arith.constant 74 : index
    %get3A_1361 = arith.constant 0 : index
    %get3A_1362 = vector.load %arg4[%get3A_1360, %get3A_1361] : memref<128x128xf32, #tpu.memory_space<vmem>>, vector<1x128xf32>
    %add3A_1363 = arith.addf %get3A_1362, %broadcast_in_dim3A_1359 : vector<1x128xf32>
    %swap3A_1364 = arith.constant 74 : index
    %swap3A_1365 = arith.constant 0 : index
    %swap3A_1366 = vector.load %arg4[%swap3A_1364, %swap3A_1365] : memref<128x128xf32, #tpu.memory_space<vmem>>, vector<1x128xf32>
    tpu.vector_store %arg4[%swap3A_1364, %swap3A_1365], %add3A_1363 {strides = array<i32>} : memref<128x128xf32, #tpu.memory_space<vmem>>, vector<1x128xf32>,
    %eq3A_1367 = arith.constant 7.500000e+01 : f32
    %eq3A_1368 = vector.broadcast %eq3A_1367 : f32 to vector<256x128xf32>
    %eq3A_1369 = arith.cmpf oeq, %select_n3A, %eq3A_1368 : vector<256x128xf32>
    %jit3A_1370 = arith.constant 1.000000e+00 : f32
    %jit3A_1371 = arith.constant 0.000000e+00 : f32
    %broadcast_in_dim3A_1372 = vector.broadcast %jit3A_1370 : f32 to vector<256x128xf32>
    %broadcast_in_dim3A_1373 = vector.broadcast %jit3A_1371 : f32 to vector<256x128xf32>
    %select_n3A_1374 = arith.select %eq3A_1369, %broadcast_in_dim3A_1372, %broadcast_in_dim3A_1373 : vector<256x128xi1>, vector<256x128xf32>
    %reduce_sum3A_1375 = arith.constant dense<0.000000e+00> : vector<128xf32>
    %reduce_sum3A_1376 = vector.multi_reduction <add>, %select_n3A_1374, %reduce_sum3A_1375 [0] : vector<256x128xf32> to vector<128xf32>
    %broadcast_in_dim3A_1377 = vector.shape_cast %reduce_sum3A_1376 : vector<128xf32> to vector<1x128xf32>
    %get3A_1378 = arith.constant 75 : index
    %get3A_1379 = arith.constant 0 : index
    %get3A_1380 = vector.load %arg4[%get3A_1378, %get3A_1379] : memref<128x128xf32, #tpu.memory_space<vmem>>, vector<1x128xf32>
    %add3A_1381 = arith.addf %get3A_1380, %broadcast_in_dim3A_1377 : vector<1x128xf32>
    %swap3A_1382 = arith.constant 75 : index
    %swap3A_1383 = arith.constant 0 : index
    %swap3A_1384 = vector.load %arg4[%swap3A_1382, %swap3A_1383] : memref<128x128xf32, #tpu.memory_space<vmem>>, vector<1x128xf32>
    tpu.vector_store %arg4[%swap3A_1382, %swap3A_1383], %add3A_1381 {strides = array<i32>} : memref<128x128xf32, #tpu.memory_space<vmem>>, vector<1x128xf32>,
    %eq3A_1385 = arith.constant 7.600000e+01 : f32
    %eq3A_1386 = vector.broadcast %eq3A_1385 : f32 to vector<256x128xf32>
    %eq3A_1387 = arith.cmpf oeq, %select_n3A, %eq3A_1386 : vector<256x128xf32>
    %jit3A_1388 = arith.constant 1.000000e+00 : f32
    %jit3A_1389 = arith.constant 0.000000e+00 : f32
    %broadcast_in_dim3A_1390 = vector.broadcast %jit3A_1388 : f32 to vector<256x128xf32>
    %broadcast_in_dim3A_1391 = vector.broadcast %jit3A_1389 : f32 to vector<256x128xf32>
    %select_n3A_1392 = arith.select %eq3A_1387, %broadcast_in_dim3A_1390, %broadcast_in_dim3A_1391 : vector<256x128xi1>, vector<256x128xf32>
    %reduce_sum3A_1393 = arith.constant dense<0.000000e+00> : vector<128xf32>
    %reduce_sum3A_1394 = vector.multi_reduction <add>, %select_n3A_1392, %reduce_sum3A_1393 [0] : vector<256x128xf32> to vector<128xf32>
    %broadcast_in_dim3A_1395 = vector.shape_cast %reduce_sum3A_1394 : vector<128xf32> to vector<1x128xf32>
    %get3A_1396 = arith.constant 76 : index
    %get3A_1397 = arith.constant 0 : index
    %get3A_1398 = vector.load %arg4[%get3A_1396, %get3A_1397] : memref<128x128xf32, #tpu.memory_space<vmem>>, vector<1x128xf32>
    %add3A_1399 = arith.addf %get3A_1398, %broadcast_in_dim3A_1395 : vector<1x128xf32>
    %swap3A_1400 = arith.constant 76 : index
    %swap3A_1401 = arith.constant 0 : index
    %swap3A_1402 = vector.load %arg4[%swap3A_1400, %swap3A_1401] : memref<128x128xf32, #tpu.memory_space<vmem>>, vector<1x128xf32>
    tpu.vector_store %arg4[%swap3A_1400, %swap3A_1401], %add3A_1399 {strides = array<i32>} : memref<128x128xf32, #tpu.memory_space<vmem>>, vector<1x128xf32>,
    %eq3A_1403 = arith.constant 7.700000e+01 : f32
    %eq3A_1404 = vector.broadcast %eq3A_1403 : f32 to vector<256x128xf32>
    %eq3A_1405 = arith.cmpf oeq, %select_n3A, %eq3A_1404 : vector<256x128xf32>
    %jit3A_1406 = arith.constant 1.000000e+00 : f32
    %jit3A_1407 = arith.constant 0.000000e+00 : f32
    %broadcast_in_dim3A_1408 = vector.broadcast %jit3A_1406 : f32 to vector<256x128xf32>
    %broadcast_in_dim3A_1409 = vector.broadcast %jit3A_1407 : f32 to vector<256x128xf32>
    %select_n3A_1410 = arith.select %eq3A_1405, %broadcast_in_dim3A_1408, %broadcast_in_dim3A_1409 : vector<256x128xi1>, vector<256x128xf32>
    %reduce_sum3A_1411 = arith.constant dense<0.000000e+00> : vector<128xf32>
    %reduce_sum3A_1412 = vector.multi_reduction <add>, %select_n3A_1410, %reduce_sum3A_1411 [0] : vector<256x128xf32> to vector<128xf32>
    %broadcast_in_dim3A_1413 = vector.shape_cast %reduce_sum3A_1412 : vector<128xf32> to vector<1x128xf32>
    %get3A_1414 = arith.constant 77 : index
    %get3A_1415 = arith.constant 0 : index
    %get3A_1416 = vector.load %arg4[%get3A_1414, %get3A_1415] : memref<128x128xf32, #tpu.memory_space<vmem>>, vector<1x128xf32>
    %add3A_1417 = arith.addf %get3A_1416, %broadcast_in_dim3A_1413 : vector<1x128xf32>
    %swap3A_1418 = arith.constant 77 : index
    %swap3A_1419 = arith.constant 0 : index
    %swap3A_1420 = vector.load %arg4[%swap3A_1418, %swap3A_1419] : memref<128x128xf32, #tpu.memory_space<vmem>>, vector<1x128xf32>
    tpu.vector_store %arg4[%swap3A_1418, %swap3A_1419], %add3A_1417 {strides = array<i32>} : memref<128x128xf32, #tpu.memory_space<vmem>>, vector<1x128xf32>,
    %eq3A_1421 = arith.constant 7.800000e+01 : f32
    %eq3A_1422 = vector.broadcast %eq3A_1421 : f32 to vector<256x128xf32>
    %eq3A_1423 = arith.cmpf oeq, %select_n3A, %eq3A_1422 : vector<256x128xf32>
    %jit3A_1424 = arith.constant 1.000000e+00 : f32
    %jit3A_1425 = arith.constant 0.000000e+00 : f32
    %broadcast_in_dim3A_1426 = vector.broadcast %jit3A_1424 : f32 to vector<256x128xf32>
    %broadcast_in_dim3A_1427 = vector.broadcast %jit3A_1425 : f32 to vector<256x128xf32>
    %select_n3A_1428 = arith.select %eq3A_1423, %broadcast_in_dim3A_1426, %broadcast_in_dim3A_1427 : vector<256x128xi1>, vector<256x128xf32>
    %reduce_sum3A_1429 = arith.constant dense<0.000000e+00> : vector<128xf32>
    %reduce_sum3A_1430 = vector.multi_reduction <add>, %select_n3A_1428, %reduce_sum3A_1429 [0] : vector<256x128xf32> to vector<128xf32>
    %broadcast_in_dim3A_1431 = vector.shape_cast %reduce_sum3A_1430 : vector<128xf32> to vector<1x128xf32>
    %get3A_1432 = arith.constant 78 : index
    %get3A_1433 = arith.constant 0 : index
    %get3A_1434 = vector.load %arg4[%get3A_1432, %get3A_1433] : memref<128x128xf32, #tpu.memory_space<vmem>>, vector<1x128xf32>
    %add3A_1435 = arith.addf %get3A_1434, %broadcast_in_dim3A_1431 : vector<1x128xf32>
    %swap3A_1436 = arith.constant 78 : index
    %swap3A_1437 = arith.constant 0 : index
    %swap3A_1438 = vector.load %arg4[%swap3A_1436, %swap3A_1437] : memref<128x128xf32, #tpu.memory_space<vmem>>, vector<1x128xf32>
    tpu.vector_store %arg4[%swap3A_1436, %swap3A_1437], %add3A_1435 {strides = array<i32>} : memref<128x128xf32, #tpu.memory_space<vmem>>, vector<1x128xf32>,
    %eq3A_1439 = arith.constant 7.900000e+01 : f32
    %eq3A_1440 = vector.broadcast %eq3A_1439 : f32 to vector<256x128xf32>
    %eq3A_1441 = arith.cmpf oeq, %select_n3A, %eq3A_1440 : vector<256x128xf32>
    %jit3A_1442 = arith.constant 1.000000e+00 : f32
    %jit3A_1443 = arith.constant 0.000000e+00 : f32
    %broadcast_in_dim3A_1444 = vector.broadcast %jit3A_1442 : f32 to vector<256x128xf32>
    %broadcast_in_dim3A_1445 = vector.broadcast %jit3A_1443 : f32 to vector<256x128xf32>
    %select_n3A_1446 = arith.select %eq3A_1441, %broadcast_in_dim3A_1444, %broadcast_in_dim3A_1445 : vector<256x128xi1>, vector<256x128xf32>
    %reduce_sum3A_1447 = arith.constant dense<0.000000e+00> : vector<128xf32>
    %reduce_sum3A_1448 = vector.multi_reduction <add>, %select_n3A_1446, %reduce_sum3A_1447 [0] : vector<256x128xf32> to vector<128xf32>
    %broadcast_in_dim3A_1449 = vector.shape_cast %reduce_sum3A_1448 : vector<128xf32> to vector<1x128xf32>
    %get3A_1450 = arith.constant 79 : index
    %get3A_1451 = arith.constant 0 : index
    %get3A_1452 = vector.load %arg4[%get3A_1450, %get3A_1451] : memref<128x128xf32, #tpu.memory_space<vmem>>, vector<1x128xf32>
    %add3A_1453 = arith.addf %get3A_1452, %broadcast_in_dim3A_1449 : vector<1x128xf32>
    %swap3A_1454 = arith.constant 79 : index
    %swap3A_1455 = arith.constant 0 : index
    %swap3A_1456 = vector.load %arg4[%swap3A_1454, %swap3A_1455] : memref<128x128xf32, #tpu.memory_space<vmem>>, vector<1x128xf32>
    tpu.vector_store %arg4[%swap3A_1454, %swap3A_1455], %add3A_1453 {strides = array<i32>} : memref<128x128xf32, #tpu.memory_space<vmem>>, vector<1x128xf32>,
    %eq3A_1457 = arith.constant 8.000000e+01 : f32
    %eq3A_1458 = vector.broadcast %eq3A_1457 : f32 to vector<256x128xf32>
    %eq3A_1459 = arith.cmpf oeq, %select_n3A, %eq3A_1458 : vector<256x128xf32>
    %jit3A_1460 = arith.constant 1.000000e+00 : f32
    %jit3A_1461 = arith.constant 0.000000e+00 : f32
    %broadcast_in_dim3A_1462 = vector.broadcast %jit3A_1460 : f32 to vector<256x128xf32>
    %broadcast_in_dim3A_1463 = vector.broadcast %jit3A_1461 : f32 to vector<256x128xf32>
    %select_n3A_1464 = arith.select %eq3A_1459, %broadcast_in_dim3A_1462, %broadcast_in_dim3A_1463 : vector<256x128xi1>, vector<256x128xf32>
    %reduce_sum3A_1465 = arith.constant dense<0.000000e+00> : vector<128xf32>
    %reduce_sum3A_1466 = vector.multi_reduction <add>, %select_n3A_1464, %reduce_sum3A_1465 [0] : vector<256x128xf32> to vector<128xf32>
    %broadcast_in_dim3A_1467 = vector.shape_cast %reduce_sum3A_1466 : vector<128xf32> to vector<1x128xf32>
    %get3A_1468 = arith.constant 80 : index
    %get3A_1469 = arith.constant 0 : index
    %get3A_1470 = vector.load %arg4[%get3A_1468, %get3A_1469] : memref<128x128xf32, #tpu.memory_space<vmem>>, vector<1x128xf32>
    %add3A_1471 = arith.addf %get3A_1470, %broadcast_in_dim3A_1467 : vector<1x128xf32>
    %swap3A_1472 = arith.constant 80 : index
    %swap3A_1473 = arith.constant 0 : index
    %swap3A_1474 = vector.load %arg4[%swap3A_1472, %swap3A_1473] : memref<128x128xf32, #tpu.memory_space<vmem>>, vector<1x128xf32>
    tpu.vector_store %arg4[%swap3A_1472, %swap3A_1473], %add3A_1471 {strides = array<i32>} : memref<128x128xf32, #tpu.memory_space<vmem>>, vector<1x128xf32>,
    %eq3A_1475 = arith.constant 8.100000e+01 : f32
    %eq3A_1476 = vector.broadcast %eq3A_1475 : f32 to vector<256x128xf32>
    %eq3A_1477 = arith.cmpf oeq, %select_n3A, %eq3A_1476 : vector<256x128xf32>
    %jit3A_1478 = arith.constant 1.000000e+00 : f32
    %jit3A_1479 = arith.constant 0.000000e+00 : f32
    %broadcast_in_dim3A_1480 = vector.broadcast %jit3A_1478 : f32 to vector<256x128xf32>
    %broadcast_in_dim3A_1481 = vector.broadcast %jit3A_1479 : f32 to vector<256x128xf32>
    %select_n3A_1482 = arith.select %eq3A_1477, %broadcast_in_dim3A_1480, %broadcast_in_dim3A_1481 : vector<256x128xi1>, vector<256x128xf32>
    %reduce_sum3A_1483 = arith.constant dense<0.000000e+00> : vector<128xf32>
    %reduce_sum3A_1484 = vector.multi_reduction <add>, %select_n3A_1482, %reduce_sum3A_1483 [0] : vector<256x128xf32> to vector<128xf32>
    %broadcast_in_dim3A_1485 = vector.shape_cast %reduce_sum3A_1484 : vector<128xf32> to vector<1x128xf32>
    %get3A_1486 = arith.constant 81 : index
    %get3A_1487 = arith.constant 0 : index
    %get3A_1488 = vector.load %arg4[%get3A_1486, %get3A_1487] : memref<128x128xf32, #tpu.memory_space<vmem>>, vector<1x128xf32>
    %add3A_1489 = arith.addf %get3A_1488, %broadcast_in_dim3A_1485 : vector<1x128xf32>
    %swap3A_1490 = arith.constant 81 : index
    %swap3A_1491 = arith.constant 0 : index
    %swap3A_1492 = vector.load %arg4[%swap3A_1490, %swap3A_1491] : memref<128x128xf32, #tpu.memory_space<vmem>>, vector<1x128xf32>
    tpu.vector_store %arg4[%swap3A_1490, %swap3A_1491], %add3A_1489 {strides = array<i32>} : memref<128x128xf32, #tpu.memory_space<vmem>>, vector<1x128xf32>,
    %eq3A_1493 = arith.constant 8.200000e+01 : f32
    %eq3A_1494 = vector.broadcast %eq3A_1493 : f32 to vector<256x128xf32>
    %eq3A_1495 = arith.cmpf oeq, %select_n3A, %eq3A_1494 : vector<256x128xf32>
    %jit3A_1496 = arith.constant 1.000000e+00 : f32
    %jit3A_1497 = arith.constant 0.000000e+00 : f32
    %broadcast_in_dim3A_1498 = vector.broadcast %jit3A_1496 : f32 to vector<256x128xf32>
    %broadcast_in_dim3A_1499 = vector.broadcast %jit3A_1497 : f32 to vector<256x128xf32>
    %select_n3A_1500 = arith.select %eq3A_1495, %broadcast_in_dim3A_1498, %broadcast_in_dim3A_1499 : vector<256x128xi1>, vector<256x128xf32>
    %reduce_sum3A_1501 = arith.constant dense<0.000000e+00> : vector<128xf32>
    %reduce_sum3A_1502 = vector.multi_reduction <add>, %select_n3A_1500, %reduce_sum3A_1501 [0] : vector<256x128xf32> to vector<128xf32>
    %broadcast_in_dim3A_1503 = vector.shape_cast %reduce_sum3A_1502 : vector<128xf32> to vector<1x128xf32>
    %get3A_1504 = arith.constant 82 : index
    %get3A_1505 = arith.constant 0 : index
    %get3A_1506 = vector.load %arg4[%get3A_1504, %get3A_1505] : memref<128x128xf32, #tpu.memory_space<vmem>>, vector<1x128xf32>
    %add3A_1507 = arith.addf %get3A_1506, %broadcast_in_dim3A_1503 : vector<1x128xf32>
    %swap3A_1508 = arith.constant 82 : index
    %swap3A_1509 = arith.constant 0 : index
    %swap3A_1510 = vector.load %arg4[%swap3A_1508, %swap3A_1509] : memref<128x128xf32, #tpu.memory_space<vmem>>, vector<1x128xf32>
    tpu.vector_store %arg4[%swap3A_1508, %swap3A_1509], %add3A_1507 {strides = array<i32>} : memref<128x128xf32, #tpu.memory_space<vmem>>, vector<1x128xf32>,
    %eq3A_1511 = arith.constant 8.300000e+01 : f32
    %eq3A_1512 = vector.broadcast %eq3A_1511 : f32 to vector<256x128xf32>
    %eq3A_1513 = arith.cmpf oeq, %select_n3A, %eq3A_1512 : vector<256x128xf32>
    %jit3A_1514 = arith.constant 1.000000e+00 : f32
    %jit3A_1515 = arith.constant 0.000000e+00 : f32
    %broadcast_in_dim3A_1516 = vector.broadcast %jit3A_1514 : f32 to vector<256x128xf32>
    %broadcast_in_dim3A_1517 = vector.broadcast %jit3A_1515 : f32 to vector<256x128xf32>
    %select_n3A_1518 = arith.select %eq3A_1513, %broadcast_in_dim3A_1516, %broadcast_in_dim3A_1517 : vector<256x128xi1>, vector<256x128xf32>
    %reduce_sum3A_1519 = arith.constant dense<0.000000e+00> : vector<128xf32>
    %reduce_sum3A_1520 = vector.multi_reduction <add>, %select_n3A_1518, %reduce_sum3A_1519 [0] : vector<256x128xf32> to vector<128xf32>
    %broadcast_in_dim3A_1521 = vector.shape_cast %reduce_sum3A_1520 : vector<128xf32> to vector<1x128xf32>
    %get3A_1522 = arith.constant 83 : index
    %get3A_1523 = arith.constant 0 : index
    %get3A_1524 = vector.load %arg4[%get3A_1522, %get3A_1523] : memref<128x128xf32, #tpu.memory_space<vmem>>, vector<1x128xf32>
    %add3A_1525 = arith.addf %get3A_1524, %broadcast_in_dim3A_1521 : vector<1x128xf32>
    %swap3A_1526 = arith.constant 83 : index
    %swap3A_1527 = arith.constant 0 : index
    %swap3A_1528 = vector.load %arg4[%swap3A_1526, %swap3A_1527] : memref<128x128xf32, #tpu.memory_space<vmem>>, vector<1x128xf32>
    tpu.vector_store %arg4[%swap3A_1526, %swap3A_1527], %add3A_1525 {strides = array<i32>} : memref<128x128xf32, #tpu.memory_space<vmem>>, vector<1x128xf32>,
    %eq3A_1529 = arith.constant 8.400000e+01 : f32
    %eq3A_1530 = vector.broadcast %eq3A_1529 : f32 to vector<256x128xf32>
    %eq3A_1531 = arith.cmpf oeq, %select_n3A, %eq3A_1530 : vector<256x128xf32>
    %jit3A_1532 = arith.constant 1.000000e+00 : f32
    %jit3A_1533 = arith.constant 0.000000e+00 : f32
    %broadcast_in_dim3A_1534 = vector.broadcast %jit3A_1532 : f32 to vector<256x128xf32>
    %broadcast_in_dim3A_1535 = vector.broadcast %jit3A_1533 : f32 to vector<256x128xf32>
    %select_n3A_1536 = arith.select %eq3A_1531, %broadcast_in_dim3A_1534, %broadcast_in_dim3A_1535 : vector<256x128xi1>, vector<256x128xf32>
    %reduce_sum3A_1537 = arith.constant dense<0.000000e+00> : vector<128xf32>
    %reduce_sum3A_1538 = vector.multi_reduction <add>, %select_n3A_1536, %reduce_sum3A_1537 [0] : vector<256x128xf32> to vector<128xf32>
    %broadcast_in_dim3A_1539 = vector.shape_cast %reduce_sum3A_1538 : vector<128xf32> to vector<1x128xf32>
    %get3A_1540 = arith.constant 84 : index
    %get3A_1541 = arith.constant 0 : index
    %get3A_1542 = vector.load %arg4[%get3A_1540, %get3A_1541] : memref<128x128xf32, #tpu.memory_space<vmem>>, vector<1x128xf32>
    %add3A_1543 = arith.addf %get3A_1542, %broadcast_in_dim3A_1539 : vector<1x128xf32>
    %swap3A_1544 = arith.constant 84 : index
    %swap3A_1545 = arith.constant 0 : index
    %swap3A_1546 = vector.load %arg4[%swap3A_1544, %swap3A_1545] : memref<128x128xf32, #tpu.memory_space<vmem>>, vector<1x128xf32>
    tpu.vector_store %arg4[%swap3A_1544, %swap3A_1545], %add3A_1543 {strides = array<i32>} : memref<128x128xf32, #tpu.memory_space<vmem>>, vector<1x128xf32>,
    %eq3A_1547 = arith.constant 8.500000e+01 : f32
    %eq3A_1548 = vector.broadcast %eq3A_1547 : f32 to vector<256x128xf32>
    %eq3A_1549 = arith.cmpf oeq, %select_n3A, %eq3A_1548 : vector<256x128xf32>
    %jit3A_1550 = arith.constant 1.000000e+00 : f32
    %jit3A_1551 = arith.constant 0.000000e+00 : f32
    %broadcast_in_dim3A_1552 = vector.broadcast %jit3A_1550 : f32 to vector<256x128xf32>
    %broadcast_in_dim3A_1553 = vector.broadcast %jit3A_1551 : f32 to vector<256x128xf32>
    %select_n3A_1554 = arith.select %eq3A_1549, %broadcast_in_dim3A_1552, %broadcast_in_dim3A_1553 : vector<256x128xi1>, vector<256x128xf32>
    %reduce_sum3A_1555 = arith.constant dense<0.000000e+00> : vector<128xf32>
    %reduce_sum3A_1556 = vector.multi_reduction <add>, %select_n3A_1554, %reduce_sum3A_1555 [0] : vector<256x128xf32> to vector<128xf32>
    %broadcast_in_dim3A_1557 = vector.shape_cast %reduce_sum3A_1556 : vector<128xf32> to vector<1x128xf32>
    %get3A_1558 = arith.constant 85 : index
    %get3A_1559 = arith.constant 0 : index
    %get3A_1560 = vector.load %arg4[%get3A_1558, %get3A_1559] : memref<128x128xf32, #tpu.memory_space<vmem>>, vector<1x128xf32>
    %add3A_1561 = arith.addf %get3A_1560, %broadcast_in_dim3A_1557 : vector<1x128xf32>
    %swap3A_1562 = arith.constant 85 : index
    %swap3A_1563 = arith.constant 0 : index
    %swap3A_1564 = vector.load %arg4[%swap3A_1562, %swap3A_1563] : memref<128x128xf32, #tpu.memory_space<vmem>>, vector<1x128xf32>
    tpu.vector_store %arg4[%swap3A_1562, %swap3A_1563], %add3A_1561 {strides = array<i32>} : memref<128x128xf32, #tpu.memory_space<vmem>>, vector<1x128xf32>,
    %eq3A_1565 = arith.constant 8.600000e+01 : f32
    %eq3A_1566 = vector.broadcast %eq3A_1565 : f32 to vector<256x128xf32>
    %eq3A_1567 = arith.cmpf oeq, %select_n3A, %eq3A_1566 : vector<256x128xf32>
    %jit3A_1568 = arith.constant 1.000000e+00 : f32
    %jit3A_1569 = arith.constant 0.000000e+00 : f32
    %broadcast_in_dim3A_1570 = vector.broadcast %jit3A_1568 : f32 to vector<256x128xf32>
    %broadcast_in_dim3A_1571 = vector.broadcast %jit3A_1569 : f32 to vector<256x128xf32>
    %select_n3A_1572 = arith.select %eq3A_1567, %broadcast_in_dim3A_1570, %broadcast_in_dim3A_1571 : vector<256x128xi1>, vector<256x128xf32>
    %reduce_sum3A_1573 = arith.constant dense<0.000000e+00> : vector<128xf32>
    %reduce_sum3A_1574 = vector.multi_reduction <add>, %select_n3A_1572, %reduce_sum3A_1573 [0] : vector<256x128xf32> to vector<128xf32>
    %broadcast_in_dim3A_1575 = vector.shape_cast %reduce_sum3A_1574 : vector<128xf32> to vector<1x128xf32>
    %get3A_1576 = arith.constant 86 : index
    %get3A_1577 = arith.constant 0 : index
    %get3A_1578 = vector.load %arg4[%get3A_1576, %get3A_1577] : memref<128x128xf32, #tpu.memory_space<vmem>>, vector<1x128xf32>
    %add3A_1579 = arith.addf %get3A_1578, %broadcast_in_dim3A_1575 : vector<1x128xf32>
    %swap3A_1580 = arith.constant 86 : index
    %swap3A_1581 = arith.constant 0 : index
    %swap3A_1582 = vector.load %arg4[%swap3A_1580, %swap3A_1581] : memref<128x128xf32, #tpu.memory_space<vmem>>, vector<1x128xf32>
    tpu.vector_store %arg4[%swap3A_1580, %swap3A_1581], %add3A_1579 {strides = array<i32>} : memref<128x128xf32, #tpu.memory_space<vmem>>, vector<1x128xf32>,
    %eq3A_1583 = arith.constant 8.700000e+01 : f32
    %eq3A_1584 = vector.broadcast %eq3A_1583 : f32 to vector<256x128xf32>
    %eq3A_1585 = arith.cmpf oeq, %select_n3A, %eq3A_1584 : vector<256x128xf32>
    %jit3A_1586 = arith.constant 1.000000e+00 : f32
    %jit3A_1587 = arith.constant 0.000000e+00 : f32
    %broadcast_in_dim3A_1588 = vector.broadcast %jit3A_1586 : f32 to vector<256x128xf32>
    %broadcast_in_dim3A_1589 = vector.broadcast %jit3A_1587 : f32 to vector<256x128xf32>
    %select_n3A_1590 = arith.select %eq3A_1585, %broadcast_in_dim3A_1588, %broadcast_in_dim3A_1589 : vector<256x128xi1>, vector<256x128xf32>
    %reduce_sum3A_1591 = arith.constant dense<0.000000e+00> : vector<128xf32>
    %reduce_sum3A_1592 = vector.multi_reduction <add>, %select_n3A_1590, %reduce_sum3A_1591 [0] : vector<256x128xf32> to vector<128xf32>
    %broadcast_in_dim3A_1593 = vector.shape_cast %reduce_sum3A_1592 : vector<128xf32> to vector<1x128xf32>
    %get3A_1594 = arith.constant 87 : index
    %get3A_1595 = arith.constant 0 : index
    %get3A_1596 = vector.load %arg4[%get3A_1594, %get3A_1595] : memref<128x128xf32, #tpu.memory_space<vmem>>, vector<1x128xf32>
    %add3A_1597 = arith.addf %get3A_1596, %broadcast_in_dim3A_1593 : vector<1x128xf32>
    %swap3A_1598 = arith.constant 87 : index
    %swap3A_1599 = arith.constant 0 : index
    %swap3A_1600 = vector.load %arg4[%swap3A_1598, %swap3A_1599] : memref<128x128xf32, #tpu.memory_space<vmem>>, vector<1x128xf32>
    tpu.vector_store %arg4[%swap3A_1598, %swap3A_1599], %add3A_1597 {strides = array<i32>} : memref<128x128xf32, #tpu.memory_space<vmem>>, vector<1x128xf32>,
    %eq3A_1601 = arith.constant 8.800000e+01 : f32
    %eq3A_1602 = vector.broadcast %eq3A_1601 : f32 to vector<256x128xf32>
    %eq3A_1603 = arith.cmpf oeq, %select_n3A, %eq3A_1602 : vector<256x128xf32>
    %jit3A_1604 = arith.constant 1.000000e+00 : f32
    %jit3A_1605 = arith.constant 0.000000e+00 : f32
    %broadcast_in_dim3A_1606 = vector.broadcast %jit3A_1604 : f32 to vector<256x128xf32>
    %broadcast_in_dim3A_1607 = vector.broadcast %jit3A_1605 : f32 to vector<256x128xf32>
    %select_n3A_1608 = arith.select %eq3A_1603, %broadcast_in_dim3A_1606, %broadcast_in_dim3A_1607 : vector<256x128xi1>, vector<256x128xf32>
    %reduce_sum3A_1609 = arith.constant dense<0.000000e+00> : vector<128xf32>
    %reduce_sum3A_1610 = vector.multi_reduction <add>, %select_n3A_1608, %reduce_sum3A_1609 [0] : vector<256x128xf32> to vector<128xf32>
    %broadcast_in_dim3A_1611 = vector.shape_cast %reduce_sum3A_1610 : vector<128xf32> to vector<1x128xf32>
    %get3A_1612 = arith.constant 88 : index
    %get3A_1613 = arith.constant 0 : index
    %get3A_1614 = vector.load %arg4[%get3A_1612, %get3A_1613] : memref<128x128xf32, #tpu.memory_space<vmem>>, vector<1x128xf32>
    %add3A_1615 = arith.addf %get3A_1614, %broadcast_in_dim3A_1611 : vector<1x128xf32>
    %swap3A_1616 = arith.constant 88 : index
    %swap3A_1617 = arith.constant 0 : index
    %swap3A_1618 = vector.load %arg4[%swap3A_1616, %swap3A_1617] : memref<128x128xf32, #tpu.memory_space<vmem>>, vector<1x128xf32>
    tpu.vector_store %arg4[%swap3A_1616, %swap3A_1617], %add3A_1615 {strides = array<i32>} : memref<128x128xf32, #tpu.memory_space<vmem>>, vector<1x128xf32>,
    %eq3A_1619 = arith.constant 8.900000e+01 : f32
    %eq3A_1620 = vector.broadcast %eq3A_1619 : f32 to vector<256x128xf32>
    %eq3A_1621 = arith.cmpf oeq, %select_n3A, %eq3A_1620 : vector<256x128xf32>
    %jit3A_1622 = arith.constant 1.000000e+00 : f32
    %jit3A_1623 = arith.constant 0.000000e+00 : f32
    %broadcast_in_dim3A_1624 = vector.broadcast %jit3A_1622 : f32 to vector<256x128xf32>
    %broadcast_in_dim3A_1625 = vector.broadcast %jit3A_1623 : f32 to vector<256x128xf32>
    %select_n3A_1626 = arith.select %eq3A_1621, %broadcast_in_dim3A_1624, %broadcast_in_dim3A_1625 : vector<256x128xi1>, vector<256x128xf32>
    %reduce_sum3A_1627 = arith.constant dense<0.000000e+00> : vector<128xf32>
    %reduce_sum3A_1628 = vector.multi_reduction <add>, %select_n3A_1626, %reduce_sum3A_1627 [0] : vector<256x128xf32> to vector<128xf32>
    %broadcast_in_dim3A_1629 = vector.shape_cast %reduce_sum3A_1628 : vector<128xf32> to vector<1x128xf32>
    %get3A_1630 = arith.constant 89 : index
    %get3A_1631 = arith.constant 0 : index
    %get3A_1632 = vector.load %arg4[%get3A_1630, %get3A_1631] : memref<128x128xf32, #tpu.memory_space<vmem>>, vector<1x128xf32>
    %add3A_1633 = arith.addf %get3A_1632, %broadcast_in_dim3A_1629 : vector<1x128xf32>
    %swap3A_1634 = arith.constant 89 : index
    %swap3A_1635 = arith.constant 0 : index
    %swap3A_1636 = vector.load %arg4[%swap3A_1634, %swap3A_1635] : memref<128x128xf32, #tpu.memory_space<vmem>>, vector<1x128xf32>
    tpu.vector_store %arg4[%swap3A_1634, %swap3A_1635], %add3A_1633 {strides = array<i32>} : memref<128x128xf32, #tpu.memory_space<vmem>>, vector<1x128xf32>,
    %eq3A_1637 = arith.constant 9.000000e+01 : f32
    %eq3A_1638 = vector.broadcast %eq3A_1637 : f32 to vector<256x128xf32>
    %eq3A_1639 = arith.cmpf oeq, %select_n3A, %eq3A_1638 : vector<256x128xf32>
    %jit3A_1640 = arith.constant 1.000000e+00 : f32
    %jit3A_1641 = arith.constant 0.000000e+00 : f32
    %broadcast_in_dim3A_1642 = vector.broadcast %jit3A_1640 : f32 to vector<256x128xf32>
    %broadcast_in_dim3A_1643 = vector.broadcast %jit3A_1641 : f32 to vector<256x128xf32>
    %select_n3A_1644 = arith.select %eq3A_1639, %broadcast_in_dim3A_1642, %broadcast_in_dim3A_1643 : vector<256x128xi1>, vector<256x128xf32>
    %reduce_sum3A_1645 = arith.constant dense<0.000000e+00> : vector<128xf32>
    %reduce_sum3A_1646 = vector.multi_reduction <add>, %select_n3A_1644, %reduce_sum3A_1645 [0] : vector<256x128xf32> to vector<128xf32>
    %broadcast_in_dim3A_1647 = vector.shape_cast %reduce_sum3A_1646 : vector<128xf32> to vector<1x128xf32>
    %get3A_1648 = arith.constant 90 : index
    %get3A_1649 = arith.constant 0 : index
    %get3A_1650 = vector.load %arg4[%get3A_1648, %get3A_1649] : memref<128x128xf32, #tpu.memory_space<vmem>>, vector<1x128xf32>
    %add3A_1651 = arith.addf %get3A_1650, %broadcast_in_dim3A_1647 : vector<1x128xf32>
    %swap3A_1652 = arith.constant 90 : index
    %swap3A_1653 = arith.constant 0 : index
    %swap3A_1654 = vector.load %arg4[%swap3A_1652, %swap3A_1653] : memref<128x128xf32, #tpu.memory_space<vmem>>, vector<1x128xf32>
    tpu.vector_store %arg4[%swap3A_1652, %swap3A_1653], %add3A_1651 {strides = array<i32>} : memref<128x128xf32, #tpu.memory_space<vmem>>, vector<1x128xf32>,
    %eq3A_1655 = arith.constant 9.100000e+01 : f32
    %eq3A_1656 = vector.broadcast %eq3A_1655 : f32 to vector<256x128xf32>
    %eq3A_1657 = arith.cmpf oeq, %select_n3A, %eq3A_1656 : vector<256x128xf32>
    %jit3A_1658 = arith.constant 1.000000e+00 : f32
    %jit3A_1659 = arith.constant 0.000000e+00 : f32
    %broadcast_in_dim3A_1660 = vector.broadcast %jit3A_1658 : f32 to vector<256x128xf32>
    %broadcast_in_dim3A_1661 = vector.broadcast %jit3A_1659 : f32 to vector<256x128xf32>
    %select_n3A_1662 = arith.select %eq3A_1657, %broadcast_in_dim3A_1660, %broadcast_in_dim3A_1661 : vector<256x128xi1>, vector<256x128xf32>
    %reduce_sum3A_1663 = arith.constant dense<0.000000e+00> : vector<128xf32>
    %reduce_sum3A_1664 = vector.multi_reduction <add>, %select_n3A_1662, %reduce_sum3A_1663 [0] : vector<256x128xf32> to vector<128xf32>
    %broadcast_in_dim3A_1665 = vector.shape_cast %reduce_sum3A_1664 : vector<128xf32> to vector<1x128xf32>
    %get3A_1666 = arith.constant 91 : index
    %get3A_1667 = arith.constant 0 : index
    %get3A_1668 = vector.load %arg4[%get3A_1666, %get3A_1667] : memref<128x128xf32, #tpu.memory_space<vmem>>, vector<1x128xf32>
    %add3A_1669 = arith.addf %get3A_1668, %broadcast_in_dim3A_1665 : vector<1x128xf32>
    %swap3A_1670 = arith.constant 91 : index
    %swap3A_1671 = arith.constant 0 : index
    %swap3A_1672 = vector.load %arg4[%swap3A_1670, %swap3A_1671] : memref<128x128xf32, #tpu.memory_space<vmem>>, vector<1x128xf32>
    tpu.vector_store %arg4[%swap3A_1670, %swap3A_1671], %add3A_1669 {strides = array<i32>} : memref<128x128xf32, #tpu.memory_space<vmem>>, vector<1x128xf32>,
    %eq3A_1673 = arith.constant 9.200000e+01 : f32
    %eq3A_1674 = vector.broadcast %eq3A_1673 : f32 to vector<256x128xf32>
    %eq3A_1675 = arith.cmpf oeq, %select_n3A, %eq3A_1674 : vector<256x128xf32>
    %jit3A_1676 = arith.constant 1.000000e+00 : f32
    %jit3A_1677 = arith.constant 0.000000e+00 : f32
    %broadcast_in_dim3A_1678 = vector.broadcast %jit3A_1676 : f32 to vector<256x128xf32>
    %broadcast_in_dim3A_1679 = vector.broadcast %jit3A_1677 : f32 to vector<256x128xf32>
    %select_n3A_1680 = arith.select %eq3A_1675, %broadcast_in_dim3A_1678, %broadcast_in_dim3A_1679 : vector<256x128xi1>, vector<256x128xf32>
    %reduce_sum3A_1681 = arith.constant dense<0.000000e+00> : vector<128xf32>
    %reduce_sum3A_1682 = vector.multi_reduction <add>, %select_n3A_1680, %reduce_sum3A_1681 [0] : vector<256x128xf32> to vector<128xf32>
    %broadcast_in_dim3A_1683 = vector.shape_cast %reduce_sum3A_1682 : vector<128xf32> to vector<1x128xf32>
    %get3A_1684 = arith.constant 92 : index
    %get3A_1685 = arith.constant 0 : index
    %get3A_1686 = vector.load %arg4[%get3A_1684, %get3A_1685] : memref<128x128xf32, #tpu.memory_space<vmem>>, vector<1x128xf32>
    %add3A_1687 = arith.addf %get3A_1686, %broadcast_in_dim3A_1683 : vector<1x128xf32>
    %swap3A_1688 = arith.constant 92 : index
    %swap3A_1689 = arith.constant 0 : index
    %swap3A_1690 = vector.load %arg4[%swap3A_1688, %swap3A_1689] : memref<128x128xf32, #tpu.memory_space<vmem>>, vector<1x128xf32>
    tpu.vector_store %arg4[%swap3A_1688, %swap3A_1689], %add3A_1687 {strides = array<i32>} : memref<128x128xf32, #tpu.memory_space<vmem>>, vector<1x128xf32>,
    %eq3A_1691 = arith.constant 9.300000e+01 : f32
    %eq3A_1692 = vector.broadcast %eq3A_1691 : f32 to vector<256x128xf32>
    %eq3A_1693 = arith.cmpf oeq, %select_n3A, %eq3A_1692 : vector<256x128xf32>
    %jit3A_1694 = arith.constant 1.000000e+00 : f32
    %jit3A_1695 = arith.constant 0.000000e+00 : f32
    %broadcast_in_dim3A_1696 = vector.broadcast %jit3A_1694 : f32 to vector<256x128xf32>
    %broadcast_in_dim3A_1697 = vector.broadcast %jit3A_1695 : f32 to vector<256x128xf32>
    %select_n3A_1698 = arith.select %eq3A_1693, %broadcast_in_dim3A_1696, %broadcast_in_dim3A_1697 : vector<256x128xi1>, vector<256x128xf32>
    %reduce_sum3A_1699 = arith.constant dense<0.000000e+00> : vector<128xf32>
    %reduce_sum3A_1700 = vector.multi_reduction <add>, %select_n3A_1698, %reduce_sum3A_1699 [0] : vector<256x128xf32> to vector<128xf32>
    %broadcast_in_dim3A_1701 = vector.shape_cast %reduce_sum3A_1700 : vector<128xf32> to vector<1x128xf32>
    %get3A_1702 = arith.constant 93 : index
    %get3A_1703 = arith.constant 0 : index
    %get3A_1704 = vector.load %arg4[%get3A_1702, %get3A_1703] : memref<128x128xf32, #tpu.memory_space<vmem>>, vector<1x128xf32>
    %add3A_1705 = arith.addf %get3A_1704, %broadcast_in_dim3A_1701 : vector<1x128xf32>
    %swap3A_1706 = arith.constant 93 : index
    %swap3A_1707 = arith.constant 0 : index
    %swap3A_1708 = vector.load %arg4[%swap3A_1706, %swap3A_1707] : memref<128x128xf32, #tpu.memory_space<vmem>>, vector<1x128xf32>
    tpu.vector_store %arg4[%swap3A_1706, %swap3A_1707], %add3A_1705 {strides = array<i32>} : memref<128x128xf32, #tpu.memory_space<vmem>>, vector<1x128xf32>,
    %eq3A_1709 = arith.constant 9.400000e+01 : f32
    %eq3A_1710 = vector.broadcast %eq3A_1709 : f32 to vector<256x128xf32>
    %eq3A_1711 = arith.cmpf oeq, %select_n3A, %eq3A_1710 : vector<256x128xf32>
    %jit3A_1712 = arith.constant 1.000000e+00 : f32
    %jit3A_1713 = arith.constant 0.000000e+00 : f32
    %broadcast_in_dim3A_1714 = vector.broadcast %jit3A_1712 : f32 to vector<256x128xf32>
    %broadcast_in_dim3A_1715 = vector.broadcast %jit3A_1713 : f32 to vector<256x128xf32>
    %select_n3A_1716 = arith.select %eq3A_1711, %broadcast_in_dim3A_1714, %broadcast_in_dim3A_1715 : vector<256x128xi1>, vector<256x128xf32>
    %reduce_sum3A_1717 = arith.constant dense<0.000000e+00> : vector<128xf32>
    %reduce_sum3A_1718 = vector.multi_reduction <add>, %select_n3A_1716, %reduce_sum3A_1717 [0] : vector<256x128xf32> to vector<128xf32>
    %broadcast_in_dim3A_1719 = vector.shape_cast %reduce_sum3A_1718 : vector<128xf32> to vector<1x128xf32>
    %get3A_1720 = arith.constant 94 : index
    %get3A_1721 = arith.constant 0 : index
    %get3A_1722 = vector.load %arg4[%get3A_1720, %get3A_1721] : memref<128x128xf32, #tpu.memory_space<vmem>>, vector<1x128xf32>
    %add3A_1723 = arith.addf %get3A_1722, %broadcast_in_dim3A_1719 : vector<1x128xf32>
    %swap3A_1724 = arith.constant 94 : index
    %swap3A_1725 = arith.constant 0 : index
    %swap3A_1726 = vector.load %arg4[%swap3A_1724, %swap3A_1725] : memref<128x128xf32, #tpu.memory_space<vmem>>, vector<1x128xf32>
    tpu.vector_store %arg4[%swap3A_1724, %swap3A_1725], %add3A_1723 {strides = array<i32>} : memref<128x128xf32, #tpu.memory_space<vmem>>, vector<1x128xf32>,
    %eq3A_1727 = arith.constant 9.500000e+01 : f32
    %eq3A_1728 = vector.broadcast %eq3A_1727 : f32 to vector<256x128xf32>
    %eq3A_1729 = arith.cmpf oeq, %select_n3A, %eq3A_1728 : vector<256x128xf32>
    %jit3A_1730 = arith.constant 1.000000e+00 : f32
    %jit3A_1731 = arith.constant 0.000000e+00 : f32
    %broadcast_in_dim3A_1732 = vector.broadcast %jit3A_1730 : f32 to vector<256x128xf32>
    %broadcast_in_dim3A_1733 = vector.broadcast %jit3A_1731 : f32 to vector<256x128xf32>
    %select_n3A_1734 = arith.select %eq3A_1729, %broadcast_in_dim3A_1732, %broadcast_in_dim3A_1733 : vector<256x128xi1>, vector<256x128xf32>
    %reduce_sum3A_1735 = arith.constant dense<0.000000e+00> : vector<128xf32>
    %reduce_sum3A_1736 = vector.multi_reduction <add>, %select_n3A_1734, %reduce_sum3A_1735 [0] : vector<256x128xf32> to vector<128xf32>
    %broadcast_in_dim3A_1737 = vector.shape_cast %reduce_sum3A_1736 : vector<128xf32> to vector<1x128xf32>
    %get3A_1738 = arith.constant 95 : index
    %get3A_1739 = arith.constant 0 : index
    %get3A_1740 = vector.load %arg4[%get3A_1738, %get3A_1739] : memref<128x128xf32, #tpu.memory_space<vmem>>, vector<1x128xf32>
    %add3A_1741 = arith.addf %get3A_1740, %broadcast_in_dim3A_1737 : vector<1x128xf32>
    %swap3A_1742 = arith.constant 95 : index
    %swap3A_1743 = arith.constant 0 : index
    %swap3A_1744 = vector.load %arg4[%swap3A_1742, %swap3A_1743] : memref<128x128xf32, #tpu.memory_space<vmem>>, vector<1x128xf32>
    tpu.vector_store %arg4[%swap3A_1742, %swap3A_1743], %add3A_1741 {strides = array<i32>} : memref<128x128xf32, #tpu.memory_space<vmem>>, vector<1x128xf32>,
    %eq3A_1745 = arith.constant 9.600000e+01 : f32
    %eq3A_1746 = vector.broadcast %eq3A_1745 : f32 to vector<256x128xf32>
    %eq3A_1747 = arith.cmpf oeq, %select_n3A, %eq3A_1746 : vector<256x128xf32>
    %jit3A_1748 = arith.constant 1.000000e+00 : f32
    %jit3A_1749 = arith.constant 0.000000e+00 : f32
    %broadcast_in_dim3A_1750 = vector.broadcast %jit3A_1748 : f32 to vector<256x128xf32>
    %broadcast_in_dim3A_1751 = vector.broadcast %jit3A_1749 : f32 to vector<256x128xf32>
    %select_n3A_1752 = arith.select %eq3A_1747, %broadcast_in_dim3A_1750, %broadcast_in_dim3A_1751 : vector<256x128xi1>, vector<256x128xf32>
    %reduce_sum3A_1753 = arith.constant dense<0.000000e+00> : vector<128xf32>
    %reduce_sum3A_1754 = vector.multi_reduction <add>, %select_n3A_1752, %reduce_sum3A_1753 [0] : vector<256x128xf32> to vector<128xf32>
    %broadcast_in_dim3A_1755 = vector.shape_cast %reduce_sum3A_1754 : vector<128xf32> to vector<1x128xf32>
    %get3A_1756 = arith.constant 96 : index
    %get3A_1757 = arith.constant 0 : index
    %get3A_1758 = vector.load %arg4[%get3A_1756, %get3A_1757] : memref<128x128xf32, #tpu.memory_space<vmem>>, vector<1x128xf32>
    %add3A_1759 = arith.addf %get3A_1758, %broadcast_in_dim3A_1755 : vector<1x128xf32>
    %swap3A_1760 = arith.constant 96 : index
    %swap3A_1761 = arith.constant 0 : index
    %swap3A_1762 = vector.load %arg4[%swap3A_1760, %swap3A_1761] : memref<128x128xf32, #tpu.memory_space<vmem>>, vector<1x128xf32>
    tpu.vector_store %arg4[%swap3A_1760, %swap3A_1761], %add3A_1759 {strides = array<i32>} : memref<128x128xf32, #tpu.memory_space<vmem>>, vector<1x128xf32>,
    %eq3A_1763 = arith.constant 9.700000e+01 : f32
    %eq3A_1764 = vector.broadcast %eq3A_1763 : f32 to vector<256x128xf32>
    %eq3A_1765 = arith.cmpf oeq, %select_n3A, %eq3A_1764 : vector<256x128xf32>
    %jit3A_1766 = arith.constant 1.000000e+00 : f32
    %jit3A_1767 = arith.constant 0.000000e+00 : f32
    %broadcast_in_dim3A_1768 = vector.broadcast %jit3A_1766 : f32 to vector<256x128xf32>
    %broadcast_in_dim3A_1769 = vector.broadcast %jit3A_1767 : f32 to vector<256x128xf32>
    %select_n3A_1770 = arith.select %eq3A_1765, %broadcast_in_dim3A_1768, %broadcast_in_dim3A_1769 : vector<256x128xi1>, vector<256x128xf32>
    %reduce_sum3A_1771 = arith.constant dense<0.000000e+00> : vector<128xf32>
    %reduce_sum3A_1772 = vector.multi_reduction <add>, %select_n3A_1770, %reduce_sum3A_1771 [0] : vector<256x128xf32> to vector<128xf32>
    %broadcast_in_dim3A_1773 = vector.shape_cast %reduce_sum3A_1772 : vector<128xf32> to vector<1x128xf32>
    %get3A_1774 = arith.constant 97 : index
    %get3A_1775 = arith.constant 0 : index
    %get3A_1776 = vector.load %arg4[%get3A_1774, %get3A_1775] : memref<128x128xf32, #tpu.memory_space<vmem>>, vector<1x128xf32>
    %add3A_1777 = arith.addf %get3A_1776, %broadcast_in_dim3A_1773 : vector<1x128xf32>
    %swap3A_1778 = arith.constant 97 : index
    %swap3A_1779 = arith.constant 0 : index
    %swap3A_1780 = vector.load %arg4[%swap3A_1778, %swap3A_1779] : memref<128x128xf32, #tpu.memory_space<vmem>>, vector<1x128xf32>
    tpu.vector_store %arg4[%swap3A_1778, %swap3A_1779], %add3A_1777 {strides = array<i32>} : memref<128x128xf32, #tpu.memory_space<vmem>>, vector<1x128xf32>,
    %eq3A_1781 = arith.constant 9.800000e+01 : f32
    %eq3A_1782 = vector.broadcast %eq3A_1781 : f32 to vector<256x128xf32>
    %eq3A_1783 = arith.cmpf oeq, %select_n3A, %eq3A_1782 : vector<256x128xf32>
    %jit3A_1784 = arith.constant 1.000000e+00 : f32
    %jit3A_1785 = arith.constant 0.000000e+00 : f32
    %broadcast_in_dim3A_1786 = vector.broadcast %jit3A_1784 : f32 to vector<256x128xf32>
    %broadcast_in_dim3A_1787 = vector.broadcast %jit3A_1785 : f32 to vector<256x128xf32>
    %select_n3A_1788 = arith.select %eq3A_1783, %broadcast_in_dim3A_1786, %broadcast_in_dim3A_1787 : vector<256x128xi1>, vector<256x128xf32>
    %reduce_sum3A_1789 = arith.constant dense<0.000000e+00> : vector<128xf32>
    %reduce_sum3A_1790 = vector.multi_reduction <add>, %select_n3A_1788, %reduce_sum3A_1789 [0] : vector<256x128xf32> to vector<128xf32>
    %broadcast_in_dim3A_1791 = vector.shape_cast %reduce_sum3A_1790 : vector<128xf32> to vector<1x128xf32>
    %get3A_1792 = arith.constant 98 : index
    %get3A_1793 = arith.constant 0 : index
    %get3A_1794 = vector.load %arg4[%get3A_1792, %get3A_1793] : memref<128x128xf32, #tpu.memory_space<vmem>>, vector<1x128xf32>
    %add3A_1795 = arith.addf %get3A_1794, %broadcast_in_dim3A_1791 : vector<1x128xf32>
    %swap3A_1796 = arith.constant 98 : index
    %swap3A_1797 = arith.constant 0 : index
    %swap3A_1798 = vector.load %arg4[%swap3A_1796, %swap3A_1797] : memref<128x128xf32, #tpu.memory_space<vmem>>, vector<1x128xf32>
    tpu.vector_store %arg4[%swap3A_1796, %swap3A_1797], %add3A_1795 {strides = array<i32>} : memref<128x128xf32, #tpu.memory_space<vmem>>, vector<1x128xf32>,
    %eq3A_1799 = arith.constant 9.900000e+01 : f32
    %eq3A_1800 = vector.broadcast %eq3A_1799 : f32 to vector<256x128xf32>
    %eq3A_1801 = arith.cmpf oeq, %select_n3A, %eq3A_1800 : vector<256x128xf32>
    %jit3A_1802 = arith.constant 1.000000e+00 : f32
    %jit3A_1803 = arith.constant 0.000000e+00 : f32
    %broadcast_in_dim3A_1804 = vector.broadcast %jit3A_1802 : f32 to vector<256x128xf32>
    %broadcast_in_dim3A_1805 = vector.broadcast %jit3A_1803 : f32 to vector<256x128xf32>
    %select_n3A_1806 = arith.select %eq3A_1801, %broadcast_in_dim3A_1804, %broadcast_in_dim3A_1805 : vector<256x128xi1>, vector<256x128xf32>
    %reduce_sum3A_1807 = arith.constant dense<0.000000e+00> : vector<128xf32>
    %reduce_sum3A_1808 = vector.multi_reduction <add>, %select_n3A_1806, %reduce_sum3A_1807 [0] : vector<256x128xf32> to vector<128xf32>
    %broadcast_in_dim3A_1809 = vector.shape_cast %reduce_sum3A_1808 : vector<128xf32> to vector<1x128xf32>
    %get3A_1810 = arith.constant 99 : index
    %get3A_1811 = arith.constant 0 : index
    %get3A_1812 = vector.load %arg4[%get3A_1810, %get3A_1811] : memref<128x128xf32, #tpu.memory_space<vmem>>, vector<1x128xf32>
    %add3A_1813 = arith.addf %get3A_1812, %broadcast_in_dim3A_1809 : vector<1x128xf32>
    %swap3A_1814 = arith.constant 99 : index
    %swap3A_1815 = arith.constant 0 : index
    %swap3A_1816 = vector.load %arg4[%swap3A_1814, %swap3A_1815] : memref<128x128xf32, #tpu.memory_space<vmem>>, vector<1x128xf32>
    tpu.vector_store %arg4[%swap3A_1814, %swap3A_1815], %add3A_1813 {strides = array<i32>} : memref<128x128xf32, #tpu.memory_space<vmem>>, vector<1x128xf32>,
    %eq3A_1817 = arith.constant 1.000000e+02 : f32
    %eq3A_1818 = vector.broadcast %eq3A_1817 : f32 to vector<256x128xf32>
    %eq3A_1819 = arith.cmpf oeq, %select_n3A, %eq3A_1818 : vector<256x128xf32>
    %jit3A_1820 = arith.constant 1.000000e+00 : f32
    %jit3A_1821 = arith.constant 0.000000e+00 : f32
    %broadcast_in_dim3A_1822 = vector.broadcast %jit3A_1820 : f32 to vector<256x128xf32>
    %broadcast_in_dim3A_1823 = vector.broadcast %jit3A_1821 : f32 to vector<256x128xf32>
    %select_n3A_1824 = arith.select %eq3A_1819, %broadcast_in_dim3A_1822, %broadcast_in_dim3A_1823 : vector<256x128xi1>, vector<256x128xf32>
    %reduce_sum3A_1825 = arith.constant dense<0.000000e+00> : vector<128xf32>
    %reduce_sum3A_1826 = vector.multi_reduction <add>, %select_n3A_1824, %reduce_sum3A_1825 [0] : vector<256x128xf32> to vector<128xf32>
    %broadcast_in_dim3A_1827 = vector.shape_cast %reduce_sum3A_1826 : vector<128xf32> to vector<1x128xf32>
    %get3A_1828 = arith.constant 100 : index
    %get3A_1829 = arith.constant 0 : index
    %get3A_1830 = vector.load %arg4[%get3A_1828, %get3A_1829] : memref<128x128xf32, #tpu.memory_space<vmem>>, vector<1x128xf32>
    %add3A_1831 = arith.addf %get3A_1830, %broadcast_in_dim3A_1827 : vector<1x128xf32>
    %swap3A_1832 = arith.constant 100 : index
    %swap3A_1833 = arith.constant 0 : index
    %swap3A_1834 = vector.load %arg4[%swap3A_1832, %swap3A_1833] : memref<128x128xf32, #tpu.memory_space<vmem>>, vector<1x128xf32>
    tpu.vector_store %arg4[%swap3A_1832, %swap3A_1833], %add3A_1831 {strides = array<i32>} : memref<128x128xf32, #tpu.memory_space<vmem>>, vector<1x128xf32>,
    %eq3A_1835 = arith.constant 1.010000e+02 : f32
    %eq3A_1836 = vector.broadcast %eq3A_1835 : f32 to vector<256x128xf32>
    %eq3A_1837 = arith.cmpf oeq, %select_n3A, %eq3A_1836 : vector<256x128xf32>
    %jit3A_1838 = arith.constant 1.000000e+00 : f32
    %jit3A_1839 = arith.constant 0.000000e+00 : f32
    %broadcast_in_dim3A_1840 = vector.broadcast %jit3A_1838 : f32 to vector<256x128xf32>
    %broadcast_in_dim3A_1841 = vector.broadcast %jit3A_1839 : f32 to vector<256x128xf32>
    %select_n3A_1842 = arith.select %eq3A_1837, %broadcast_in_dim3A_1840, %broadcast_in_dim3A_1841 : vector<256x128xi1>, vector<256x128xf32>
    %reduce_sum3A_1843 = arith.constant dense<0.000000e+00> : vector<128xf32>
    %reduce_sum3A_1844 = vector.multi_reduction <add>, %select_n3A_1842, %reduce_sum3A_1843 [0] : vector<256x128xf32> to vector<128xf32>
    %broadcast_in_dim3A_1845 = vector.shape_cast %reduce_sum3A_1844 : vector<128xf32> to vector<1x128xf32>
    %get3A_1846 = arith.constant 101 : index
    %get3A_1847 = arith.constant 0 : index
    %get3A_1848 = vector.load %arg4[%get3A_1846, %get3A_1847] : memref<128x128xf32, #tpu.memory_space<vmem>>, vector<1x128xf32>
    %add3A_1849 = arith.addf %get3A_1848, %broadcast_in_dim3A_1845 : vector<1x128xf32>
    %swap3A_1850 = arith.constant 101 : index
    %swap3A_1851 = arith.constant 0 : index
    %swap3A_1852 = vector.load %arg4[%swap3A_1850, %swap3A_1851] : memref<128x128xf32, #tpu.memory_space<vmem>>, vector<1x128xf32>
    tpu.vector_store %arg4[%swap3A_1850, %swap3A_1851], %add3A_1849 {strides = array<i32>} : memref<128x128xf32, #tpu.memory_space<vmem>>, vector<1x128xf32>,
    %eq3A_1853 = arith.constant 1.020000e+02 : f32
    %eq3A_1854 = vector.broadcast %eq3A_1853 : f32 to vector<256x128xf32>
    %eq3A_1855 = arith.cmpf oeq, %select_n3A, %eq3A_1854 : vector<256x128xf32>
    %jit3A_1856 = arith.constant 1.000000e+00 : f32
    %jit3A_1857 = arith.constant 0.000000e+00 : f32
    %broadcast_in_dim3A_1858 = vector.broadcast %jit3A_1856 : f32 to vector<256x128xf32>
    %broadcast_in_dim3A_1859 = vector.broadcast %jit3A_1857 : f32 to vector<256x128xf32>
    %select_n3A_1860 = arith.select %eq3A_1855, %broadcast_in_dim3A_1858, %broadcast_in_dim3A_1859 : vector<256x128xi1>, vector<256x128xf32>
    %reduce_sum3A_1861 = arith.constant dense<0.000000e+00> : vector<128xf32>
    %reduce_sum3A_1862 = vector.multi_reduction <add>, %select_n3A_1860, %reduce_sum3A_1861 [0] : vector<256x128xf32> to vector<128xf32>
    %broadcast_in_dim3A_1863 = vector.shape_cast %reduce_sum3A_1862 : vector<128xf32> to vector<1x128xf32>
    %get3A_1864 = arith.constant 102 : index
    %get3A_1865 = arith.constant 0 : index
    %get3A_1866 = vector.load %arg4[%get3A_1864, %get3A_1865] : memref<128x128xf32, #tpu.memory_space<vmem>>, vector<1x128xf32>
    %add3A_1867 = arith.addf %get3A_1866, %broadcast_in_dim3A_1863 : vector<1x128xf32>
    %swap3A_1868 = arith.constant 102 : index
    %swap3A_1869 = arith.constant 0 : index
    %swap3A_1870 = vector.load %arg4[%swap3A_1868, %swap3A_1869] : memref<128x128xf32, #tpu.memory_space<vmem>>, vector<1x128xf32>
    tpu.vector_store %arg4[%swap3A_1868, %swap3A_1869], %add3A_1867 {strides = array<i32>} : memref<128x128xf32, #tpu.memory_space<vmem>>, vector<1x128xf32>,
    %eq3A_1871 = arith.constant 1.030000e+02 : f32
    %eq3A_1872 = vector.broadcast %eq3A_1871 : f32 to vector<256x128xf32>
    %eq3A_1873 = arith.cmpf oeq, %select_n3A, %eq3A_1872 : vector<256x128xf32>
    %jit3A_1874 = arith.constant 1.000000e+00 : f32
    %jit3A_1875 = arith.constant 0.000000e+00 : f32
    %broadcast_in_dim3A_1876 = vector.broadcast %jit3A_1874 : f32 to vector<256x128xf32>
    %broadcast_in_dim3A_1877 = vector.broadcast %jit3A_1875 : f32 to vector<256x128xf32>
    %select_n3A_1878 = arith.select %eq3A_1873, %broadcast_in_dim3A_1876, %broadcast_in_dim3A_1877 : vector<256x128xi1>, vector<256x128xf32>
    %reduce_sum3A_1879 = arith.constant dense<0.000000e+00> : vector<128xf32>
    %reduce_sum3A_1880 = vector.multi_reduction <add>, %select_n3A_1878, %reduce_sum3A_1879 [0] : vector<256x128xf32> to vector<128xf32>
    %broadcast_in_dim3A_1881 = vector.shape_cast %reduce_sum3A_1880 : vector<128xf32> to vector<1x128xf32>
    %get3A_1882 = arith.constant 103 : index
    %get3A_1883 = arith.constant 0 : index
    %get3A_1884 = vector.load %arg4[%get3A_1882, %get3A_1883] : memref<128x128xf32, #tpu.memory_space<vmem>>, vector<1x128xf32>
    %add3A_1885 = arith.addf %get3A_1884, %broadcast_in_dim3A_1881 : vector<1x128xf32>
    %swap3A_1886 = arith.constant 103 : index
    %swap3A_1887 = arith.constant 0 : index
    %swap3A_1888 = vector.load %arg4[%swap3A_1886, %swap3A_1887] : memref<128x128xf32, #tpu.memory_space<vmem>>, vector<1x128xf32>
    tpu.vector_store %arg4[%swap3A_1886, %swap3A_1887], %add3A_1885 {strides = array<i32>} : memref<128x128xf32, #tpu.memory_space<vmem>>, vector<1x128xf32>,
    %eq3A_1889 = arith.constant 1.040000e+02 : f32
    %eq3A_1890 = vector.broadcast %eq3A_1889 : f32 to vector<256x128xf32>
    %eq3A_1891 = arith.cmpf oeq, %select_n3A, %eq3A_1890 : vector<256x128xf32>
    %jit3A_1892 = arith.constant 1.000000e+00 : f32
    %jit3A_1893 = arith.constant 0.000000e+00 : f32
    %broadcast_in_dim3A_1894 = vector.broadcast %jit3A_1892 : f32 to vector<256x128xf32>
    %broadcast_in_dim3A_1895 = vector.broadcast %jit3A_1893 : f32 to vector<256x128xf32>
    %select_n3A_1896 = arith.select %eq3A_1891, %broadcast_in_dim3A_1894, %broadcast_in_dim3A_1895 : vector<256x128xi1>, vector<256x128xf32>
    %reduce_sum3A_1897 = arith.constant dense<0.000000e+00> : vector<128xf32>
    %reduce_sum3A_1898 = vector.multi_reduction <add>, %select_n3A_1896, %reduce_sum3A_1897 [0] : vector<256x128xf32> to vector<128xf32>
    %broadcast_in_dim3A_1899 = vector.shape_cast %reduce_sum3A_1898 : vector<128xf32> to vector<1x128xf32>
    %get3A_1900 = arith.constant 104 : index
    %get3A_1901 = arith.constant 0 : index
    %get3A_1902 = vector.load %arg4[%get3A_1900, %get3A_1901] : memref<128x128xf32, #tpu.memory_space<vmem>>, vector<1x128xf32>
    %add3A_1903 = arith.addf %get3A_1902, %broadcast_in_dim3A_1899 : vector<1x128xf32>
    %swap3A_1904 = arith.constant 104 : index
    %swap3A_1905 = arith.constant 0 : index
    %swap3A_1906 = vector.load %arg4[%swap3A_1904, %swap3A_1905] : memref<128x128xf32, #tpu.memory_space<vmem>>, vector<1x128xf32>
    tpu.vector_store %arg4[%swap3A_1904, %swap3A_1905], %add3A_1903 {strides = array<i32>} : memref<128x128xf32, #tpu.memory_space<vmem>>, vector<1x128xf32>,
    %eq3A_1907 = arith.constant 1.050000e+02 : f32
    %eq3A_1908 = vector.broadcast %eq3A_1907 : f32 to vector<256x128xf32>
    %eq3A_1909 = arith.cmpf oeq, %select_n3A, %eq3A_1908 : vector<256x128xf32>
    %jit3A_1910 = arith.constant 1.000000e+00 : f32
    %jit3A_1911 = arith.constant 0.000000e+00 : f32
    %broadcast_in_dim3A_1912 = vector.broadcast %jit3A_1910 : f32 to vector<256x128xf32>
    %broadcast_in_dim3A_1913 = vector.broadcast %jit3A_1911 : f32 to vector<256x128xf32>
    %select_n3A_1914 = arith.select %eq3A_1909, %broadcast_in_dim3A_1912, %broadcast_in_dim3A_1913 : vector<256x128xi1>, vector<256x128xf32>
    %reduce_sum3A_1915 = arith.constant dense<0.000000e+00> : vector<128xf32>
    %reduce_sum3A_1916 = vector.multi_reduction <add>, %select_n3A_1914, %reduce_sum3A_1915 [0] : vector<256x128xf32> to vector<128xf32>
    %broadcast_in_dim3A_1917 = vector.shape_cast %reduce_sum3A_1916 : vector<128xf32> to vector<1x128xf32>
    %get3A_1918 = arith.constant 105 : index
    %get3A_1919 = arith.constant 0 : index
    %get3A_1920 = vector.load %arg4[%get3A_1918, %get3A_1919] : memref<128x128xf32, #tpu.memory_space<vmem>>, vector<1x128xf32>
    %add3A_1921 = arith.addf %get3A_1920, %broadcast_in_dim3A_1917 : vector<1x128xf32>
    %swap3A_1922 = arith.constant 105 : index
    %swap3A_1923 = arith.constant 0 : index
    %swap3A_1924 = vector.load %arg4[%swap3A_1922, %swap3A_1923] : memref<128x128xf32, #tpu.memory_space<vmem>>, vector<1x128xf32>
    tpu.vector_store %arg4[%swap3A_1922, %swap3A_1923], %add3A_1921 {strides = array<i32>} : memref<128x128xf32, #tpu.memory_space<vmem>>, vector<1x128xf32>,
    %eq3A_1925 = arith.constant 1.060000e+02 : f32
    %eq3A_1926 = vector.broadcast %eq3A_1925 : f32 to vector<256x128xf32>
    %eq3A_1927 = arith.cmpf oeq, %select_n3A, %eq3A_1926 : vector<256x128xf32>
    %jit3A_1928 = arith.constant 1.000000e+00 : f32
    %jit3A_1929 = arith.constant 0.000000e+00 : f32
    %broadcast_in_dim3A_1930 = vector.broadcast %jit3A_1928 : f32 to vector<256x128xf32>
    %broadcast_in_dim3A_1931 = vector.broadcast %jit3A_1929 : f32 to vector<256x128xf32>
    %select_n3A_1932 = arith.select %eq3A_1927, %broadcast_in_dim3A_1930, %broadcast_in_dim3A_1931 : vector<256x128xi1>, vector<256x128xf32>
    %reduce_sum3A_1933 = arith.constant dense<0.000000e+00> : vector<128xf32>
    %reduce_sum3A_1934 = vector.multi_reduction <add>, %select_n3A_1932, %reduce_sum3A_1933 [0] : vector<256x128xf32> to vector<128xf32>
    %broadcast_in_dim3A_1935 = vector.shape_cast %reduce_sum3A_1934 : vector<128xf32> to vector<1x128xf32>
    %get3A_1936 = arith.constant 106 : index
    %get3A_1937 = arith.constant 0 : index
    %get3A_1938 = vector.load %arg4[%get3A_1936, %get3A_1937] : memref<128x128xf32, #tpu.memory_space<vmem>>, vector<1x128xf32>
    %add3A_1939 = arith.addf %get3A_1938, %broadcast_in_dim3A_1935 : vector<1x128xf32>
    %swap3A_1940 = arith.constant 106 : index
    %swap3A_1941 = arith.constant 0 : index
    %swap3A_1942 = vector.load %arg4[%swap3A_1940, %swap3A_1941] : memref<128x128xf32, #tpu.memory_space<vmem>>, vector<1x128xf32>
    tpu.vector_store %arg4[%swap3A_1940, %swap3A_1941], %add3A_1939 {strides = array<i32>} : memref<128x128xf32, #tpu.memory_space<vmem>>, vector<1x128xf32>,
    %eq3A_1943 = arith.constant 1.070000e+02 : f32
    %eq3A_1944 = vector.broadcast %eq3A_1943 : f32 to vector<256x128xf32>
    %eq3A_1945 = arith.cmpf oeq, %select_n3A, %eq3A_1944 : vector<256x128xf32>
    %jit3A_1946 = arith.constant 1.000000e+00 : f32
    %jit3A_1947 = arith.constant 0.000000e+00 : f32
    %broadcast_in_dim3A_1948 = vector.broadcast %jit3A_1946 : f32 to vector<256x128xf32>
    %broadcast_in_dim3A_1949 = vector.broadcast %jit3A_1947 : f32 to vector<256x128xf32>
    %select_n3A_1950 = arith.select %eq3A_1945, %broadcast_in_dim3A_1948, %broadcast_in_dim3A_1949 : vector<256x128xi1>, vector<256x128xf32>
    %reduce_sum3A_1951 = arith.constant dense<0.000000e+00> : vector<128xf32>
    %reduce_sum3A_1952 = vector.multi_reduction <add>, %select_n3A_1950, %reduce_sum3A_1951 [0] : vector<256x128xf32> to vector<128xf32>
    %broadcast_in_dim3A_1953 = vector.shape_cast %reduce_sum3A_1952 : vector<128xf32> to vector<1x128xf32>
    %get3A_1954 = arith.constant 107 : index
    %get3A_1955 = arith.constant 0 : index
    %get3A_1956 = vector.load %arg4[%get3A_1954, %get3A_1955] : memref<128x128xf32, #tpu.memory_space<vmem>>, vector<1x128xf32>
    %add3A_1957 = arith.addf %get3A_1956, %broadcast_in_dim3A_1953 : vector<1x128xf32>
    %swap3A_1958 = arith.constant 107 : index
    %swap3A_1959 = arith.constant 0 : index
    %swap3A_1960 = vector.load %arg4[%swap3A_1958, %swap3A_1959] : memref<128x128xf32, #tpu.memory_space<vmem>>, vector<1x128xf32>
    tpu.vector_store %arg4[%swap3A_1958, %swap3A_1959], %add3A_1957 {strides = array<i32>} : memref<128x128xf32, #tpu.memory_space<vmem>>, vector<1x128xf32>,
    %eq3A_1961 = arith.constant 1.080000e+02 : f32
    %eq3A_1962 = vector.broadcast %eq3A_1961 : f32 to vector<256x128xf32>
    %eq3A_1963 = arith.cmpf oeq, %select_n3A, %eq3A_1962 : vector<256x128xf32>
    %jit3A_1964 = arith.constant 1.000000e+00 : f32
    %jit3A_1965 = arith.constant 0.000000e+00 : f32
    %broadcast_in_dim3A_1966 = vector.broadcast %jit3A_1964 : f32 to vector<256x128xf32>
    %broadcast_in_dim3A_1967 = vector.broadcast %jit3A_1965 : f32 to vector<256x128xf32>
    %select_n3A_1968 = arith.select %eq3A_1963, %broadcast_in_dim3A_1966, %broadcast_in_dim3A_1967 : vector<256x128xi1>, vector<256x128xf32>
    %reduce_sum3A_1969 = arith.constant dense<0.000000e+00> : vector<128xf32>
    %reduce_sum3A_1970 = vector.multi_reduction <add>, %select_n3A_1968, %reduce_sum3A_1969 [0] : vector<256x128xf32> to vector<128xf32>
    %broadcast_in_dim3A_1971 = vector.shape_cast %reduce_sum3A_1970 : vector<128xf32> to vector<1x128xf32>
    %get3A_1972 = arith.constant 108 : index
    %get3A_1973 = arith.constant 0 : index
    %get3A_1974 = vector.load %arg4[%get3A_1972, %get3A_1973] : memref<128x128xf32, #tpu.memory_space<vmem>>, vector<1x128xf32>
    %add3A_1975 = arith.addf %get3A_1974, %broadcast_in_dim3A_1971 : vector<1x128xf32>
    %swap3A_1976 = arith.constant 108 : index
    %swap3A_1977 = arith.constant 0 : index
    %swap3A_1978 = vector.load %arg4[%swap3A_1976, %swap3A_1977] : memref<128x128xf32, #tpu.memory_space<vmem>>, vector<1x128xf32>
    tpu.vector_store %arg4[%swap3A_1976, %swap3A_1977], %add3A_1975 {strides = array<i32>} : memref<128x128xf32, #tpu.memory_space<vmem>>, vector<1x128xf32>,
    %eq3A_1979 = arith.constant 1.090000e+02 : f32
    %eq3A_1980 = vector.broadcast %eq3A_1979 : f32 to vector<256x128xf32>
    %eq3A_1981 = arith.cmpf oeq, %select_n3A, %eq3A_1980 : vector<256x128xf32>
    %jit3A_1982 = arith.constant 1.000000e+00 : f32
    %jit3A_1983 = arith.constant 0.000000e+00 : f32
    %broadcast_in_dim3A_1984 = vector.broadcast %jit3A_1982 : f32 to vector<256x128xf32>
    %broadcast_in_dim3A_1985 = vector.broadcast %jit3A_1983 : f32 to vector<256x128xf32>
    %select_n3A_1986 = arith.select %eq3A_1981, %broadcast_in_dim3A_1984, %broadcast_in_dim3A_1985 : vector<256x128xi1>, vector<256x128xf32>
    %reduce_sum3A_1987 = arith.constant dense<0.000000e+00> : vector<128xf32>
    %reduce_sum3A_1988 = vector.multi_reduction <add>, %select_n3A_1986, %reduce_sum3A_1987 [0] : vector<256x128xf32> to vector<128xf32>
    %broadcast_in_dim3A_1989 = vector.shape_cast %reduce_sum3A_1988 : vector<128xf32> to vector<1x128xf32>
    %get3A_1990 = arith.constant 109 : index
    %get3A_1991 = arith.constant 0 : index
    %get3A_1992 = vector.load %arg4[%get3A_1990, %get3A_1991] : memref<128x128xf32, #tpu.memory_space<vmem>>, vector<1x128xf32>
    %add3A_1993 = arith.addf %get3A_1992, %broadcast_in_dim3A_1989 : vector<1x128xf32>
    %swap3A_1994 = arith.constant 109 : index
    %swap3A_1995 = arith.constant 0 : index
    %swap3A_1996 = vector.load %arg4[%swap3A_1994, %swap3A_1995] : memref<128x128xf32, #tpu.memory_space<vmem>>, vector<1x128xf32>
    tpu.vector_store %arg4[%swap3A_1994, %swap3A_1995], %add3A_1993 {strides = array<i32>} : memref<128x128xf32, #tpu.memory_space<vmem>>, vector<1x128xf32>,
    %eq3A_1997 = arith.constant 1.100000e+02 : f32
    %eq3A_1998 = vector.broadcast %eq3A_1997 : f32 to vector<256x128xf32>
    %eq3A_1999 = arith.cmpf oeq, %select_n3A, %eq3A_1998 : vector<256x128xf32>
    %jit3A_2000 = arith.constant 1.000000e+00 : f32
    %jit3A_2001 = arith.constant 0.000000e+00 : f32
    %broadcast_in_dim3A_2002 = vector.broadcast %jit3A_2000 : f32 to vector<256x128xf32>
    %broadcast_in_dim3A_2003 = vector.broadcast %jit3A_2001 : f32 to vector<256x128xf32>
    %select_n3A_2004 = arith.select %eq3A_1999, %broadcast_in_dim3A_2002, %broadcast_in_dim3A_2003 : vector<256x128xi1>, vector<256x128xf32>
    %reduce_sum3A_2005 = arith.constant dense<0.000000e+00> : vector<128xf32>
    %reduce_sum3A_2006 = vector.multi_reduction <add>, %select_n3A_2004, %reduce_sum3A_2005 [0] : vector<256x128xf32> to vector<128xf32>
    %broadcast_in_dim3A_2007 = vector.shape_cast %reduce_sum3A_2006 : vector<128xf32> to vector<1x128xf32>
    %get3A_2008 = arith.constant 110 : index
    %get3A_2009 = arith.constant 0 : index
    %get3A_2010 = vector.load %arg4[%get3A_2008, %get3A_2009] : memref<128x128xf32, #tpu.memory_space<vmem>>, vector<1x128xf32>
    %add3A_2011 = arith.addf %get3A_2010, %broadcast_in_dim3A_2007 : vector<1x128xf32>
    %swap3A_2012 = arith.constant 110 : index
    %swap3A_2013 = arith.constant 0 : index
    %swap3A_2014 = vector.load %arg4[%swap3A_2012, %swap3A_2013] : memref<128x128xf32, #tpu.memory_space<vmem>>, vector<1x128xf32>
    tpu.vector_store %arg4[%swap3A_2012, %swap3A_2013], %add3A_2011 {strides = array<i32>} : memref<128x128xf32, #tpu.memory_space<vmem>>, vector<1x128xf32>,
    %eq3A_2015 = arith.constant 1.110000e+02 : f32
    %eq3A_2016 = vector.broadcast %eq3A_2015 : f32 to vector<256x128xf32>
    %eq3A_2017 = arith.cmpf oeq, %select_n3A, %eq3A_2016 : vector<256x128xf32>
    %jit3A_2018 = arith.constant 1.000000e+00 : f32
    %jit3A_2019 = arith.constant 0.000000e+00 : f32
    %broadcast_in_dim3A_2020 = vector.broadcast %jit3A_2018 : f32 to vector<256x128xf32>
    %broadcast_in_dim3A_2021 = vector.broadcast %jit3A_2019 : f32 to vector<256x128xf32>
    %select_n3A_2022 = arith.select %eq3A_2017, %broadcast_in_dim3A_2020, %broadcast_in_dim3A_2021 : vector<256x128xi1>, vector<256x128xf32>
    %reduce_sum3A_2023 = arith.constant dense<0.000000e+00> : vector<128xf32>
    %reduce_sum3A_2024 = vector.multi_reduction <add>, %select_n3A_2022, %reduce_sum3A_2023 [0] : vector<256x128xf32> to vector<128xf32>
    %broadcast_in_dim3A_2025 = vector.shape_cast %reduce_sum3A_2024 : vector<128xf32> to vector<1x128xf32>
    %get3A_2026 = arith.constant 111 : index
    %get3A_2027 = arith.constant 0 : index
    %get3A_2028 = vector.load %arg4[%get3A_2026, %get3A_2027] : memref<128x128xf32, #tpu.memory_space<vmem>>, vector<1x128xf32>
    %add3A_2029 = arith.addf %get3A_2028, %broadcast_in_dim3A_2025 : vector<1x128xf32>
    %swap3A_2030 = arith.constant 111 : index
    %swap3A_2031 = arith.constant 0 : index
    %swap3A_2032 = vector.load %arg4[%swap3A_2030, %swap3A_2031] : memref<128x128xf32, #tpu.memory_space<vmem>>, vector<1x128xf32>
    tpu.vector_store %arg4[%swap3A_2030, %swap3A_2031], %add3A_2029 {strides = array<i32>} : memref<128x128xf32, #tpu.memory_space<vmem>>, vector<1x128xf32>,
    %eq3A_2033 = arith.constant 1.120000e+02 : f32
    %eq3A_2034 = vector.broadcast %eq3A_2033 : f32 to vector<256x128xf32>
    %eq3A_2035 = arith.cmpf oeq, %select_n3A, %eq3A_2034 : vector<256x128xf32>
    %jit3A_2036 = arith.constant 1.000000e+00 : f32
    %jit3A_2037 = arith.constant 0.000000e+00 : f32
    %broadcast_in_dim3A_2038 = vector.broadcast %jit3A_2036 : f32 to vector<256x128xf32>
    %broadcast_in_dim3A_2039 = vector.broadcast %jit3A_2037 : f32 to vector<256x128xf32>
    %select_n3A_2040 = arith.select %eq3A_2035, %broadcast_in_dim3A_2038, %broadcast_in_dim3A_2039 : vector<256x128xi1>, vector<256x128xf32>
    %reduce_sum3A_2041 = arith.constant dense<0.000000e+00> : vector<128xf32>
    %reduce_sum3A_2042 = vector.multi_reduction <add>, %select_n3A_2040, %reduce_sum3A_2041 [0] : vector<256x128xf32> to vector<128xf32>
    %broadcast_in_dim3A_2043 = vector.shape_cast %reduce_sum3A_2042 : vector<128xf32> to vector<1x128xf32>
    %get3A_2044 = arith.constant 112 : index
    %get3A_2045 = arith.constant 0 : index
    %get3A_2046 = vector.load %arg4[%get3A_2044, %get3A_2045] : memref<128x128xf32, #tpu.memory_space<vmem>>, vector<1x128xf32>
    %add3A_2047 = arith.addf %get3A_2046, %broadcast_in_dim3A_2043 : vector<1x128xf32>
    %swap3A_2048 = arith.constant 112 : index
    %swap3A_2049 = arith.constant 0 : index
    %swap3A_2050 = vector.load %arg4[%swap3A_2048, %swap3A_2049] : memref<128x128xf32, #tpu.memory_space<vmem>>, vector<1x128xf32>
    tpu.vector_store %arg4[%swap3A_2048, %swap3A_2049], %add3A_2047 {strides = array<i32>} : memref<128x128xf32, #tpu.memory_space<vmem>>, vector<1x128xf32>,
    %eq3A_2051 = arith.constant 1.130000e+02 : f32
    %eq3A_2052 = vector.broadcast %eq3A_2051 : f32 to vector<256x128xf32>
    %eq3A_2053 = arith.cmpf oeq, %select_n3A, %eq3A_2052 : vector<256x128xf32>
    %jit3A_2054 = arith.constant 1.000000e+00 : f32
    %jit3A_2055 = arith.constant 0.000000e+00 : f32
    %broadcast_in_dim3A_2056 = vector.broadcast %jit3A_2054 : f32 to vector<256x128xf32>
    %broadcast_in_dim3A_2057 = vector.broadcast %jit3A_2055 : f32 to vector<256x128xf32>
    %select_n3A_2058 = arith.select %eq3A_2053, %broadcast_in_dim3A_2056, %broadcast_in_dim3A_2057 : vector<256x128xi1>, vector<256x128xf32>
    %reduce_sum3A_2059 = arith.constant dense<0.000000e+00> : vector<128xf32>
    %reduce_sum3A_2060 = vector.multi_reduction <add>, %select_n3A_2058, %reduce_sum3A_2059 [0] : vector<256x128xf32> to vector<128xf32>
    %broadcast_in_dim3A_2061 = vector.shape_cast %reduce_sum3A_2060 : vector<128xf32> to vector<1x128xf32>
    %get3A_2062 = arith.constant 113 : index
    %get3A_2063 = arith.constant 0 : index
    %get3A_2064 = vector.load %arg4[%get3A_2062, %get3A_2063] : memref<128x128xf32, #tpu.memory_space<vmem>>, vector<1x128xf32>
    %add3A_2065 = arith.addf %get3A_2064, %broadcast_in_dim3A_2061 : vector<1x128xf32>
    %swap3A_2066 = arith.constant 113 : index
    %swap3A_2067 = arith.constant 0 : index
    %swap3A_2068 = vector.load %arg4[%swap3A_2066, %swap3A_2067] : memref<128x128xf32, #tpu.memory_space<vmem>>, vector<1x128xf32>
    tpu.vector_store %arg4[%swap3A_2066, %swap3A_2067], %add3A_2065 {strides = array<i32>} : memref<128x128xf32, #tpu.memory_space<vmem>>, vector<1x128xf32>,
    %eq3A_2069 = arith.constant 1.140000e+02 : f32
    %eq3A_2070 = vector.broadcast %eq3A_2069 : f32 to vector<256x128xf32>
    %eq3A_2071 = arith.cmpf oeq, %select_n3A, %eq3A_2070 : vector<256x128xf32>
    %jit3A_2072 = arith.constant 1.000000e+00 : f32
    %jit3A_2073 = arith.constant 0.000000e+00 : f32
    %broadcast_in_dim3A_2074 = vector.broadcast %jit3A_2072 : f32 to vector<256x128xf32>
    %broadcast_in_dim3A_2075 = vector.broadcast %jit3A_2073 : f32 to vector<256x128xf32>
    %select_n3A_2076 = arith.select %eq3A_2071, %broadcast_in_dim3A_2074, %broadcast_in_dim3A_2075 : vector<256x128xi1>, vector<256x128xf32>
    %reduce_sum3A_2077 = arith.constant dense<0.000000e+00> : vector<128xf32>
    %reduce_sum3A_2078 = vector.multi_reduction <add>, %select_n3A_2076, %reduce_sum3A_2077 [0] : vector<256x128xf32> to vector<128xf32>
    %broadcast_in_dim3A_2079 = vector.shape_cast %reduce_sum3A_2078 : vector<128xf32> to vector<1x128xf32>
    %get3A_2080 = arith.constant 114 : index
    %get3A_2081 = arith.constant 0 : index
    %get3A_2082 = vector.load %arg4[%get3A_2080, %get3A_2081] : memref<128x128xf32, #tpu.memory_space<vmem>>, vector<1x128xf32>
    %add3A_2083 = arith.addf %get3A_2082, %broadcast_in_dim3A_2079 : vector<1x128xf32>
    %swap3A_2084 = arith.constant 114 : index
    %swap3A_2085 = arith.constant 0 : index
    %swap3A_2086 = vector.load %arg4[%swap3A_2084, %swap3A_2085] : memref<128x128xf32, #tpu.memory_space<vmem>>, vector<1x128xf32>
    tpu.vector_store %arg4[%swap3A_2084, %swap3A_2085], %add3A_2083 {strides = array<i32>} : memref<128x128xf32, #tpu.memory_space<vmem>>, vector<1x128xf32>,
    %eq3A_2087 = arith.constant 1.150000e+02 : f32
    %eq3A_2088 = vector.broadcast %eq3A_2087 : f32 to vector<256x128xf32>
    %eq3A_2089 = arith.cmpf oeq, %select_n3A, %eq3A_2088 : vector<256x128xf32>
    %jit3A_2090 = arith.constant 1.000000e+00 : f32
    %jit3A_2091 = arith.constant 0.000000e+00 : f32
    %broadcast_in_dim3A_2092 = vector.broadcast %jit3A_2090 : f32 to vector<256x128xf32>
    %broadcast_in_dim3A_2093 = vector.broadcast %jit3A_2091 : f32 to vector<256x128xf32>
    %select_n3A_2094 = arith.select %eq3A_2089, %broadcast_in_dim3A_2092, %broadcast_in_dim3A_2093 : vector<256x128xi1>, vector<256x128xf32>
    %reduce_sum3A_2095 = arith.constant dense<0.000000e+00> : vector<128xf32>
    %reduce_sum3A_2096 = vector.multi_reduction <add>, %select_n3A_2094, %reduce_sum3A_2095 [0] : vector<256x128xf32> to vector<128xf32>
    %broadcast_in_dim3A_2097 = vector.shape_cast %reduce_sum3A_2096 : vector<128xf32> to vector<1x128xf32>
    %get3A_2098 = arith.constant 115 : index
    %get3A_2099 = arith.constant 0 : index
    %get3A_2100 = vector.load %arg4[%get3A_2098, %get3A_2099] : memref<128x128xf32, #tpu.memory_space<vmem>>, vector<1x128xf32>
    %add3A_2101 = arith.addf %get3A_2100, %broadcast_in_dim3A_2097 : vector<1x128xf32>
    %swap3A_2102 = arith.constant 115 : index
    %swap3A_2103 = arith.constant 0 : index
    %swap3A_2104 = vector.load %arg4[%swap3A_2102, %swap3A_2103] : memref<128x128xf32, #tpu.memory_space<vmem>>, vector<1x128xf32>
    tpu.vector_store %arg4[%swap3A_2102, %swap3A_2103], %add3A_2101 {strides = array<i32>} : memref<128x128xf32, #tpu.memory_space<vmem>>, vector<1x128xf32>,
    %eq3A_2105 = arith.constant 1.160000e+02 : f32
    %eq3A_2106 = vector.broadcast %eq3A_2105 : f32 to vector<256x128xf32>
    %eq3A_2107 = arith.cmpf oeq, %select_n3A, %eq3A_2106 : vector<256x128xf32>
    %jit3A_2108 = arith.constant 1.000000e+00 : f32
    %jit3A_2109 = arith.constant 0.000000e+00 : f32
    %broadcast_in_dim3A_2110 = vector.broadcast %jit3A_2108 : f32 to vector<256x128xf32>
    %broadcast_in_dim3A_2111 = vector.broadcast %jit3A_2109 : f32 to vector<256x128xf32>
    %select_n3A_2112 = arith.select %eq3A_2107, %broadcast_in_dim3A_2110, %broadcast_in_dim3A_2111 : vector<256x128xi1>, vector<256x128xf32>
    %reduce_sum3A_2113 = arith.constant dense<0.000000e+00> : vector<128xf32>
    %reduce_sum3A_2114 = vector.multi_reduction <add>, %select_n3A_2112, %reduce_sum3A_2113 [0] : vector<256x128xf32> to vector<128xf32>
    %broadcast_in_dim3A_2115 = vector.shape_cast %reduce_sum3A_2114 : vector<128xf32> to vector<1x128xf32>
    %get3A_2116 = arith.constant 116 : index
    %get3A_2117 = arith.constant 0 : index
    %get3A_2118 = vector.load %arg4[%get3A_2116, %get3A_2117] : memref<128x128xf32, #tpu.memory_space<vmem>>, vector<1x128xf32>
    %add3A_2119 = arith.addf %get3A_2118, %broadcast_in_dim3A_2115 : vector<1x128xf32>
    %swap3A_2120 = arith.constant 116 : index
    %swap3A_2121 = arith.constant 0 : index
    %swap3A_2122 = vector.load %arg4[%swap3A_2120, %swap3A_2121] : memref<128x128xf32, #tpu.memory_space<vmem>>, vector<1x128xf32>
    tpu.vector_store %arg4[%swap3A_2120, %swap3A_2121], %add3A_2119 {strides = array<i32>} : memref<128x128xf32, #tpu.memory_space<vmem>>, vector<1x128xf32>,
    %eq3A_2123 = arith.constant 1.170000e+02 : f32
    %eq3A_2124 = vector.broadcast %eq3A_2123 : f32 to vector<256x128xf32>
    %eq3A_2125 = arith.cmpf oeq, %select_n3A, %eq3A_2124 : vector<256x128xf32>
    %jit3A_2126 = arith.constant 1.000000e+00 : f32
    %jit3A_2127 = arith.constant 0.000000e+00 : f32
    %broadcast_in_dim3A_2128 = vector.broadcast %jit3A_2126 : f32 to vector<256x128xf32>
    %broadcast_in_dim3A_2129 = vector.broadcast %jit3A_2127 : f32 to vector<256x128xf32>
    %select_n3A_2130 = arith.select %eq3A_2125, %broadcast_in_dim3A_2128, %broadcast_in_dim3A_2129 : vector<256x128xi1>, vector<256x128xf32>
    %reduce_sum3A_2131 = arith.constant dense<0.000000e+00> : vector<128xf32>
    %reduce_sum3A_2132 = vector.multi_reduction <add>, %select_n3A_2130, %reduce_sum3A_2131 [0] : vector<256x128xf32> to vector<128xf32>
    %broadcast_in_dim3A_2133 = vector.shape_cast %reduce_sum3A_2132 : vector<128xf32> to vector<1x128xf32>
    %get3A_2134 = arith.constant 117 : index
    %get3A_2135 = arith.constant 0 : index
    %get3A_2136 = vector.load %arg4[%get3A_2134, %get3A_2135] : memref<128x128xf32, #tpu.memory_space<vmem>>, vector<1x128xf32>
    %add3A_2137 = arith.addf %get3A_2136, %broadcast_in_dim3A_2133 : vector<1x128xf32>
    %swap3A_2138 = arith.constant 117 : index
    %swap3A_2139 = arith.constant 0 : index
    %swap3A_2140 = vector.load %arg4[%swap3A_2138, %swap3A_2139] : memref<128x128xf32, #tpu.memory_space<vmem>>, vector<1x128xf32>
    tpu.vector_store %arg4[%swap3A_2138, %swap3A_2139], %add3A_2137 {strides = array<i32>} : memref<128x128xf32, #tpu.memory_space<vmem>>, vector<1x128xf32>,
    %eq3A_2141 = arith.constant 1.180000e+02 : f32
    %eq3A_2142 = vector.broadcast %eq3A_2141 : f32 to vector<256x128xf32>
    %eq3A_2143 = arith.cmpf oeq, %select_n3A, %eq3A_2142 : vector<256x128xf32>
    %jit3A_2144 = arith.constant 1.000000e+00 : f32
    %jit3A_2145 = arith.constant 0.000000e+00 : f32
    %broadcast_in_dim3A_2146 = vector.broadcast %jit3A_2144 : f32 to vector<256x128xf32>
    %broadcast_in_dim3A_2147 = vector.broadcast %jit3A_2145 : f32 to vector<256x128xf32>
    %select_n3A_2148 = arith.select %eq3A_2143, %broadcast_in_dim3A_2146, %broadcast_in_dim3A_2147 : vector<256x128xi1>, vector<256x128xf32>
    %reduce_sum3A_2149 = arith.constant dense<0.000000e+00> : vector<128xf32>
    %reduce_sum3A_2150 = vector.multi_reduction <add>, %select_n3A_2148, %reduce_sum3A_2149 [0] : vector<256x128xf32> to vector<128xf32>
    %broadcast_in_dim3A_2151 = vector.shape_cast %reduce_sum3A_2150 : vector<128xf32> to vector<1x128xf32>
    %get3A_2152 = arith.constant 118 : index
    %get3A_2153 = arith.constant 0 : index
    %get3A_2154 = vector.load %arg4[%get3A_2152, %get3A_2153] : memref<128x128xf32, #tpu.memory_space<vmem>>, vector<1x128xf32>
    %add3A_2155 = arith.addf %get3A_2154, %broadcast_in_dim3A_2151 : vector<1x128xf32>
    %swap3A_2156 = arith.constant 118 : index
    %swap3A_2157 = arith.constant 0 : index
    %swap3A_2158 = vector.load %arg4[%swap3A_2156, %swap3A_2157] : memref<128x128xf32, #tpu.memory_space<vmem>>, vector<1x128xf32>
    tpu.vector_store %arg4[%swap3A_2156, %swap3A_2157], %add3A_2155 {strides = array<i32>} : memref<128x128xf32, #tpu.memory_space<vmem>>, vector<1x128xf32>,
    %eq3A_2159 = arith.constant 1.190000e+02 : f32
    %eq3A_2160 = vector.broadcast %eq3A_2159 : f32 to vector<256x128xf32>
    %eq3A_2161 = arith.cmpf oeq, %select_n3A, %eq3A_2160 : vector<256x128xf32>
    %jit3A_2162 = arith.constant 1.000000e+00 : f32
    %jit3A_2163 = arith.constant 0.000000e+00 : f32
    %broadcast_in_dim3A_2164 = vector.broadcast %jit3A_2162 : f32 to vector<256x128xf32>
    %broadcast_in_dim3A_2165 = vector.broadcast %jit3A_2163 : f32 to vector<256x128xf32>
    %select_n3A_2166 = arith.select %eq3A_2161, %broadcast_in_dim3A_2164, %broadcast_in_dim3A_2165 : vector<256x128xi1>, vector<256x128xf32>
    %reduce_sum3A_2167 = arith.constant dense<0.000000e+00> : vector<128xf32>
    %reduce_sum3A_2168 = vector.multi_reduction <add>, %select_n3A_2166, %reduce_sum3A_2167 [0] : vector<256x128xf32> to vector<128xf32>
    %broadcast_in_dim3A_2169 = vector.shape_cast %reduce_sum3A_2168 : vector<128xf32> to vector<1x128xf32>
    %get3A_2170 = arith.constant 119 : index
    %get3A_2171 = arith.constant 0 : index
    %get3A_2172 = vector.load %arg4[%get3A_2170, %get3A_2171] : memref<128x128xf32, #tpu.memory_space<vmem>>, vector<1x128xf32>
    %add3A_2173 = arith.addf %get3A_2172, %broadcast_in_dim3A_2169 : vector<1x128xf32>
    %swap3A_2174 = arith.constant 119 : index
    %swap3A_2175 = arith.constant 0 : index
    %swap3A_2176 = vector.load %arg4[%swap3A_2174, %swap3A_2175] : memref<128x128xf32, #tpu.memory_space<vmem>>, vector<1x128xf32>
    tpu.vector_store %arg4[%swap3A_2174, %swap3A_2175], %add3A_2173 {strides = array<i32>} : memref<128x128xf32, #tpu.memory_space<vmem>>, vector<1x128xf32>,
    %eq3A_2177 = arith.constant 1.200000e+02 : f32
    %eq3A_2178 = vector.broadcast %eq3A_2177 : f32 to vector<256x128xf32>
    %eq3A_2179 = arith.cmpf oeq, %select_n3A, %eq3A_2178 : vector<256x128xf32>
    %jit3A_2180 = arith.constant 1.000000e+00 : f32
    %jit3A_2181 = arith.constant 0.000000e+00 : f32
    %broadcast_in_dim3A_2182 = vector.broadcast %jit3A_2180 : f32 to vector<256x128xf32>
    %broadcast_in_dim3A_2183 = vector.broadcast %jit3A_2181 : f32 to vector<256x128xf32>
    %select_n3A_2184 = arith.select %eq3A_2179, %broadcast_in_dim3A_2182, %broadcast_in_dim3A_2183 : vector<256x128xi1>, vector<256x128xf32>
    %reduce_sum3A_2185 = arith.constant dense<0.000000e+00> : vector<128xf32>
    %reduce_sum3A_2186 = vector.multi_reduction <add>, %select_n3A_2184, %reduce_sum3A_2185 [0] : vector<256x128xf32> to vector<128xf32>
    %broadcast_in_dim3A_2187 = vector.shape_cast %reduce_sum3A_2186 : vector<128xf32> to vector<1x128xf32>
    %get3A_2188 = arith.constant 120 : index
    %get3A_2189 = arith.constant 0 : index
    %get3A_2190 = vector.load %arg4[%get3A_2188, %get3A_2189] : memref<128x128xf32, #tpu.memory_space<vmem>>, vector<1x128xf32>
    %add3A_2191 = arith.addf %get3A_2190, %broadcast_in_dim3A_2187 : vector<1x128xf32>
    %swap3A_2192 = arith.constant 120 : index
    %swap3A_2193 = arith.constant 0 : index
    %swap3A_2194 = vector.load %arg4[%swap3A_2192, %swap3A_2193] : memref<128x128xf32, #tpu.memory_space<vmem>>, vector<1x128xf32>
    tpu.vector_store %arg4[%swap3A_2192, %swap3A_2193], %add3A_2191 {strides = array<i32>} : memref<128x128xf32, #tpu.memory_space<vmem>>, vector<1x128xf32>,
    %eq3A_2195 = arith.constant 1.210000e+02 : f32
    %eq3A_2196 = vector.broadcast %eq3A_2195 : f32 to vector<256x128xf32>
    %eq3A_2197 = arith.cmpf oeq, %select_n3A, %eq3A_2196 : vector<256x128xf32>
    %jit3A_2198 = arith.constant 1.000000e+00 : f32
    %jit3A_2199 = arith.constant 0.000000e+00 : f32
    %broadcast_in_dim3A_2200 = vector.broadcast %jit3A_2198 : f32 to vector<256x128xf32>
    %broadcast_in_dim3A_2201 = vector.broadcast %jit3A_2199 : f32 to vector<256x128xf32>
    %select_n3A_2202 = arith.select %eq3A_2197, %broadcast_in_dim3A_2200, %broadcast_in_dim3A_2201 : vector<256x128xi1>, vector<256x128xf32>
    %reduce_sum3A_2203 = arith.constant dense<0.000000e+00> : vector<128xf32>
    %reduce_sum3A_2204 = vector.multi_reduction <add>, %select_n3A_2202, %reduce_sum3A_2203 [0] : vector<256x128xf32> to vector<128xf32>
    %broadcast_in_dim3A_2205 = vector.shape_cast %reduce_sum3A_2204 : vector<128xf32> to vector<1x128xf32>
    %get3A_2206 = arith.constant 121 : index
    %get3A_2207 = arith.constant 0 : index
    %get3A_2208 = vector.load %arg4[%get3A_2206, %get3A_2207] : memref<128x128xf32, #tpu.memory_space<vmem>>, vector<1x128xf32>
    %add3A_2209 = arith.addf %get3A_2208, %broadcast_in_dim3A_2205 : vector<1x128xf32>
    %swap3A_2210 = arith.constant 121 : index
    %swap3A_2211 = arith.constant 0 : index
    %swap3A_2212 = vector.load %arg4[%swap3A_2210, %swap3A_2211] : memref<128x128xf32, #tpu.memory_space<vmem>>, vector<1x128xf32>
    tpu.vector_store %arg4[%swap3A_2210, %swap3A_2211], %add3A_2209 {strides = array<i32>} : memref<128x128xf32, #tpu.memory_space<vmem>>, vector<1x128xf32>,
    %eq3A_2213 = arith.constant 1.220000e+02 : f32
    %eq3A_2214 = vector.broadcast %eq3A_2213 : f32 to vector<256x128xf32>
    %eq3A_2215 = arith.cmpf oeq, %select_n3A, %eq3A_2214 : vector<256x128xf32>
    %jit3A_2216 = arith.constant 1.000000e+00 : f32
    %jit3A_2217 = arith.constant 0.000000e+00 : f32
    %broadcast_in_dim3A_2218 = vector.broadcast %jit3A_2216 : f32 to vector<256x128xf32>
    %broadcast_in_dim3A_2219 = vector.broadcast %jit3A_2217 : f32 to vector<256x128xf32>
    %select_n3A_2220 = arith.select %eq3A_2215, %broadcast_in_dim3A_2218, %broadcast_in_dim3A_2219 : vector<256x128xi1>, vector<256x128xf32>
    %reduce_sum3A_2221 = arith.constant dense<0.000000e+00> : vector<128xf32>
    %reduce_sum3A_2222 = vector.multi_reduction <add>, %select_n3A_2220, %reduce_sum3A_2221 [0] : vector<256x128xf32> to vector<128xf32>
    %broadcast_in_dim3A_2223 = vector.shape_cast %reduce_sum3A_2222 : vector<128xf32> to vector<1x128xf32>
    %get3A_2224 = arith.constant 122 : index
    %get3A_2225 = arith.constant 0 : index
    %get3A_2226 = vector.load %arg4[%get3A_2224, %get3A_2225] : memref<128x128xf32, #tpu.memory_space<vmem>>, vector<1x128xf32>
    %add3A_2227 = arith.addf %get3A_2226, %broadcast_in_dim3A_2223 : vector<1x128xf32>
    %swap3A_2228 = arith.constant 122 : index
    %swap3A_2229 = arith.constant 0 : index
    %swap3A_2230 = vector.load %arg4[%swap3A_2228, %swap3A_2229] : memref<128x128xf32, #tpu.memory_space<vmem>>, vector<1x128xf32>
    tpu.vector_store %arg4[%swap3A_2228, %swap3A_2229], %add3A_2227 {strides = array<i32>} : memref<128x128xf32, #tpu.memory_space<vmem>>, vector<1x128xf32>,
    %eq3A_2231 = arith.constant 1.230000e+02 : f32
    %eq3A_2232 = vector.broadcast %eq3A_2231 : f32 to vector<256x128xf32>
    %eq3A_2233 = arith.cmpf oeq, %select_n3A, %eq3A_2232 : vector<256x128xf32>
    %jit3A_2234 = arith.constant 1.000000e+00 : f32
    %jit3A_2235 = arith.constant 0.000000e+00 : f32
    %broadcast_in_dim3A_2236 = vector.broadcast %jit3A_2234 : f32 to vector<256x128xf32>
    %broadcast_in_dim3A_2237 = vector.broadcast %jit3A_2235 : f32 to vector<256x128xf32>
    %select_n3A_2238 = arith.select %eq3A_2233, %broadcast_in_dim3A_2236, %broadcast_in_dim3A_2237 : vector<256x128xi1>, vector<256x128xf32>
    %reduce_sum3A_2239 = arith.constant dense<0.000000e+00> : vector<128xf32>
    %reduce_sum3A_2240 = vector.multi_reduction <add>, %select_n3A_2238, %reduce_sum3A_2239 [0] : vector<256x128xf32> to vector<128xf32>
    %broadcast_in_dim3A_2241 = vector.shape_cast %reduce_sum3A_2240 : vector<128xf32> to vector<1x128xf32>
    %get3A_2242 = arith.constant 123 : index
    %get3A_2243 = arith.constant 0 : index
    %get3A_2244 = vector.load %arg4[%get3A_2242, %get3A_2243] : memref<128x128xf32, #tpu.memory_space<vmem>>, vector<1x128xf32>
    %add3A_2245 = arith.addf %get3A_2244, %broadcast_in_dim3A_2241 : vector<1x128xf32>
    %swap3A_2246 = arith.constant 123 : index
    %swap3A_2247 = arith.constant 0 : index
    %swap3A_2248 = vector.load %arg4[%swap3A_2246, %swap3A_2247] : memref<128x128xf32, #tpu.memory_space<vmem>>, vector<1x128xf32>
    tpu.vector_store %arg4[%swap3A_2246, %swap3A_2247], %add3A_2245 {strides = array<i32>} : memref<128x128xf32, #tpu.memory_space<vmem>>, vector<1x128xf32>,
    %eq3A_2249 = arith.constant 1.240000e+02 : f32
    %eq3A_2250 = vector.broadcast %eq3A_2249 : f32 to vector<256x128xf32>
    %eq3A_2251 = arith.cmpf oeq, %select_n3A, %eq3A_2250 : vector<256x128xf32>
    %jit3A_2252 = arith.constant 1.000000e+00 : f32
    %jit3A_2253 = arith.constant 0.000000e+00 : f32
    %broadcast_in_dim3A_2254 = vector.broadcast %jit3A_2252 : f32 to vector<256x128xf32>
    %broadcast_in_dim3A_2255 = vector.broadcast %jit3A_2253 : f32 to vector<256x128xf32>
    %select_n3A_2256 = arith.select %eq3A_2251, %broadcast_in_dim3A_2254, %broadcast_in_dim3A_2255 : vector<256x128xi1>, vector<256x128xf32>
    %reduce_sum3A_2257 = arith.constant dense<0.000000e+00> : vector<128xf32>
    %reduce_sum3A_2258 = vector.multi_reduction <add>, %select_n3A_2256, %reduce_sum3A_2257 [0] : vector<256x128xf32> to vector<128xf32>
    %broadcast_in_dim3A_2259 = vector.shape_cast %reduce_sum3A_2258 : vector<128xf32> to vector<1x128xf32>
    %get3A_2260 = arith.constant 124 : index
    %get3A_2261 = arith.constant 0 : index
    %get3A_2262 = vector.load %arg4[%get3A_2260, %get3A_2261] : memref<128x128xf32, #tpu.memory_space<vmem>>, vector<1x128xf32>
    %add3A_2263 = arith.addf %get3A_2262, %broadcast_in_dim3A_2259 : vector<1x128xf32>
    %swap3A_2264 = arith.constant 124 : index
    %swap3A_2265 = arith.constant 0 : index
    %swap3A_2266 = vector.load %arg4[%swap3A_2264, %swap3A_2265] : memref<128x128xf32, #tpu.memory_space<vmem>>, vector<1x128xf32>
    tpu.vector_store %arg4[%swap3A_2264, %swap3A_2265], %add3A_2263 {strides = array<i32>} : memref<128x128xf32, #tpu.memory_space<vmem>>, vector<1x128xf32>,
    %eq3A_2267 = arith.constant 1.250000e+02 : f32
    %eq3A_2268 = vector.broadcast %eq3A_2267 : f32 to vector<256x128xf32>
    %eq3A_2269 = arith.cmpf oeq, %select_n3A, %eq3A_2268 : vector<256x128xf32>
    %jit3A_2270 = arith.constant 1.000000e+00 : f32
    %jit3A_2271 = arith.constant 0.000000e+00 : f32
    %broadcast_in_dim3A_2272 = vector.broadcast %jit3A_2270 : f32 to vector<256x128xf32>
    %broadcast_in_dim3A_2273 = vector.broadcast %jit3A_2271 : f32 to vector<256x128xf32>
    %select_n3A_2274 = arith.select %eq3A_2269, %broadcast_in_dim3A_2272, %broadcast_in_dim3A_2273 : vector<256x128xi1>, vector<256x128xf32>
    %reduce_sum3A_2275 = arith.constant dense<0.000000e+00> : vector<128xf32>
    %reduce_sum3A_2276 = vector.multi_reduction <add>, %select_n3A_2274, %reduce_sum3A_2275 [0] : vector<256x128xf32> to vector<128xf32>
    %broadcast_in_dim3A_2277 = vector.shape_cast %reduce_sum3A_2276 : vector<128xf32> to vector<1x128xf32>
    %get3A_2278 = arith.constant 125 : index
    %get3A_2279 = arith.constant 0 : index
    %get3A_2280 = vector.load %arg4[%get3A_2278, %get3A_2279] : memref<128x128xf32, #tpu.memory_space<vmem>>, vector<1x128xf32>
    %add3A_2281 = arith.addf %get3A_2280, %broadcast_in_dim3A_2277 : vector<1x128xf32>
    %swap3A_2282 = arith.constant 125 : index
    %swap3A_2283 = arith.constant 0 : index
    %swap3A_2284 = vector.load %arg4[%swap3A_2282, %swap3A_2283] : memref<128x128xf32, #tpu.memory_space<vmem>>, vector<1x128xf32>
    tpu.vector_store %arg4[%swap3A_2282, %swap3A_2283], %add3A_2281 {strides = array<i32>} : memref<128x128xf32, #tpu.memory_space<vmem>>, vector<1x128xf32>,
    %eq3A_2285 = arith.constant 1.260000e+02 : f32
    %eq3A_2286 = vector.broadcast %eq3A_2285 : f32 to vector<256x128xf32>
    %eq3A_2287 = arith.cmpf oeq, %select_n3A, %eq3A_2286 : vector<256x128xf32>
    %jit3A_2288 = arith.constant 1.000000e+00 : f32
    %jit3A_2289 = arith.constant 0.000000e+00 : f32
    %broadcast_in_dim3A_2290 = vector.broadcast %jit3A_2288 : f32 to vector<256x128xf32>
    %broadcast_in_dim3A_2291 = vector.broadcast %jit3A_2289 : f32 to vector<256x128xf32>
    %select_n3A_2292 = arith.select %eq3A_2287, %broadcast_in_dim3A_2290, %broadcast_in_dim3A_2291 : vector<256x128xi1>, vector<256x128xf32>
    %reduce_sum3A_2293 = arith.constant dense<0.000000e+00> : vector<128xf32>
    %reduce_sum3A_2294 = vector.multi_reduction <add>, %select_n3A_2292, %reduce_sum3A_2293 [0] : vector<256x128xf32> to vector<128xf32>
    %broadcast_in_dim3A_2295 = vector.shape_cast %reduce_sum3A_2294 : vector<128xf32> to vector<1x128xf32>
    %get3A_2296 = arith.constant 126 : index
    %get3A_2297 = arith.constant 0 : index
    %get3A_2298 = vector.load %arg4[%get3A_2296, %get3A_2297] : memref<128x128xf32, #tpu.memory_space<vmem>>, vector<1x128xf32>
    %add3A_2299 = arith.addf %get3A_2298, %broadcast_in_dim3A_2295 : vector<1x128xf32>
    %swap3A_2300 = arith.constant 126 : index
    %swap3A_2301 = arith.constant 0 : index
    %swap3A_2302 = vector.load %arg4[%swap3A_2300, %swap3A_2301] : memref<128x128xf32, #tpu.memory_space<vmem>>, vector<1x128xf32>
    tpu.vector_store %arg4[%swap3A_2300, %swap3A_2301], %add3A_2299 {strides = array<i32>} : memref<128x128xf32, #tpu.memory_space<vmem>>, vector<1x128xf32>,
    %eq3A_2303 = arith.constant 1.270000e+02 : f32
    %eq3A_2304 = vector.broadcast %eq3A_2303 : f32 to vector<256x128xf32>
    %eq3A_2305 = arith.cmpf oeq, %select_n3A, %eq3A_2304 : vector<256x128xf32>
    %jit3A_2306 = arith.constant 1.000000e+00 : f32
    %jit3A_2307 = arith.constant 0.000000e+00 : f32
    %broadcast_in_dim3A_2308 = vector.broadcast %jit3A_2306 : f32 to vector<256x128xf32>
    %broadcast_in_dim3A_2309 = vector.broadcast %jit3A_2307 : f32 to vector<256x128xf32>
    %select_n3A_2310 = arith.select %eq3A_2305, %broadcast_in_dim3A_2308, %broadcast_in_dim3A_2309 : vector<256x128xi1>, vector<256x128xf32>
    %reduce_sum3A_2311 = arith.constant dense<0.000000e+00> : vector<128xf32>
    %reduce_sum3A_2312 = vector.multi_reduction <add>, %select_n3A_2310, %reduce_sum3A_2311 [0] : vector<256x128xf32> to vector<128xf32>
    %broadcast_in_dim3A_2313 = vector.shape_cast %reduce_sum3A_2312 : vector<128xf32> to vector<1x128xf32>
    %get3A_2314 = arith.constant 127 : index
    %get3A_2315 = arith.constant 0 : index
    %get3A_2316 = vector.load %arg4[%get3A_2314, %get3A_2315] : memref<128x128xf32, #tpu.memory_space<vmem>>, vector<1x128xf32>
    %add3A_2317 = arith.addf %get3A_2316, %broadcast_in_dim3A_2313 : vector<1x128xf32>
    %swap3A_2318 = arith.constant 127 : index
    %swap3A_2319 = arith.constant 0 : index
    %swap3A_2320 = vector.load %arg4[%swap3A_2318, %swap3A_2319] : memref<128x128xf32, #tpu.memory_space<vmem>>, vector<1x128xf32>
    tpu.vector_store %arg4[%swap3A_2318, %swap3A_2319], %add3A_2317 {strides = array<i32>} : memref<128x128xf32, #tpu.memory_space<vmem>>, vector<1x128xf32>,
    return
  }
  func.func @transform_0(%arg0: i32) -> (i32, i32) {
    %c0_i32 = arith.constant 0 : i32
    %c0_i32_0 = arith.constant 0 : i32
    return %arg0, %c0_i32 : i32, i32
  }
  func.func @transform_1(%arg0: i32) -> (i32, i32) {
    %c0_i32 = arith.constant 0 : i32
    %c0_i32_0 = arith.constant 0 : i32
    return %arg0, %c0_i32 : i32, i32
  }
  func.func @transform_2(%arg0: i32) -> (i32, i32) {
    %c0_i32 = arith.constant 0 : i32
    %c0_i32_0 = arith.constant 0 : i32
    %c0_i32_1 = arith.constant 0 : i32
    return %c0_i32, %c0_i32_0 : i32, i32
  }
  func.func @transform_3(%arg0: i32) -> (i32, i32) {
    %c0_i32 = arith.constant 0 : i32
    %c0_i32_0 = arith.constant 0 : i32
    %c0_i32_1 = arith.constant 0 : i32
    return %c0_i32, %c0_i32_0 : i32, i32
  }
}

module attributes {stable_mosaic.version = 14 : i64} {
  func.func @_pass_s(%arg0: i32, %arg1: memref<256x128xf32, #tpu.memory_space<vmem>>, %arg2: memref<256x128xf32, #tpu.memory_space<vmem>>, %arg3: memref<1x1x128xf32, #tpu.memory_space<vmem>>, %arg4: memref<256x128xi32, #tpu.memory_space<vmem>>) attributes {dimension_semantics = [#tpu.dimension_semantics<arbitrary>], iteration_bounds = array<i64: 32>, scalar_prefetch = 0 : i64, scratch_operands = 0 : i64, tpu.core_type = #tpu.core_type<tc>, window_params = [{transform_indices = @transform_0, window_bounds = array<i64: 256, 128>}, {transform_indices = @transform_1, window_bounds = array<i64: 256, 128>}, {transform_indices = @transform_2, window_bounds = array<i64: 1, 1, 128>}, {transform_indices = @transform_3, window_bounds = array<i64: 256, 128>}]} {
    %get3A = arith.constant 0 : index
    %get3A_0 = arith.constant 0 : index
    %get3A_1 = vector.load %arg1[%get3A, %get3A_0] : memref<256x128xf32, #tpu.memory_space<vmem>>, vector<256x128xf32>
    %get3A_2 = arith.constant 0 : index
    %get3A_3 = arith.constant 0 : index
    %get3A_4 = vector.load %arg2[%get3A_2, %get3A_3] : memref<256x128xf32, #tpu.memory_space<vmem>>, vector<256x128xf32>
    %get3A_5 = arith.constant 0 : index
    %get3A_6 = arith.constant 0 : index
    %get3A_7 = arith.constant 0 : index
    %get3A_8 = vector.load %arg3[%get3A_5, %get3A_6, %get3A_7] : memref<1x1x128xf32, #tpu.memory_space<vmem>>, vector<1x1x1xf32>
    %get3A_9 = vector.extract %get3A_8[0, 0, 0] : f32 from vector<1x1x1xf32>
    %get3A_10 = arith.constant 0 : index
    %get3A_11 = arith.constant 0 : index
    %get3A_12 = arith.constant 1 : index
    %get3A_13 = vector.load %arg3[%get3A_10, %get3A_11, %get3A_12] : memref<1x1x128xf32, #tpu.memory_space<vmem>>, vector<1x1x1xf32>
    %get3A_14 = vector.extract %get3A_13[0, 0, 0] : f32 from vector<1x1x1xf32>
    %eq3A = arith.constant 0.000000e+00 : f32
    %eq3A_15 = vector.broadcast %eq3A : f32 to vector<256x128xf32>
    %eq3A_16 = arith.cmpf oeq, %get3A_4, %eq3A_15 : vector<256x128xf32>
    %jit3A = arith.constant 1.000000e+00 : f32
    %jit3A_17 = arith.constant 0.000000e+00 : f32
    %broadcast_in_dim3A = vector.broadcast %jit3A : f32 to vector<256x128xf32>
    %broadcast_in_dim3A_18 = vector.broadcast %jit3A_17 : f32 to vector<256x128xf32>
    %select_n3A = arith.select %eq3A_16, %broadcast_in_dim3A, %broadcast_in_dim3A_18 : vector<256x128xi1>, vector<256x128xf32>
    %ge3A = vector.broadcast %get3A_14 : f32 to vector<256x128xf32>
    %ge3A_19 = arith.cmpf oge, %get3A_1, %ge3A : vector<256x128xf32>
    %and3A = arith.andi %eq3A_16, %ge3A_19 : vector<256x128xi1>
    %iota3A = tpu.iota {dimensions = array<i32: 0>} : vector<128x128xi32>
    %iota3A_20 = tpu.iota {dimensions = array<i32: 1>} : vector<128x128xi32>
    %lt3A = arith.cmpi slt, %iota3A, %iota3A_20 : vector<128x128xi32>
    %jit3A_21 = arith.constant 1.000000e+00 : f32
    %jit3A_22 = arith.constant 0.000000e+00 : f32
    %broadcast_in_dim3A_23 = vector.broadcast %jit3A_21 : f32 to vector<128x128xf32>
    %broadcast_in_dim3A_24 = vector.broadcast %jit3A_22 : f32 to vector<128x128xf32>
    %select_n3A_25 = arith.select %lt3A, %broadcast_in_dim3A_23, %broadcast_in_dim3A_24 : vector<128x128xi1>, vector<128x128xf32>
    %iota3A_26 = tpu.iota {dimensions = array<i32: 0>} : vector<256x256xi32>
    %iota3A_27 = tpu.iota {dimensions = array<i32: 1>} : vector<256x256xi32>
    %lt3A_28 = arith.cmpi slt, %iota3A_27, %iota3A_26 : vector<256x256xi32>
    %jit3A_29 = arith.constant 1.000000e+00 : f32
    %jit3A_30 = arith.constant 0.000000e+00 : f32
    %broadcast_in_dim3A_31 = vector.broadcast %jit3A_29 : f32 to vector<256x256xf32>
    %broadcast_in_dim3A_32 = vector.broadcast %jit3A_30 : f32 to vector<256x256xf32>
    %select_n3A_33 = arith.select %lt3A_28, %broadcast_in_dim3A_31, %broadcast_in_dim3A_32 : vector<256x256xi1>, vector<256x256xf32>
    %dot_general3A = arith.constant dense<0.000000e+00> : vector<256x128xf32>
    %dot_general3A_34 = tpu.matmul %select_n3A, %select_n3A_25, %dot_general3A {dimension_numbers = #tpu.dot_dimension_numbers<[1], [0], [0], [1], [0, 0, 1, 1], [], []>, transpose_lhs_hint = false} : vector<256x128xf32>, vector<128x128xf32>, vector<256x128xf32> -> vector<256x128xf32>
    %dot_general3A_35 = arith.constant dense<0.000000e+00> : vector<256x128xf32>
    %dot_general3A_36 = tpu.matmul %select_n3A_33, %select_n3A, %dot_general3A_35 {dimension_numbers = #tpu.dot_dimension_numbers<[1], [0], [0], [1], [0, 0, 1, 1], [], []>, transpose_lhs_hint = false} : vector<256x256xf32>, vector<256x128xf32>, vector<256x128xf32> -> vector<256x128xf32>
    %reduce_sum3A = arith.constant dense<0.000000e+00> : vector<256xf32>
    %reduce_sum3A_37 = vector.multi_reduction <add>, %dot_general3A_36, %reduce_sum3A [1] : vector<256x128xf32> to vector<256xf32>
    %broadcast_in_dim3A_38 = vector.shape_cast %reduce_sum3A_37 : vector<256xf32> to vector<256x1xf32>
    %add3A = vector.broadcast %broadcast_in_dim3A_38 : vector<256x1xf32> to vector<256x128xf32>
    %add3A_39 = arith.addf %add3A, %dot_general3A_34 : vector<256x128xf32>
    %add3A_40 = vector.broadcast %get3A_9 : f32 to vector<256x128xf32>
    %add3A_41 = arith.addf %add3A_40, %add3A_39 : vector<256x128xf32>
    %jit3A_42 = arith.constant 0x49800000 : f32
    %broadcast_in_dim3A_43 = vector.broadcast %jit3A_42 : f32 to vector<256x128xf32>
    %select_n3A_44 = arith.select %and3A, %add3A_41, %broadcast_in_dim3A_43 : vector<256x128xi1>, vector<256x128xf32>
    %convert_element_type3A = arith.fptosi %select_n3A_44 : vector<256x128xf32> to vector<256x128xi32>
    %swap3A = arith.constant 0 : index
    %swap3A_45 = arith.constant 0 : index
    %swap3A_46 = vector.load %arg4[%swap3A, %swap3A_45] : memref<256x128xi32, #tpu.memory_space<vmem>>, vector<256x128xi32>
    tpu.vector_store %arg4[%swap3A, %swap3A_45], %convert_element_type3A {strides = array<i32>} : memref<256x128xi32, #tpu.memory_space<vmem>>, vector<256x128xi32>,
    return
  }
  func.func @transform_0(%arg0: i32) -> (i32, i32) {
    %c0_i32 = arith.constant 0 : i32
    %c0_i32_0 = arith.constant 0 : i32
    return %arg0, %c0_i32 : i32, i32
  }
  func.func @transform_1(%arg0: i32) -> (i32, i32) {
    %c0_i32 = arith.constant 0 : i32
    %c0_i32_0 = arith.constant 0 : i32
    return %arg0, %c0_i32 : i32, i32
  }
  func.func @transform_2(%arg0: i32) -> (i32, i32, i32) {
    %c0_i32 = arith.constant 0 : i32
    %c0_i32_0 = arith.constant 0 : i32
    %c0_i32_1 = arith.constant 0 : i32
    return %arg0, %c0_i32, %c0_i32_0 : i32, i32, i32
  }
  func.func @transform_3(%arg0: i32) -> (i32, i32) {
    %c0_i32 = arith.constant 0 : i32
    %c0_i32_0 = arith.constant 0 : i32
    return %arg0, %c0_i32 : i32, i32
  }
}

module attributes {stable_mosaic.version = 14 : i64} {
  func.func @_pass_d(%arg0: i32, %arg1: memref<256x128xi32, #tpu.memory_space<vmem>>, %arg2: memref<8x128xf32, #tpu.memory_space<vmem>>) attributes {dimension_semantics = [#tpu.dimension_semantics<arbitrary>], iteration_bounds = array<i64: 32>, scalar_prefetch = 0 : i64, scratch_operands = 0 : i64, tpu.core_type = #tpu.core_type<tc>, window_params = [{transform_indices = @transform_0, window_bounds = array<i64: 256, 128>}, {pipeline_mode = #tpu.pipeline_mode<synchronous>, transform_indices = @transform_1, window_bounds = array<i64: 8, 128>}]} {
    %get3A = arith.constant 0 : index
    %get3A_0 = arith.constant 0 : index
    %get3A_1 = vector.load %arg1[%get3A, %get3A_0] : memref<256x128xi32, #tpu.memory_space<vmem>>, vector<256x128xi32>
    %and3A = arith.constant 1 : i32
    %and3A_2 = vector.broadcast %and3A : i32 to vector<256x128xi32>
    %and3A_3 = arith.andi %get3A_1, %and3A_2 : vector<256x128xi32>
    %convert_element_type3A = arith.sitofp %and3A_3 : vector<256x128xi32> to vector<256x128xf32>
    %and3A_4 = arith.constant -2 : i32
    %and3A_5 = vector.broadcast %and3A_4 : i32 to vector<256x128xi32>
    %and3A_6 = arith.andi %get3A_1, %and3A_5 : vector<256x128xi32>
    %bitcast_convert_type3A = tpu.bitcast %and3A_6 : vector<256x128xi32> -> vector<256x128xf32>
    %neg3A = arith.constant 0.000000e+00 : f32
    %neg3A_7 = vector.broadcast %neg3A : f32 to vector<256x128xf32>
    %neg3A_8 = arith.subf %neg3A_7, %bitcast_convert_type3A : vector<256x128xf32>
    %exp3A = math.exp %neg3A_8 : vector<256x128xf32>
    %add3A = arith.constant 1.000000e+00 : f32
    %add3A_9 = vector.broadcast %add3A : f32 to vector<256x128xf32>
    %add3A_10 = arith.addf %add3A_9, %exp3A : vector<256x128xf32>
    %div3A = arith.constant 1.000000e+00 : f32
    %div3A_11 = vector.broadcast %div3A : f32 to vector<256x128xf32>
    %div3A_12 = arith.divf %div3A_11, %add3A_10 : vector<256x128xf32>
    %max3A = arith.constant 0.000000e+00 : f32
    %max3A_13 = vector.broadcast %max3A : f32 to vector<256x128xf32>
    %max3A_14 = arith.maximumf %bitcast_convert_type3A, %max3A_13 : vector<256x128xf32>
    %mul3A = arith.mulf %bitcast_convert_type3A, %convert_element_type3A : vector<256x128xf32>
    %sub3A = arith.subf %max3A_14, %mul3A : vector<256x128xf32>
    %abs3A = math.absf %bitcast_convert_type3A : vector<256x128xf32>
    %neg3A_15 = arith.constant 0.000000e+00 : f32
    %neg3A_16 = vector.broadcast %neg3A_15 : f32 to vector<256x128xf32>
    %neg3A_17 = arith.subf %neg3A_16, %abs3A : vector<256x128xf32>
    %exp3A_18 = math.exp %neg3A_17 : vector<256x128xf32>
    %log1p3A = math.log1p %exp3A_18 : vector<256x128xf32>
    %add3A_19 = arith.addf %sub3A, %log1p3A : vector<256x128xf32>
    %eq3A = arith.constant 0 : i32
    %eq3A_20 = arith.cmpi eq, %arg0, %eq3A : i32
    %convert_element_type3A_21 = arith.extui %eq3A_20 : i1 to i32
    %cond3A = arith.constant 0 : i32
    %cond3A_22 = arith.cmpi ne, %convert_element_type3A_21, %cond3A : i32
    scf.if %cond3A_22 {
      %broadcast_in_dim3A_61 = arith.constant 0.000000e+00 : f32
      %broadcast_in_dim3A_62 = vector.broadcast %broadcast_in_dim3A_61 : f32 to vector<8x128xf32>
      %swap3A_63 = arith.constant 0 : index
      %swap3A_64 = arith.constant 0 : index
      %swap3A_65 = vector.load %arg2[%swap3A_63, %swap3A_64] : memref<8x128xf32, #tpu.memory_space<vmem>>, vector<8x128xf32>
      tpu.vector_store %arg2[%swap3A_63, %swap3A_64], %broadcast_in_dim3A_62 {strides = array<i32>} : memref<8x128xf32, #tpu.memory_space<vmem>>, vector<8x128xf32>,
    } else {
    }
    %get3A_23 = arith.constant 0 : index
    %get3A_24 = arith.constant 0 : index
    %get3A_25 = vector.load %arg2[%get3A_23, %get3A_24] : memref<8x128xf32, #tpu.memory_space<vmem>>, vector<1x128xf32>
    %reduce_sum3A = arith.constant dense<0.000000e+00> : vector<128xf32>
    %reduce_sum3A_26 = vector.multi_reduction <add>, %div3A_12, %reduce_sum3A [0] : vector<256x128xf32> to vector<128xf32>
    %broadcast_in_dim3A = vector.shape_cast %reduce_sum3A_26 : vector<128xf32> to vector<1x128xf32>
    %add3A_27 = arith.addf %get3A_25, %broadcast_in_dim3A : vector<1x128xf32>
    %swap3A = arith.constant 0 : index
    %swap3A_28 = arith.constant 0 : index
    %swap3A_29 = vector.load %arg2[%swap3A, %swap3A_28] : memref<8x128xf32, #tpu.memory_space<vmem>>, vector<1x128xf32>
    tpu.vector_store %arg2[%swap3A, %swap3A_28], %add3A_27 {strides = array<i32>} : memref<8x128xf32, #tpu.memory_space<vmem>>, vector<1x128xf32>,
    %get3A_30 = arith.constant 1 : index
    %get3A_31 = arith.constant 0 : index
    %get3A_32 = vector.load %arg2[%get3A_30, %get3A_31] : memref<8x128xf32, #tpu.memory_space<vmem>>, vector<1x128xf32>
    %reduce_sum3A_33 = arith.constant dense<0.000000e+00> : vector<128xf32>
    %reduce_sum3A_34 = vector.multi_reduction <add>, %convert_element_type3A, %reduce_sum3A_33 [0] : vector<256x128xf32> to vector<128xf32>
    %broadcast_in_dim3A_35 = vector.shape_cast %reduce_sum3A_34 : vector<128xf32> to vector<1x128xf32>
    %add3A_36 = arith.addf %get3A_32, %broadcast_in_dim3A_35 : vector<1x128xf32>
    %swap3A_37 = arith.constant 1 : index
    %swap3A_38 = arith.constant 0 : index
    %swap3A_39 = vector.load %arg2[%swap3A_37, %swap3A_38] : memref<8x128xf32, #tpu.memory_space<vmem>>, vector<1x128xf32>
    tpu.vector_store %arg2[%swap3A_37, %swap3A_38], %add3A_36 {strides = array<i32>} : memref<8x128xf32, #tpu.memory_space<vmem>>, vector<1x128xf32>,
    %get3A_40 = arith.constant 2 : index
    %get3A_41 = arith.constant 0 : index
    %get3A_42 = vector.load %arg2[%get3A_40, %get3A_41] : memref<8x128xf32, #tpu.memory_space<vmem>>, vector<1x128xf32>
    %reduce_sum3A_43 = arith.constant dense<0.000000e+00> : vector<128xf32>
    %reduce_sum3A_44 = vector.multi_reduction <add>, %add3A_19, %reduce_sum3A_43 [0] : vector<256x128xf32> to vector<128xf32>
    %broadcast_in_dim3A_45 = vector.shape_cast %reduce_sum3A_44 : vector<128xf32> to vector<1x128xf32>
    %add3A_46 = arith.addf %get3A_42, %broadcast_in_dim3A_45 : vector<1x128xf32>
    %swap3A_47 = arith.constant 2 : index
    %swap3A_48 = arith.constant 0 : index
    %swap3A_49 = vector.load %arg2[%swap3A_47, %swap3A_48] : memref<8x128xf32, #tpu.memory_space<vmem>>, vector<1x128xf32>
    tpu.vector_store %arg2[%swap3A_47, %swap3A_48], %add3A_46 {strides = array<i32>} : memref<8x128xf32, #tpu.memory_space<vmem>>, vector<1x128xf32>,
    %get3A_50 = arith.constant 3 : index
    %get3A_51 = arith.constant 0 : index
    %get3A_52 = vector.load %arg2[%get3A_50, %get3A_51] : memref<8x128xf32, #tpu.memory_space<vmem>>, vector<1x128xf32>
    %mul3A_53 = arith.mulf %div3A_12, %convert_element_type3A : vector<256x128xf32>
    %reduce_sum3A_54 = arith.constant dense<0.000000e+00> : vector<128xf32>
    %reduce_sum3A_55 = vector.multi_reduction <add>, %mul3A_53, %reduce_sum3A_54 [0] : vector<256x128xf32> to vector<128xf32>
    %broadcast_in_dim3A_56 = vector.shape_cast %reduce_sum3A_55 : vector<128xf32> to vector<1x128xf32>
    %add3A_57 = arith.addf %get3A_52, %broadcast_in_dim3A_56 : vector<1x128xf32>
    %swap3A_58 = arith.constant 3 : index
    %swap3A_59 = arith.constant 0 : index
    %swap3A_60 = vector.load %arg2[%swap3A_58, %swap3A_59] : memref<8x128xf32, #tpu.memory_space<vmem>>, vector<1x128xf32>
    tpu.vector_store %arg2[%swap3A_58, %swap3A_59], %add3A_57 {strides = array<i32>} : memref<8x128xf32, #tpu.memory_space<vmem>>, vector<1x128xf32>,
    return
  }
  func.func @transform_0(%arg0: i32) -> (i32, i32) {
    %c0_i32 = arith.constant 0 : i32
    %c0_i32_0 = arith.constant 0 : i32
    return %arg0, %c0_i32 : i32, i32
  }
  func.func @transform_1(%arg0: i32) -> (i32, i32) {
    %c0_i32 = arith.constant 0 : i32
    %c0_i32_0 = arith.constant 0 : i32
    %c0_i32_1 = arith.constant 0 : i32
    return %c0_i32, %c0_i32_0 : i32, i32
  }
}

</mosaic_0001>

<sc_bundles>
// kernel: kernel.10.cloned.1.call-start
scs
__scs_entry_jumppad:
0x0: {  	(pc) =	sbr.rel $0x88, $3  }
0x1: {  	(tag) =	ssettag $0x0;
	lr =	simm.s32 $0x1  }
0x2: {  	[smem:$0x3F9F] =	sst lr;
	_ =	strace $0xD0000000  }
0x3: {  	_ = 	snop  }
0x4: {  	_ = 	snop  }
0x5: {  	_ = 	snop  }
0x6: {  	_ = 	snop  }
0x7: {  	_ = 	snop  }
__scs_overlays_trampoline_lowered:
0x8: {  	[smem:$0x3FAE] =	sst s0  }
0x9: {  	[smem:$0x3FAF] =	sst s1  }
0xa: {  	[smem:$0x3FB0] =	sst s2  }
0xb: {  	[smem:$0x3FB1] =	sst s3  }
0xc: {  	[smem:$0x3FB2] =	sst s4  }
0xd: {  	[smem:$0x3FB3] =	sst s5  }
0xe: {  	[smem:$0x3FB4] =	sst s6  }
0xf: {  	[smem:$0x3FB5] =	sst s7  }
0x10: {  	[smem:$0x3FB6] =	sst s8  }
0x11: {  	[smem:$0x3FB7] =	sst s9;
	s0 =	simm.s32 @!p0 $0x0  }
0x12: {  	s1 =	sld [smem:$0x3F9D];
	s0 =	simm.s32 @p0 $0x1  }
0x13: {  	[smem:$0x3FB8] =	sst s0;
	s0 =	simm.s32 @!p1 $0x0  }
0x14: {  	s2 =	sld [smem:$0x3F9C];
	s0 =	simm.s32 @p1 $0x1  }
0x15: {  	[smem:$0x3FB9] =	sst s0;
	s0 =	simm.s32 @!p2 $0x0  }
0x16: {  	s3 =	sld [smem:$0x3FDB];
	s0 =	simm.s32 @p2 $0x1  }
0x17: {  	s4 =	simm.s32 $0x1BF5;
	[smem:$0x3FBB] =	sst s0  }
0x18: {  	s0 =	sld [smem:$0x3F9E];
	_ =	swait.ge [sflag:s4], $0x0  }
0x19: {  	s7 =	sld [smem:$0x3F9F]  }
0x1a: {  	s8 =	sadd.s32 $0xFFFFE003, lr  }
0x1b: {  	s9 =	sadd.s32 $0xFFFFFEF7, lr;
	s5 =	simm.s32 $0xFFFFFFFF;
	p2 =	slt.u32 s8, $0xFFFFF086  }
0x1c: {  	p1 =	slt.u32 s9, $0xF7A;
	s5 =	simm.s32 @!p2 $0x0  }
0x1d: {  	s5 =	simm.s32 @p1 $0x1;
	p0 =	seq.s32 s7, s2  }
0x1e: {  	s7 =	smul.u32 @!p0 $0xF7A, s2;
	p2 =	seq.s32 @!p0 s5, $0x0  }
0x1f: {  	s9 =	smul.u32 $0xF7A, s1;
	s8 =	simm.s32 @!p0 $0x1BF5;
	p2 =	por !p2, p0  }
0x20: {  	[sflag:s8] =	ssyncset.s32 @!p0 $0xFFFFF086;
	s6 =	sadd.s32 @!p0 s3, s7;
	s7 =	simm.s32 @!p0 $0x108  }
0x21: {  	s3 =	sadd.s32 s3, s9;
	s6 =	sadd.s32 @!p0 $0x88, s6;
	s7 =	simm.s32 @p2 $0x1082  }
0x22: {  	[simem:s7], [sflag:s8] =	dma.local @!p0 [hbm:s6], $0xF7A  }
0x23: {  	s9 =	sor.u32 $0xD0000000, s2;
	s6 =	simm.s32 $0x108;
	_ =	swait.ge @!p0 [sflag:s8], $0x0  }
0x24: {  	s3 =	sadd.s32 $0x88, s3;
	s6 =	simm.s32 @!p1 $0x1082;
	[sflag:s4] =	ssyncset.s32 $0xFFFFF086  }
0x25: {  	[simem:s6], [sflag:s4] =	dma.local [hbm:s3], $0xF7A  }
0x26: {  	[smem:$0x3F9F] =	sst s1;
	(tag) =	ssettag s2;
	_ =	strace s9  }
0x27: {  	s1 =	sld [smem:$0x3FAF]  }
0x28: {  	s2 =	sld [smem:$0x3FB0]  }
0x29: {  	s4 =	sld [smem:$0x3FB2]  }
0x2a: {  	p0 =	seq.s32 s5, $0x0;
	s5 =	sld [smem:$0x3FB3]  }
0x2b: {  	s6 =	sld [smem:$0x3FB4]  }
0x2c: {  	s7 =	sld [smem:$0x3FB5]  }
0x2d: {  	s3 =	simm.s32 $0x108;
	s8 =	sld [smem:$0x3FB6]  }
0x2e: {  	s3 =	simm.s32 @!p0 $0x1082;
	s9 =	sld [smem:$0x3FB7]  }
0x2f: {  	lr =	sadd.s32 s0, s3;
	s0 =	sld [smem:$0x3FAE]  }
0x30: {  	s3 =	sld [smem:$0x3FB1]  }
0x31: {  	[smem:$0x3FBA] =	sst s10  }
0x32: {  	s10 =	sld [smem:$0x3FB8];
	_ =	sdelay $0x3  }
0x33: {  	p0 =	seq.s32 s10, $0x1;
	s10 =	sld [smem:$0x3FBA];
	_ =	sdelay $0x3  }
0x34: {  	[smem:$0x3FBA] =	sst s10  }
0x35: {  	s10 =	sld [smem:$0x3FB9];
	_ =	sdelay $0x3  }
0x36: {  	p1 =	seq.s32 s10, $0x1;
	s10 =	sld [smem:$0x3FBA];
	_ =	sdelay $0x3  }
0x37: {  	[smem:$0x3FBA] =	sst s10  }
0x38: {  	s10 =	sld [smem:$0x3FBB]  }
0x39: {  	_ = 	snop;
	(pc) =	sbr.ind lr, $3  }
0x3a: {  	_ = 	snop  }
0x3b: {  	_ = 	snop  }
0x3c: {  	p2 =	seq.s32 s10, $0x1;
	s10 =	sld [smem:$0x3FBA]  }
0x3d: {  	_ =	shalt  }
0x3e: {  	_ =	shalt  }
0x3f: {  	_ =	shalt  }
0x40: {  	_ =	shalt  }
0x41: {  	_ =	shalt  }
0x42: {  	_ =	shalt  }
0x43: {  	_ =	shalt  }
0x44: {  	_ =	shalt  }
0x45: {  	_ =	shalt  }
0x46: {  	_ =	shalt  }
0x47: {  	_ =	shalt  }
0x48: {  	_ =	shalt  }
0x49: {  	_ =	shalt  }
0x4a: {  	_ =	shalt  }
0x4b: {  	_ =	shalt  }
0x4c: {  	_ =	shalt  }
0x4d: {  	_ =	shalt  }
0x4e: {  	_ =	shalt  }
0x4f: {  	_ =	shalt  }
0x50: {  	_ =	shalt  }
0x51: {  	_ =	shalt  }
0x52: {  	_ =	shalt  }
0x53: {  	_ =	shalt  }
0x54: {  	_ =	shalt  }
0x55: {  	_ =	shalt  }
0x56: {  	_ =	shalt  }
0x57: {  	_ =	shalt  }
0x58: {  	_ =	shalt  }
0x59: {  	_ =	shalt  }
0x5a: {  	_ =	shalt  }
0x5b: {  	_ =	shalt  }
0x5c: {  	_ =	shalt  }
0x5d: {  	_ =	shalt  }
0x5e: {  	_ =	shalt  }
0x5f: {  	_ =	shalt  }
0x60: {  	_ =	shalt  }
0x61: {  	_ =	shalt  }
0x62: {  	_ =	shalt  }
0x63: {  	_ =	shalt  }
0x64: {  	_ =	shalt  }
0x65: {  	_ =	shalt  }
0x66: {  	_ =	shalt  }
0x67: {  	_ =	shalt  }
0x68: {  	_ =	shalt  }
0x69: {  	_ =	shalt  }
0x6a: {  	_ =	shalt  }
0x6b: {  	_ =	shalt  }
0x6c: {  	_ =	shalt  }
0x6d: {  	_ =	shalt  }
0x6e: {  	_ =	shalt  }
0x6f: {  	_ =	shalt  }
0x70: {  	_ =	shalt  }
0x71: {  	_ =	shalt  }
0x72: {  	_ =	shalt  }
0x73: {  	_ =	shalt  }
0x74: {  	_ =	shalt  }
0x75: {  	_ =	shalt  }
0x76: {  	_ =	shalt  }
0x77: {  	_ =	shalt  }
0x78: {  	_ =	shalt  }
0x79: {  	_ =	shalt  }
0x7a: {  	_ =	shalt  }
0x7b: {  	_ =	shalt  }
0x7c: {  	_ =	shalt  }
0x7d: {  	_ =	shalt  }
0x7e: {  	_ =	shalt  }
0x7f: {  	_ =	shalt  }
0x80: {  	_ =	shalt  }
0x81: {  	_ =	shalt  }
0x82: {  	_ =	shalt  }
0x83: {  	_ =	shalt  }
0x84: {  	_ =	shalt  }
0x85: {  	_ =	shalt  }
0x86: {  	_ =	shalt  }
0x87: {  	_ =	shalt  }
.Lfunc_end0:
.L_simem_size_0:
called_computation_lowered:
.L_overlay_start_0:
0x88: {  	s2 =	sld [smem:$0x3FD9]  }
0x89: {  	s3 =	sld [smem:$0x3FFE];
	_ =	sdelay $0x1  }
0x8a: {  	s1 =	srdreg.scid  }
0x8b: {  	s0 =	sand.u32 $0x1, s1  }
0x8c: {  	s16 =	sshll.u32 s0, $0xA;
	s2 =	sadd.s32 s3, s2  }
0x8d: {  	s2 =	sadd.s32 s2, s16  }
0x8e: {  	[smem:$0x3FC6] =	sst s2  }
0x8f: {  	_ = 	snop  }
0x90: {  	(tm) =	ssettm $0x1  }
0x91: {  	s17 =	sld [smem:$0x3FFB];
	_ =	sdelay $0x3  }
0x92: {  	_ =	strace s17  }
0x93: {  	s2 =	sld [smem:$0x3FFC];
	_ =	sdelay $0x3  }
0x94: {  	_ =	strace s2  }
0x95: {  	s2 =	sld [smem:$0x3FFD];
	_ =	sdelay $0x3  }
0x96: {  	_ =	strace s2  }
0x97: {  	_ =	strace $0x8FFFFFFF  }
0x98: {  	s18 =	sld [smem:$0x3FDB];
	_ =	sdelay $0x1  }
0x99: {  	s19 =	simm.s32 $_scs_section_size  }
0x9a: {  	s4 =	simm.s32 $_size__tile_overlayer_lowered;
	s5 =	simm.s32 $_tile_overlayer_lowered  }
0x9b: {  	s22 =	simm.s32 $0x1BFF;
	s21 =	sshll.u32 s5, $0x1;
	s2 =	sadd.s32 s19, s18  }
0x9c: {  	s6 =	simm.s32 $0x0;
	s20 =	sshll.u32 s4, $0x1;
	s4 =	sadd.s32 s21, s2  }
0x9d: {  	[timem:s6], [sflag:s22] =	dma.local [hbm:s4], s20  }
0x9e: {  	_ =	swait.ge [sflag:s22], s20  }
0x9f: {  	s3 =	ssub.s32 $0x0, s20;
	[sflag:s22] =	ssyncset.done $0x0  }
0xa0: {  	[sflag:s22] =	ssyncadd.s32 s3;
	_ =	sdelay $0x1  }
0xa1: {  	s23 =	simm.s32 $0x1B8B  }
0xa2: {  	_ =	swait.ge [sflag:s23], $0x1  }
0xa3: {  	[sflag:s23] =	ssyncset.done $0x0  }
0xa4: {  	s25 =	simm.s32 $0x1B8E;
	s24 =	sld [smem:$0x3FFE];
	[sflag:s23] =	ssyncadd.s32 $0xFFFFFFFF  }
0xa5: {  	s26 =	simm.s32 $execute0_lowered;
	[smem:$0x3FD2] =	sst s25  }
0xa6: {  	s4 =	sshll.u32 s26, $0x1;
	_ =	strace $0x80000046;
	[dreg:$0x1] =	wrdreg $0xFFFFFFFF  }
0xa7: {  	s28 =	simm.s32 $_size_execute0_lowered;
	s2 =	sadd.s32 s2, s4;
	[dreg:$0x0] =	wrdreg $0x0  }
0xa8: {  	s4 =	sshll.u32 s28, $0x1;
	[dreg:$0x2] =	wrdreg s2  }
0xa9: {  	[dreg:$0x3] =	wrdreg s4  }
0xaa: {  	[dreg:$0x4] =	wrdreg $0xC0  }
0xab: {  	_ =	task [dreg:s6], $0x5FFFF  }
0xac: {  	[dreg:$0x1] =	wrdreg $0xFFFFFFFF  }
0xad: {  	[dreg:$0x0] =	wrdreg $0x60  }
0xae: {  	[dreg:$0x2] =	wrdreg s24  }
0xaf: {  	[dreg:$0x3] =	wrdreg $0x9  }
0xb0: {  	_ =	task.clear_ibuf [dreg:s6], $0x4FFFF;
	_ =	strace $0x90000046  }
0xb1: {  	s29 =	simm.s32 $0x9;
	_ =	strace $0x80000048  }
0xb2: {  	_ =	swait.ge [sflag:s29], $0x1  }
0xb3: {  	[sflag:s29] =	ssyncadd.s32 $0xFFFFFFFF  }
0xb4: {  	_ =	strace $0x90000048  }
0xb5: {  	_ =	sfence  }
0xb6: {  	s30 =	sld [smem:$0x0];
	_ =	sdelay $0x2  }
0xb7: {  	s31 =	sshll.u32 s1, $0xD;
	s1 =	sshrl.u32 s1, $0x2  }
0xb8: {  	s3 =	sand.u32 $0x4000, s31;
	s1 =	sadd.s32 s1, s30  }
0xb9: {  	s0 =	sor.u32 s3, s0;
	s1 =	sshll.u32 s1, $0x11  }
0xba: {  	s0 =	sor.u32 s1, s0  }
0xbb: {  	s0 =	sadd.s32 $0x8F2B, s0  }
0xbc: {  	[sflag:s0] =	ssyncadd.remote.s32 $0x1  }
0xbd: {  	_ =	sfence.sel $0xFFFF  }
0xbe: {  	[dreg:$0x0] =	wrdreg $0xFFFFFFFF;
	(pc) =	sbr.abs _section_cstart, $3  }
0xbf: {  	[dreg:$0x1] =	wrdreg $0xFFFFFFFF  }
0xc0: {  	_ =	task.clear_ibuf [dreg:s6], $0x2FFFF;
	_ =	strace $0x9FFFFFFF  }
0xc1: {  	(tm) =	ssettm $0x7FFFFFFF  }
tec
execute0_lowered:
.L_overlay_start_1:
0x0: {  	(tag) =	ssettag $0x1  }
0x1: {  	s1 =	srdreg.scid  }
0x2: {  	s0 =	stileid.u32;
	s5 =	rddreg [dreg:$0x0];
	s6 =	sand.u32 $0x1, s1  }
0x3: {  	s2 =	simm.s32 $0x0;
	s3 =	sshll.u32 s0, $0xD;
	s4 =	sshll.u32 s6, $0xC  }
0x4: {  	[smem:$0x7FF] =	sst s2;
	s3 =	sor.u32 s4, s3  }
0x5: {  	s1 =	rddreg [dreg:$0x1];
	_ =	strace $0x80000047;
	s8 =	sadd.s32 s3, s5  }
0x6: {  	s9 =	ssub.s32 $0x2, s6;
	s3 =	simm.s32 $0x2;
	s4 =	sadd.s32 $0x800, s8  }
0x7: {  	[tilespmem:s2], [sflag:$0x2] =	stream.linear.gather [hbm4b:s4+s2], $0x8000, $0x38;
	[tilespmem:$0x10000] =	vst v63  }
0x8: {  	s7 =	simm.s32 $0x1;
	s10 =	sshrl.u32 s9, $0x1;
	_ =	swait.ge [sflag:s3], $0x8000  }
0x9: {  	s6 =	simm.s32 $0x8000;
	s9 =	ssub.s32 s9, s10;
	[sflag:s3] =	ssyncset.done $0x0  }
0xa: {  	s5 =	sadd.s32 $0x20800, s5;
	s9 =	smax.u32 s9, $0x1;
	[sflag:s3] =	ssyncadd.s32 $0xFFFF8000  }
0xb: {  	[tilespmem:s6], [sflag:$0x1] =	stream.indirect.gather [hbm4b:s5+s6], $0x1, s2, s6, $0xb8;
	[tilespmem:$0x10000] =	vst v63  }
0xc: {  	p0 =	sne.s32 s9, $0x1;
	_ =	swait.ge [sflag:s7], $0x8000  }
.Ltmp0:
0xd: {  	[sflag:s7] =	ssyncset.done $0x0;
	(pc) =	sbr.rel @!p0 .LBB2_2-.Ltmp0, $4  }
0xe: {  	s8 =	sadd.s32 $0x40A00, s8;
	[sflag:s7] =	ssyncadd.s32 $0xFFFF8000  }
0xf: {  	[hbm4b:s8+s2] =	stream.linear.scatter [tilespmem:s6], [sflag:$0x2], $0x8000, $0x38;
	[tilespmem:$0x10000] =	vst v63  }
0x10: {  	_ =	swait.ge [sflag:s3], $0x8000  }
0x11: {  	s9 =	sadd.s32 $0xFFFFFFFF, s9;
	[sflag:s3] =	ssyncset.done $0x0  }
.LBB2_1:
0x12: {  	p0 =	sne.s32 s9, $0x1;
	s9 =	sadd.s32 $0xFFFFFFFF, s9;
	[sflag:s3] =	ssyncadd.s32 $0xFFFF8000  }
0x13: {  	[tilespmem:s2], [sflag:$0x2] =	stream.linear.gather [hbm4b:s4+s2], $0x8000, $0x38;
	[tilespmem:$0x10000] =	vst v63  }
0x14: {  	_ =	swait.ge [sflag:s3], $0x8000  }
0x15: {  	[sflag:s3] =	ssyncset.done $0x0  }
0x16: {  	[sflag:s3] =	ssyncadd.s32 $0xFFFF8000  }
0x17: {  	[tilespmem:s6], [sflag:$0x1] =	stream.indirect.gather [hbm4b:s5+s6], $0x1, s2, s6, $0xb8;
	[tilespmem:$0x10000] =	vst v63  }
0x18: {  	_ =	swait.ge [sflag:s7], $0x8000  }
.Ltmp1:
0x19: {  	[sflag:s7] =	ssyncset.done $0x0;
	(pc) =	sbr.rel @p0 .LBB2_1-.Ltmp1, $4  }
0x1a: {  	[sflag:s7] =	ssyncadd.s32 $0xFFFF8000  }
0x1b: {  	[hbm4b:s8+s2] =	stream.linear.scatter [tilespmem:s6], [sflag:$0x2], $0x8000, $0x38;
	[tilespmem:$0x10000] =	vst v63  }
0x1c: {  	_ =	swait.ge [sflag:s3], $0x8000  }
0x1d: {  	[sflag:s3] =	ssyncset.done $0x0  }
.LBB2_2:
0x1e: {  	[sflag:s3] =	ssyncadd.s32 $0xFFFF8000  }
0x1f: {  	_ =	sfence.sel $0x180000  }
0x20: {  	[bflag:$0x0] =	sbarrier.arrive $0xFFFF  }
0x21: {  	p0 =	sne.s32 s0, $0x0;
	_ =	strace $0x90000047  }
0x22: {  	s0 =	sadd.s32 @!p0 $0x100000, s1;
	[bflag:$0x2] =	sbarrier.arrive $0xFFFF  }
0x23: {  	[sflag:s0] =	ssyncadd.tile.s32 @!p0 $0x1;
	_ =	shalt  }
.Lfunc_end2:
_tile_overlayer_lowered:
.L_overlay_start_2:
0x24: {  	(tag) =	ssettag $0x2  }
0x25: {  	s0 =	rddreg [dreg:$0x0];
	s2 =	stileid.u32  }
0x26: {  	s1 =	rddreg [dreg:$0x1];
	p0 =	sne.s32 s2, $0x0  }
0x27: {  	s3 =	rddreg [dreg:$0x2];
	[bflag:$0x3] =	sbarrier.arrive $0xFFFF;
	s2 =	simm.s32 @!p0 $0x1C02  }
0x28: {  	[timem:s3], [sflag:s2] =	dma.local @!p0 [hbm:s0], s1  }
0x29: {  	s0 =	simm.s32 @!p0 $0x2  }
0x2a: {  	_ =	swait.ge @!p0 [sflag:s0], s1  }
0x2b: {  	s1 =	ssub.s32 @!p0 $0x0, s1;
	[sflag:s0] =	ssyncset.done @!p0 $0x0  }
0x2c: {  	[sflag:s0] =	ssyncadd.s32 @!p0 s1  }
0x2d: {  	[bflag:$0x3] =	sbarrier.arrive $0xFFFF  }
0x2e: {  	_ =	shalt  }

</sc_bundles>
